<compile_context>
chip_gen: v7x
topology: tpu7x:2x2x1
jax: 0.10.2.dev20260603
libtpu: 0.0.44.dev20260713+nightly
codegen_flags: <defaults>
</compile_context>

<pallas_src>
import functools

import jax
import jax.numpy as jnp
from jax import lax
from jax.experimental import pallas as pl
import jax.experimental.pallas.tpu as pltpu
from jax.experimental.pallas import tpu_sc as plsc

E = 64
TOP_K = 2
D_MODEL = 128
BATCH = 64
SEQ_LEN = 4096

S_TC = 2560
S_SC = SEQ_LEN - S_TC

B_BLK = 8
N_BBLKS = BATCH // B_BLK


def _tc_sum_kernel(x_ref, out_ref):
    out_ref[...] = jnp.sum(x_ref[...], axis=1)


NUM_CORES = 2
NUM_SUBCORES = 16
NW = NUM_CORES * NUM_SUBCORES
ROWS_PER_W = BATCH // NW
CH = 384
NCH = S_SC // CH
TOTAL_CH = ROWS_PER_W * NCH
N_VREG = D_MODEL // 16


def _sc_sum_body(x_hbm, out_hbm, buf0, buf1, acc_v, sem0, sem1):
    c = lax.axis_index("c")
    s = lax.axis_index("s")
    w = s * NUM_CORES + c
    row0 = w * ROWS_PER_W
    bufs = (buf0, buf1)
    sems = (sem0, sem1)

    def chunk_src(k):
        r = k // NCH
        cc = k % NCH
        off = (row0 + r) * SEQ_LEN + S_TC + cc * CH
        return x_hbm.at[pl.ds(off, CH)]

    pltpu.make_async_copy(chunk_src(0), bufs[0], sems[0]).start()

    for r in range(ROWS_PER_W):
        accs = tuple(jnp.zeros((16,), jnp.float32) for _ in range(N_VREG))
        for cc in range(NCH):
            k = r * NCH + cc
            if k + 1 < TOTAL_CH:
                kb = (k + 1) % 2
                pltpu.make_async_copy(chunk_src(k + 1), bufs[kb], sems[kb]).start()
            buf = bufs[k % 2]
            pltpu.make_async_copy(chunk_src(k), buf, sems[k % 2]).wait()

            def body(si, a, _buf=buf):
                return tuple(
                    a[j] + _buf[si, j * 16 : (j + 1) * 16] for j in range(N_VREG)
                )

            accs = lax.fori_loop(0, CH, body, accs, unroll=4)
        for j in range(N_VREG):
            acc_v[r, j * 16 : (j + 1) * 16] = accs[j]
    pltpu.sync_copy(acc_v, out_hbm.at[w])


_sc_sum = functools.partial(
    pl.kernel,
    out_type=jax.ShapeDtypeStruct((NW, ROWS_PER_W, D_MODEL), jnp.float32),
    mesh=plsc.VectorSubcoreMesh(
        core_axis_name="c",
        subcore_axis_name="s",
        num_cores=NUM_CORES,
        num_subcores=NUM_SUBCORES,
    ),
    scratch_types=[
        pltpu.VMEM((CH, D_MODEL), jnp.float32),
        pltpu.VMEM((CH, D_MODEL), jnp.float32),
        pltpu.VMEM((ROWS_PER_W, D_MODEL), jnp.float32),
        pltpu.SemaphoreType.DMA,
        pltpu.SemaphoreType.DMA,
    ],
)(_sc_sum_body)


def _combine_kernel(ptc_ref, psc_ref, c_ref, scores_out_ref, idx_out_ref):
    q = (ptc_ref[...] + psc_ref[...]) * (1.0 / SEQ_LEN)
    qn = jnp.sqrt(jnp.sum(q * q, axis=1, keepdims=True))
    q = q / jnp.maximum(qn, 1e-12)

    c = c_ref[...]
    cn = jnp.sqrt(jnp.sum(c * c, axis=1, keepdims=True))
    c = c / jnp.maximum(cn, 1e-12)

    scores = jax.lax.dot_general(
        q, c, (((1,), (1,)), ((), ())), preferred_element_type=jnp.float32
    )

    iota = jax.lax.broadcasted_iota(jnp.int32, (BATCH, E), 1)
    m1 = jnp.max(scores, axis=1, keepdims=True)
    i1 = jnp.min(
        jnp.where(scores == m1, iota, jnp.int32(2**30)), axis=1, keepdims=True
    )
    masked = jnp.where(iota == i1, -jnp.inf, scores)
    m2 = jnp.max(masked, axis=1, keepdims=True)
    i2 = jnp.min(
        jnp.where(masked == m2, iota, jnp.int32(2**30)), axis=1, keepdims=True
    )

    scores_out_ref[:, 0:1] = m1
    scores_out_ref[:, 1:2] = m2
    idx_out_ref[:, 0:1] = i1
    idx_out_ref[:, 1:2] = i2


@jax.jit
def kernel(x, centroids):
    p_sc = _sc_sum(x.reshape(BATCH * SEQ_LEN, D_MODEL))
    p_sc = p_sc.reshape(BATCH, D_MODEL)

    p_tc = pl.pallas_call(
        _tc_sum_kernel,
        grid=(N_BBLKS,),
        in_specs=[pl.BlockSpec((B_BLK, S_TC, D_MODEL), lambda i: (i, 0, 0))],
        out_specs=pl.BlockSpec((B_BLK, D_MODEL), lambda i: (i, 0)),
        out_shape=jax.ShapeDtypeStruct((BATCH, D_MODEL), jnp.float32),
        compiler_params=pltpu.CompilerParams(
            dimension_semantics=("arbitrary",),
        ),
    )(x)

    top_scores, top_idx = pl.pallas_call(
        _combine_kernel,
        out_shape=[
            jax.ShapeDtypeStruct((BATCH, TOP_K), jnp.float32),
            jax.ShapeDtypeStruct((BATCH, TOP_K), jnp.int32),
        ],
    )(p_tc, p_sc, centroids)
    return top_scores, top_idx

# --- scband reference (transcript-rebuilt; emitter-appended) ---
"""Pipeline reference for scband-lazy-router-83571473645703 (READ-ONLY COPY).

The authoritative reference and input builder live on the scoring server;
editing this copy changes nothing except your own understanding.
"""

import jax, jax.numpy as jnp
import numpy as np

E = 64
TOP_K = 2
D_MODEL = 128
BATCH = 64
SEQ_LEN = 4096


def _normalize(v, axis=-1, eps=1e-12):
    # Faithful to torch.nn.functional.normalize: v / max(||v||, eps)
    n = jnp.linalg.norm(v, axis=axis, keepdims=True)
    return v / jnp.maximum(n, eps)


def setup_inputs(seed: int = 0) -> dict:
    key = jax.random.key(seed)
    k1, k2 = jax.random.split(key)
    x = jax.random.normal(k1, (BATCH, SEQ_LEN, D_MODEL), dtype=jnp.float32)
    # Materialized centroid cache: torch module stacks E cached 128-dim
    # centroids (one per live expert) in insertion order at rebuild().
    centroids = jax.random.normal(k2, (E, D_MODEL), dtype=jnp.float32)
    return {"x": x, "centroids": centroids}


def reference(x, centroids):
    # q = F.normalize(x.mean(dim=1), dim=-1)
    q = _normalize(x.mean(axis=1))
    # c_normed = F.normalize(centroids, dim=-1)
    c_normed = _normalize(centroids)
    # scores = q @ c_normed.T
    scores = q @ c_normed.T
    # top_scores, top_idx = scores.topk(min(top_k, E), dim=-1)
    top_scores, top_idx = jax.lax.top_k(scores, min(TOP_K, E))
    return top_scores, top_idx

if __name__ == "__main__":
    import jax
    _d = setup_inputs()
    print(jax.jit(kernel)(*tuple(_d.values())))

</pallas_src>

<mosaic_0001>
#map = affine_map<(d0, d1) -> (0, 0)>
#map1 = affine_map<(d0, d1) -> (0, 0, 0)>
module attributes {stable_mosaic.version = 14 : i64} {
  func.func @_sc_sum_body(%arg0: i32, %arg1: i32, %arg2: memref<262144x128xf32, #tpu.memory_space<hbm>>, %arg3: memref<32x2x128xf32, #tpu.memory_space<hbm>>, %arg4: memref<384x128xf32, #tpu.memory_space<vmem>>, %arg5: memref<384x128xf32, #tpu.memory_space<vmem>>, %arg6: memref<2x128xf32, #tpu.memory_space<vmem>>, %arg7: memref<!tpu.dma_semaphore, #tpu.memory_space<semaphore_mem>>, %arg8: memref<!tpu.dma_semaphore, #tpu.memory_space<semaphore_mem>>) attributes {dimension_semantics = [#tpu.dimension_semantics<core_parallel>, #tpu.dimension_semantics<subcore_parallel>], iteration_bounds = array<i64: 2, 16>, scalar_prefetch = 0 : i64, scratch_operands = 5 : i64, tpu.core_type = #tpu.core_type<sc_vector_subcore>, window_params = [{transform_indices = #map}, {transform_indices = #map1}]} {
    %mul3A = arith.constant 2 : i32
    %mul3A_0 = arith.muli %arg1, %mul3A : i32
    %add3A = arith.addi %mul3A_0, %arg0 : i32
    %mul3A_1 = arith.constant 2 : i32
    %mul3A_2 = arith.muli %add3A, %mul3A_1 : i32
    %add3A_3 = arith.constant 0 : i32
    %add3A_4 = arith.addi %mul3A_2, %add3A_3 : i32
    %mul3A_5 = arith.constant 4096 : i32
    %mul3A_6 = arith.muli %add3A_4, %mul3A_5 : i32
    %add3A_7 = arith.constant 2560 : i32
    %add3A_8 = arith.addi %mul3A_6, %add3A_7 : i32
    %add3A_9 = arith.constant 0 : i32
    %add3A_10 = arith.addi %add3A_8, %add3A_9 : i32
    %dma_start3A = arith.constant 0 : i32
    %dma_start3A_11 = tpu.memref_slice %arg2[%add3A_10, %dma_start3A] : memref<262144x128xf32, #tpu.memory_space<hbm>> -> memref<384x128xf32, #tpu.memory_space<hbm>>
    %dma_start3A_12 = arith.constant 0 : i32
    %dma_start3A_13 = tpu.memref_slice %arg2[%add3A_10, %dma_start3A_12] : memref<262144x128xf32, #tpu.memory_space<hbm>> -> memref<384x128xf32, #tpu.memory_space<hbm>>
    tpu.enqueue_dma source(%dma_start3A_13 : memref<384x128xf32, #tpu.memory_space<hbm>>) target(%arg4 : memref<384x128xf32, #tpu.memory_space<vmem>>) target_semaphore(%arg7 : memref<!tpu.dma_semaphore, #tpu.memory_space<semaphore_mem>>)
    %broadcast_in_dim3A = arith.constant 0.000000e+00 : f32
    %broadcast_in_dim3A_14 = vector.broadcast %broadcast_in_dim3A : f32 to vector<16xf32>
    %broadcast_in_dim3A_15 = arith.constant 0.000000e+00 : f32
    %broadcast_in_dim3A_16 = vector.broadcast %broadcast_in_dim3A_15 : f32 to vector<16xf32>
    %broadcast_in_dim3A_17 = arith.constant 0.000000e+00 : f32
    %broadcast_in_dim3A_18 = vector.broadcast %broadcast_in_dim3A_17 : f32 to vector<16xf32>
    %broadcast_in_dim3A_19 = arith.constant 0.000000e+00 : f32
    %broadcast_in_dim3A_20 = vector.broadcast %broadcast_in_dim3A_19 : f32 to vector<16xf32>
    %broadcast_in_dim3A_21 = arith.constant 0.000000e+00 : f32
    %broadcast_in_dim3A_22 = vector.broadcast %broadcast_in_dim3A_21 : f32 to vector<16xf32>
    %broadcast_in_dim3A_23 = arith.constant 0.000000e+00 : f32
    %broadcast_in_dim3A_24 = vector.broadcast %broadcast_in_dim3A_23 : f32 to vector<16xf32>
    %broadcast_in_dim3A_25 = arith.constant 0.000000e+00 : f32
    %broadcast_in_dim3A_26 = vector.broadcast %broadcast_in_dim3A_25 : f32 to vector<16xf32>
    %broadcast_in_dim3A_27 = arith.constant 0.000000e+00 : f32
    %broadcast_in_dim3A_28 = vector.broadcast %broadcast_in_dim3A_27 : f32 to vector<16xf32>
    %add3A_29 = arith.constant 0 : i32
    %add3A_30 = arith.addi %mul3A_2, %add3A_29 : i32
    %mul3A_31 = arith.constant 4096 : i32
    %mul3A_32 = arith.muli %add3A_30, %mul3A_31 : i32
    %add3A_33 = arith.constant 2560 : i32
    %add3A_34 = arith.addi %mul3A_32, %add3A_33 : i32
    %add3A_35 = arith.constant 384 : i32
    %add3A_36 = arith.addi %add3A_34, %add3A_35 : i32
    %dma_start3A_37 = arith.constant 0 : i32
    %dma_start3A_38 = tpu.memref_slice %arg2[%add3A_36, %dma_start3A_37] : memref<262144x128xf32, #tpu.memory_space<hbm>> -> memref<384x128xf32, #tpu.memory_space<hbm>>
    %dma_start3A_39 = arith.constant 0 : i32
    %dma_start3A_40 = tpu.memref_slice %arg2[%add3A_36, %dma_start3A_39] : memref<262144x128xf32, #tpu.memory_space<hbm>> -> memref<384x128xf32, #tpu.memory_space<hbm>>
    tpu.enqueue_dma source(%dma_start3A_40 : memref<384x128xf32, #tpu.memory_space<hbm>>) target(%arg5 : memref<384x128xf32, #tpu.memory_space<vmem>>) target_semaphore(%arg8 : memref<!tpu.dma_semaphore, #tpu.memory_space<semaphore_mem>>)
    %add3A_41 = arith.constant 0 : i32
    %add3A_42 = arith.addi %mul3A_2, %add3A_41 : i32
    %mul3A_43 = arith.constant 4096 : i32
    %mul3A_44 = arith.muli %add3A_42, %mul3A_43 : i32
    %add3A_45 = arith.constant 2560 : i32
    %add3A_46 = arith.addi %mul3A_44, %add3A_45 : i32
    %add3A_47 = arith.constant 0 : i32
    %add3A_48 = arith.addi %add3A_46, %add3A_47 : i32
    %dma_wait3A = arith.constant 0 : i32
    %dma_wait3A_49 = tpu.memref_slice %arg2[%add3A_48, %dma_wait3A] : memref<262144x128xf32, #tpu.memory_space<hbm>> -> memref<384x128xf32, #tpu.memory_space<hbm>>
    %dma_wait3A_50 = arith.constant 0 : i32
    %dma_wait3A_51 = tpu.memref_slice %arg2[%add3A_48, %dma_wait3A_50] : memref<262144x128xf32, #tpu.memory_space<hbm>> -> memref<384x128xf32, #tpu.memory_space<hbm>>
    tpu.wait_dma2 semaphore(%arg7 : memref<!tpu.dma_semaphore, #tpu.memory_space<semaphore_mem>>) src(%dma_wait3A_51 : memref<384x128xf32, #tpu.memory_space<hbm>>) dst(%arg4 : memref<384x128xf32, #tpu.memory_space<vmem>>)
    %scan3A = arith.constant 0 : i32
    %scan3A_52 = arith.constant 384 : i32
    %scan3A_53 = arith.addi %scan3A, %scan3A_52 : i32
    %scan3A_54 = arith.constant 4 : i32
    %scan3A_55:8 = scf.for %scan3A_366 = %scan3A to %scan3A_53 step %scan3A_54 iter_args(%scan3A_367 = %broadcast_in_dim3A_14, %scan3A_368 = %broadcast_in_dim3A_16, %scan3A_369 = %broadcast_in_dim3A_18, %scan3A_370 = %broadcast_in_dim3A_20, %scan3A_371 = %broadcast_in_dim3A_22, %scan3A_372 = %broadcast_in_dim3A_24, %scan3A_373 = %broadcast_in_dim3A_26, %scan3A_374 = %broadcast_in_dim3A_28) -> (vector<16xf32>, vector<16xf32>, vector<16xf32>, vector<16xf32>, vector<16xf32>, vector<16xf32>, vector<16xf32>, vector<16xf32>)  : i32 {
      %get3A = arith.index_cast %scan3A_366 : i32 to index
      %get3A_375 = arith.constant 0 : index
      %get3A_376 = tpu.vector_load %arg4[%get3A, %get3A_375] {strides = array<i32>} : memref<384x128xf32, #tpu.memory_space<vmem>>, vector<1x16xf32>,
      %get3A_377 = vector.shape_cast %get3A_376 : vector<1x16xf32> to vector<16xf32>
      %add3A_378 = arith.addf %scan3A_367, %get3A_377 : vector<16xf32>
      %get3A_379 = arith.index_cast %scan3A_366 : i32 to index
      %get3A_380 = arith.constant 16 : index
      %get3A_381 = tpu.vector_load %arg4[%get3A_379, %get3A_380] {strides = array<i32>} : memref<384x128xf32, #tpu.memory_space<vmem>>, vector<1x16xf32>,
      %get3A_382 = vector.shape_cast %get3A_381 : vector<1x16xf32> to vector<16xf32>
      %add3A_383 = arith.addf %scan3A_368, %get3A_382 : vector<16xf32>
      %get3A_384 = arith.index_cast %scan3A_366 : i32 to index
      %get3A_385 = arith.constant 32 : index
      %get3A_386 = tpu.vector_load %arg4[%get3A_384, %get3A_385] {strides = array<i32>} : memref<384x128xf32, #tpu.memory_space<vmem>>, vector<1x16xf32>,
      %get3A_387 = vector.shape_cast %get3A_386 : vector<1x16xf32> to vector<16xf32>
      %add3A_388 = arith.addf %scan3A_369, %get3A_387 : vector<16xf32>
      %get3A_389 = arith.index_cast %scan3A_366 : i32 to index
      %get3A_390 = arith.constant 48 : index
      %get3A_391 = tpu.vector_load %arg4[%get3A_389, %get3A_390] {strides = array<i32>} : memref<384x128xf32, #tpu.memory_space<vmem>>, vector<1x16xf32>,
      %get3A_392 = vector.shape_cast %get3A_391 : vector<1x16xf32> to vector<16xf32>
      %add3A_393 = arith.addf %scan3A_370, %get3A_392 : vector<16xf32>
      %get3A_394 = arith.index_cast %scan3A_366 : i32 to index
      %get3A_395 = arith.constant 64 : index
      %get3A_396 = tpu.vector_load %arg4[%get3A_394, %get3A_395] {strides = array<i32>} : memref<384x128xf32, #tpu.memory_space<vmem>>, vector<1x16xf32>,
      %get3A_397 = vector.shape_cast %get3A_396 : vector<1x16xf32> to vector<16xf32>
      %add3A_398 = arith.addf %scan3A_371, %get3A_397 : vector<16xf32>
      %get3A_399 = arith.index_cast %scan3A_366 : i32 to index
      %get3A_400 = arith.constant 80 : index
      %get3A_401 = tpu.vector_load %arg4[%get3A_399, %get3A_400] {strides = array<i32>} : memref<384x128xf32, #tpu.memory_space<vmem>>, vector<1x16xf32>,
      %get3A_402 = vector.shape_cast %get3A_401 : vector<1x16xf32> to vector<16xf32>
      %add3A_403 = arith.addf %scan3A_372, %get3A_402 : vector<16xf32>
      %get3A_404 = arith.index_cast %scan3A_366 : i32 to index
      %get3A_405 = arith.constant 96 : index
      %get3A_406 = tpu.vector_load %arg4[%get3A_404, %get3A_405] {strides = array<i32>} : memref<384x128xf32, #tpu.memory_space<vmem>>, vector<1x16xf32>,
      %get3A_407 = vector.shape_cast %get3A_406 : vector<1x16xf32> to vector<16xf32>
      %add3A_408 = arith.addf %scan3A_373, %get3A_407 : vector<16xf32>
      %get3A_409 = arith.index_cast %scan3A_366 : i32 to index
      %get3A_410 = arith.constant 112 : index
      %get3A_411 = tpu.vector_load %arg4[%get3A_409, %get3A_410] {strides = array<i32>} : memref<384x128xf32, #tpu.memory_space<vmem>>, vector<1x16xf32>,
      %get3A_412 = vector.shape_cast %get3A_411 : vector<1x16xf32> to vector<16xf32>
      %add3A_413 = arith.addf %scan3A_374, %get3A_412 : vector<16xf32>
      %scan3A_414 = arith.constant 1 : i32
      %scan3A_415 = arith.addi %scan3A_366, %scan3A_414 : i32
      %get3A_416 = arith.index_cast %scan3A_415 : i32 to index
      %get3A_417 = arith.constant 0 : index
      %get3A_418 = tpu.vector_load %arg4[%get3A_416, %get3A_417] {strides = array<i32>} : memref<384x128xf32, #tpu.memory_space<vmem>>, vector<1x16xf32>,
      %get3A_419 = vector.shape_cast %get3A_418 : vector<1x16xf32> to vector<16xf32>
      %add3A_420 = arith.addf %add3A_378, %get3A_419 : vector<16xf32>
      %get3A_421 = arith.index_cast %scan3A_415 : i32 to index
      %get3A_422 = arith.constant 16 : index
      %get3A_423 = tpu.vector_load %arg4[%get3A_421, %get3A_422] {strides = array<i32>} : memref<384x128xf32, #tpu.memory_space<vmem>>, vector<1x16xf32>,
      %get3A_424 = vector.shape_cast %get3A_423 : vector<1x16xf32> to vector<16xf32>
      %add3A_425 = arith.addf %add3A_383, %get3A_424 : vector<16xf32>
      %get3A_426 = arith.index_cast %scan3A_415 : i32 to index
      %get3A_427 = arith.constant 32 : index
      %get3A_428 = tpu.vector_load %arg4[%get3A_426, %get3A_427] {strides = array<i32>} : memref<384x128xf32, #tpu.memory_space<vmem>>, vector<1x16xf32>,
      %get3A_429 = vector.shape_cast %get3A_428 : vector<1x16xf32> to vector<16xf32>
      %add3A_430 = arith.addf %add3A_388, %get3A_429 : vector<16xf32>
      %get3A_431 = arith.index_cast %scan3A_415 : i32 to index
      %get3A_432 = arith.constant 48 : index
      %get3A_433 = tpu.vector_load %arg4[%get3A_431, %get3A_432] {strides = array<i32>} : memref<384x128xf32, #tpu.memory_space<vmem>>, vector<1x16xf32>,
      %get3A_434 = vector.shape_cast %get3A_433 : vector<1x16xf32> to vector<16xf32>
      %add3A_435 = arith.addf %add3A_393, %get3A_434 : vector<16xf32>
      %get3A_436 = arith.index_cast %scan3A_415 : i32 to index
      %get3A_437 = arith.constant 64 : index
      %get3A_438 = tpu.vector_load %arg4[%get3A_436, %get3A_437] {strides = array<i32>} : memref<384x128xf32, #tpu.memory_space<vmem>>, vector<1x16xf32>,
      %get3A_439 = vector.shape_cast %get3A_438 : vector<1x16xf32> to vector<16xf32>
      %add3A_440 = arith.addf %add3A_398, %get3A_439 : vector<16xf32>
      %get3A_441 = arith.index_cast %scan3A_415 : i32 to index
      %get3A_442 = arith.constant 80 : index
      %get3A_443 = tpu.vector_load %arg4[%get3A_441, %get3A_442] {strides = array<i32>} : memref<384x128xf32, #tpu.memory_space<vmem>>, vector<1x16xf32>,
      %get3A_444 = vector.shape_cast %get3A_443 : vector<1x16xf32> to vector<16xf32>
      %add3A_445 = arith.addf %add3A_403, %get3A_444 : vector<16xf32>
      %get3A_446 = arith.index_cast %scan3A_415 : i32 to index
      %get3A_447 = arith.constant 96 : index
      %get3A_448 = tpu.vector_load %arg4[%get3A_446, %get3A_447] {strides = array<i32>} : memref<384x128xf32, #tpu.memory_space<vmem>>, vector<1x16xf32>,
      %get3A_449 = vector.shape_cast %get3A_448 : vector<1x16xf32> to vector<16xf32>
      %add3A_450 = arith.addf %add3A_408, %get3A_449 : vector<16xf32>
      %get3A_451 = arith.index_cast %scan3A_415 : i32 to index
      %get3A_452 = arith.constant 112 : index
      %get3A_453 = tpu.vector_load %arg4[%get3A_451, %get3A_452] {strides = array<i32>} : memref<384x128xf32, #tpu.memory_space<vmem>>, vector<1x16xf32>,
      %get3A_454 = vector.shape_cast %get3A_453 : vector<1x16xf32> to vector<16xf32>
      %add3A_455 = arith.addf %add3A_413, %get3A_454 : vector<16xf32>
      %scan3A_456 = arith.constant 2 : i32
      %scan3A_457 = arith.addi %scan3A_366, %scan3A_456 : i32
      %get3A_458 = arith.index_cast %scan3A_457 : i32 to index
      %get3A_459 = arith.constant 0 : index
      %get3A_460 = tpu.vector_load %arg4[%get3A_458, %get3A_459] {strides = array<i32>} : memref<384x128xf32, #tpu.memory_space<vmem>>, vector<1x16xf32>,
      %get3A_461 = vector.shape_cast %get3A_460 : vector<1x16xf32> to vector<16xf32>
      %add3A_462 = arith.addf %add3A_420, %get3A_461 : vector<16xf32>
      %get3A_463 = arith.index_cast %scan3A_457 : i32 to index
      %get3A_464 = arith.constant 16 : index
      %get3A_465 = tpu.vector_load %arg4[%get3A_463, %get3A_464] {strides = array<i32>} : memref<384x128xf32, #tpu.memory_space<vmem>>, vector<1x16xf32>,
      %get3A_466 = vector.shape_cast %get3A_465 : vector<1x16xf32> to vector<16xf32>
      %add3A_467 = arith.addf %add3A_425, %get3A_466 : vector<16xf32>
      %get3A_468 = arith.index_cast %scan3A_457 : i32 to index
      %get3A_469 = arith.constant 32 : index
      %get3A_470 = tpu.vector_load %arg4[%get3A_468, %get3A_469] {strides = array<i32>} : memref<384x128xf32, #tpu.memory_space<vmem>>, vector<1x16xf32>,
      %get3A_471 = vector.shape_cast %get3A_470 : vector<1x16xf32> to vector<16xf32>
      %add3A_472 = arith.addf %add3A_430, %get3A_471 : vector<16xf32>
      %get3A_473 = arith.index_cast %scan3A_457 : i32 to index
      %get3A_474 = arith.constant 48 : index
      %get3A_475 = tpu.vector_load %arg4[%get3A_473, %get3A_474] {strides = array<i32>} : memref<384x128xf32, #tpu.memory_space<vmem>>, vector<1x16xf32>,
      %get3A_476 = vector.shape_cast %get3A_475 : vector<1x16xf32> to vector<16xf32>
      %add3A_477 = arith.addf %add3A_435, %get3A_476 : vector<16xf32>
      %get3A_478 = arith.index_cast %scan3A_457 : i32 to index
      %get3A_479 = arith.constant 64 : index
      %get3A_480 = tpu.vector_load %arg4[%get3A_478, %get3A_479] {strides = array<i32>} : memref<384x128xf32, #tpu.memory_space<vmem>>, vector<1x16xf32>,
      %get3A_481 = vector.shape_cast %get3A_480 : vector<1x16xf32> to vector<16xf32>
      %add3A_482 = arith.addf %add3A_440, %get3A_481 : vector<16xf32>
      %get3A_483 = arith.index_cast %scan3A_457 : i32 to index
      %get3A_484 = arith.constant 80 : index
      %get3A_485 = tpu.vector_load %arg4[%get3A_483, %get3A_484] {strides = array<i32>} : memref<384x128xf32, #tpu.memory_space<vmem>>, vector<1x16xf32>,
      %get3A_486 = vector.shape_cast %get3A_485 : vector<1x16xf32> to vector<16xf32>
      %add3A_487 = arith.addf %add3A_445, %get3A_486 : vector<16xf32>
      %get3A_488 = arith.index_cast %scan3A_457 : i32 to index
      %get3A_489 = arith.constant 96 : index
      %get3A_490 = tpu.vector_load %arg4[%get3A_488, %get3A_489] {strides = array<i32>} : memref<384x128xf32, #tpu.memory_space<vmem>>, vector<1x16xf32>,
      %get3A_491 = vector.shape_cast %get3A_490 : vector<1x16xf32> to vector<16xf32>
      %add3A_492 = arith.addf %add3A_450, %get3A_491 : vector<16xf32>
      %get3A_493 = arith.index_cast %scan3A_457 : i32 to index
      %get3A_494 = arith.constant 112 : index
      %get3A_495 = tpu.vector_load %arg4[%get3A_493, %get3A_494] {strides = array<i32>} : memref<384x128xf32, #tpu.memory_space<vmem>>, vector<1x16xf32>,
      %get3A_496 = vector.shape_cast %get3A_495 : vector<1x16xf32> to vector<16xf32>
      %add3A_497 = arith.addf %add3A_455, %get3A_496 : vector<16xf32>
      %scan3A_498 = arith.constant 3 : i32
      %scan3A_499 = arith.addi %scan3A_366, %scan3A_498 : i32
      %get3A_500 = arith.index_cast %scan3A_499 : i32 to index
      %get3A_501 = arith.constant 0 : index
      %get3A_502 = tpu.vector_load %arg4[%get3A_500, %get3A_501] {strides = array<i32>} : memref<384x128xf32, #tpu.memory_space<vmem>>, vector<1x16xf32>,
      %get3A_503 = vector.shape_cast %get3A_502 : vector<1x16xf32> to vector<16xf32>
      %add3A_504 = arith.addf %add3A_462, %get3A_503 : vector<16xf32>
      %get3A_505 = arith.index_cast %scan3A_499 : i32 to index
      %get3A_506 = arith.constant 16 : index
      %get3A_507 = tpu.vector_load %arg4[%get3A_505, %get3A_506] {strides = array<i32>} : memref<384x128xf32, #tpu.memory_space<vmem>>, vector<1x16xf32>,
      %get3A_508 = vector.shape_cast %get3A_507 : vector<1x16xf32> to vector<16xf32>
      %add3A_509 = arith.addf %add3A_467, %get3A_508 : vector<16xf32>
      %get3A_510 = arith.index_cast %scan3A_499 : i32 to index
      %get3A_511 = arith.constant 32 : index
      %get3A_512 = tpu.vector_load %arg4[%get3A_510, %get3A_511] {strides = array<i32>} : memref<384x128xf32, #tpu.memory_space<vmem>>, vector<1x16xf32>,
      %get3A_513 = vector.shape_cast %get3A_512 : vector<1x16xf32> to vector<16xf32>
      %add3A_514 = arith.addf %add3A_472, %get3A_513 : vector<16xf32>
      %get3A_515 = arith.index_cast %scan3A_499 : i32 to index
      %get3A_516 = arith.constant 48 : index
      %get3A_517 = tpu.vector_load %arg4[%get3A_515, %get3A_516] {strides = array<i32>} : memref<384x128xf32, #tpu.memory_space<vmem>>, vector<1x16xf32>,
      %get3A_518 = vector.shape_cast %get3A_517 : vector<1x16xf32> to vector<16xf32>
      %add3A_519 = arith.addf %add3A_477, %get3A_518 : vector<16xf32>
      %get3A_520 = arith.index_cast %scan3A_499 : i32 to index
      %get3A_521 = arith.constant 64 : index
      %get3A_522 = tpu.vector_load %arg4[%get3A_520, %get3A_521] {strides = array<i32>} : memref<384x128xf32, #tpu.memory_space<vmem>>, vector<1x16xf32>,
      %get3A_523 = vector.shape_cast %get3A_522 : vector<1x16xf32> to vector<16xf32>
      %add3A_524 = arith.addf %add3A_482, %get3A_523 : vector<16xf32>
      %get3A_525 = arith.index_cast %scan3A_499 : i32 to index
      %get3A_526 = arith.constant 80 : index
      %get3A_527 = tpu.vector_load %arg4[%get3A_525, %get3A_526] {strides = array<i32>} : memref<384x128xf32, #tpu.memory_space<vmem>>, vector<1x16xf32>,
      %get3A_528 = vector.shape_cast %get3A_527 : vector<1x16xf32> to vector<16xf32>
      %add3A_529 = arith.addf %add3A_487, %get3A_528 : vector<16xf32>
      %get3A_530 = arith.index_cast %scan3A_499 : i32 to index
      %get3A_531 = arith.constant 96 : index
      %get3A_532 = tpu.vector_load %arg4[%get3A_530, %get3A_531] {strides = array<i32>} : memref<384x128xf32, #tpu.memory_space<vmem>>, vector<1x16xf32>,
      %get3A_533 = vector.shape_cast %get3A_532 : vector<1x16xf32> to vector<16xf32>
      %add3A_534 = arith.addf %add3A_492, %get3A_533 : vector<16xf32>
      %get3A_535 = arith.index_cast %scan3A_499 : i32 to index
      %get3A_536 = arith.constant 112 : index
      %get3A_537 = tpu.vector_load %arg4[%get3A_535, %get3A_536] {strides = array<i32>} : memref<384x128xf32, #tpu.memory_space<vmem>>, vector<1x16xf32>,
      %get3A_538 = vector.shape_cast %get3A_537 : vector<1x16xf32> to vector<16xf32>
      %add3A_539 = arith.addf %add3A_497, %get3A_538 : vector<16xf32>
      scf.yield %add3A_504, %add3A_509, %add3A_514, %add3A_519, %add3A_524, %add3A_529, %add3A_534, %add3A_539 : vector<16xf32>, vector<16xf32>, vector<16xf32>, vector<16xf32>, vector<16xf32>, vector<16xf32>, vector<16xf32>, vector<16xf32>
    }
    %scan3A_56 = arith.constant 384 : i32
    %add3A_57 = arith.constant 0 : i32
    %add3A_58 = arith.addi %mul3A_2, %add3A_57 : i32
    %mul3A_59 = arith.constant 4096 : i32
    %mul3A_60 = arith.muli %add3A_58, %mul3A_59 : i32
    %add3A_61 = arith.constant 2560 : i32
    %add3A_62 = arith.addi %mul3A_60, %add3A_61 : i32
    %add3A_63 = arith.constant 768 : i32
    %add3A_64 = arith.addi %add3A_62, %add3A_63 : i32
    %dma_start3A_65 = arith.constant 0 : i32
    %dma_start3A_66 = tpu.memref_slice %arg2[%add3A_64, %dma_start3A_65] : memref<262144x128xf32, #tpu.memory_space<hbm>> -> memref<384x128xf32, #tpu.memory_space<hbm>>
    %dma_start3A_67 = arith.constant 0 : i32
    %dma_start3A_68 = tpu.memref_slice %arg2[%add3A_64, %dma_start3A_67] : memref<262144x128xf32, #tpu.memory_space<hbm>> -> memref<384x128xf32, #tpu.memory_space<hbm>>
    tpu.enqueue_dma source(%dma_start3A_68 : memref<384x128xf32, #tpu.memory_space<hbm>>) target(%arg4 : memref<384x128xf32, #tpu.memory_space<vmem>>) target_semaphore(%arg7 : memref<!tpu.dma_semaphore, #tpu.memory_space<semaphore_mem>>)
    %add3A_69 = arith.constant 0 : i32
    %add3A_70 = arith.addi %mul3A_2, %add3A_69 : i32
    %mul3A_71 = arith.constant 4096 : i32
    %mul3A_72 = arith.muli %add3A_70, %mul3A_71 : i32
    %add3A_73 = arith.constant 2560 : i32
    %add3A_74 = arith.addi %mul3A_72, %add3A_73 : i32
    %add3A_75 = arith.constant 384 : i32
    %add3A_76 = arith.addi %add3A_74, %add3A_75 : i32
    %dma_wait3A_77 = arith.constant 0 : i32
    %dma_wait3A_78 = tpu.memref_slice %arg2[%add3A_76, %dma_wait3A_77] : memref<262144x128xf32, #tpu.memory_space<hbm>> -> memref<384x128xf32, #tpu.memory_space<hbm>>
    %dma_wait3A_79 = arith.constant 0 : i32
    %dma_wait3A_80 = tpu.memref_slice %arg2[%add3A_76, %dma_wait3A_79] : memref<262144x128xf32, #tpu.memory_space<hbm>> -> memref<384x128xf32, #tpu.memory_space<hbm>>
    tpu.wait_dma2 semaphore(%arg8 : memref<!tpu.dma_semaphore, #tpu.memory_space<semaphore_mem>>) src(%dma_wait3A_80 : memref<384x128xf32, #tpu.memory_space<hbm>>) dst(%arg5 : memref<384x128xf32, #tpu.memory_space<vmem>>)
    %scan3A_81 = arith.constant 0 : i32
    %scan3A_82 = arith.constant 384 : i32
    %scan3A_83 = arith.addi %scan3A_81, %scan3A_82 : i32
    %scan3A_84 = arith.constant 4 : i32
    %scan3A_85:8 = scf.for %scan3A_366 = %scan3A_81 to %scan3A_83 step %scan3A_84 iter_args(%scan3A_367 = %scan3A_55#0, %scan3A_368 = %scan3A_55#1, %scan3A_369 = %scan3A_55#2, %scan3A_370 = %scan3A_55#3, %scan3A_371 = %scan3A_55#4, %scan3A_372 = %scan3A_55#5, %scan3A_373 = %scan3A_55#6, %scan3A_374 = %scan3A_55#7) -> (vector<16xf32>, vector<16xf32>, vector<16xf32>, vector<16xf32>, vector<16xf32>, vector<16xf32>, vector<16xf32>, vector<16xf32>)  : i32 {
      %get3A = arith.index_cast %scan3A_366 : i32 to index
      %get3A_375 = arith.constant 0 : index
      %get3A_376 = tpu.vector_load %arg5[%get3A, %get3A_375] {strides = array<i32>} : memref<384x128xf32, #tpu.memory_space<vmem>>, vector<1x16xf32>,
      %get3A_377 = vector.shape_cast %get3A_376 : vector<1x16xf32> to vector<16xf32>
      %add3A_378 = arith.addf %scan3A_367, %get3A_377 : vector<16xf32>
      %get3A_379 = arith.index_cast %scan3A_366 : i32 to index
      %get3A_380 = arith.constant 16 : index
      %get3A_381 = tpu.vector_load %arg5[%get3A_379, %get3A_380] {strides = array<i32>} : memref<384x128xf32, #tpu.memory_space<vmem>>, vector<1x16xf32>,
      %get3A_382 = vector.shape_cast %get3A_381 : vector<1x16xf32> to vector<16xf32>
      %add3A_383 = arith.addf %scan3A_368, %get3A_382 : vector<16xf32>
      %get3A_384 = arith.index_cast %scan3A_366 : i32 to index
      %get3A_385 = arith.constant 32 : index
      %get3A_386 = tpu.vector_load %arg5[%get3A_384, %get3A_385] {strides = array<i32>} : memref<384x128xf32, #tpu.memory_space<vmem>>, vector<1x16xf32>,
      %get3A_387 = vector.shape_cast %get3A_386 : vector<1x16xf32> to vector<16xf32>
      %add3A_388 = arith.addf %scan3A_369, %get3A_387 : vector<16xf32>
      %get3A_389 = arith.index_cast %scan3A_366 : i32 to index
      %get3A_390 = arith.constant 48 : index
      %get3A_391 = tpu.vector_load %arg5[%get3A_389, %get3A_390] {strides = array<i32>} : memref<384x128xf32, #tpu.memory_space<vmem>>, vector<1x16xf32>,
      %get3A_392 = vector.shape_cast %get3A_391 : vector<1x16xf32> to vector<16xf32>
      %add3A_393 = arith.addf %scan3A_370, %get3A_392 : vector<16xf32>
      %get3A_394 = arith.index_cast %scan3A_366 : i32 to index
      %get3A_395 = arith.constant 64 : index
      %get3A_396 = tpu.vector_load %arg5[%get3A_394, %get3A_395] {strides = array<i32>} : memref<384x128xf32, #tpu.memory_space<vmem>>, vector<1x16xf32>,
      %get3A_397 = vector.shape_cast %get3A_396 : vector<1x16xf32> to vector<16xf32>
      %add3A_398 = arith.addf %scan3A_371, %get3A_397 : vector<16xf32>
      %get3A_399 = arith.index_cast %scan3A_366 : i32 to index
      %get3A_400 = arith.constant 80 : index
      %get3A_401 = tpu.vector_load %arg5[%get3A_399, %get3A_400] {strides = array<i32>} : memref<384x128xf32, #tpu.memory_space<vmem>>, vector<1x16xf32>,
      %get3A_402 = vector.shape_cast %get3A_401 : vector<1x16xf32> to vector<16xf32>
      %add3A_403 = arith.addf %scan3A_372, %get3A_402 : vector<16xf32>
      %get3A_404 = arith.index_cast %scan3A_366 : i32 to index
      %get3A_405 = arith.constant 96 : index
      %get3A_406 = tpu.vector_load %arg5[%get3A_404, %get3A_405] {strides = array<i32>} : memref<384x128xf32, #tpu.memory_space<vmem>>, vector<1x16xf32>,
      %get3A_407 = vector.shape_cast %get3A_406 : vector<1x16xf32> to vector<16xf32>
      %add3A_408 = arith.addf %scan3A_373, %get3A_407 : vector<16xf32>
      %get3A_409 = arith.index_cast %scan3A_366 : i32 to index
      %get3A_410 = arith.constant 112 : index
      %get3A_411 = tpu.vector_load %arg5[%get3A_409, %get3A_410] {strides = array<i32>} : memref<384x128xf32, #tpu.memory_space<vmem>>, vector<1x16xf32>,
      %get3A_412 = vector.shape_cast %get3A_411 : vector<1x16xf32> to vector<16xf32>
      %add3A_413 = arith.addf %scan3A_374, %get3A_412 : vector<16xf32>
      %scan3A_414 = arith.constant 1 : i32
      %scan3A_415 = arith.addi %scan3A_366, %scan3A_414 : i32
      %get3A_416 = arith.index_cast %scan3A_415 : i32 to index
      %get3A_417 = arith.constant 0 : index
      %get3A_418 = tpu.vector_load %arg5[%get3A_416, %get3A_417] {strides = array<i32>} : memref<384x128xf32, #tpu.memory_space<vmem>>, vector<1x16xf32>,
      %get3A_419 = vector.shape_cast %get3A_418 : vector<1x16xf32> to vector<16xf32>
      %add3A_420 = arith.addf %add3A_378, %get3A_419 : vector<16xf32>
      %get3A_421 = arith.index_cast %scan3A_415 : i32 to index
      %get3A_422 = arith.constant 16 : index
      %get3A_423 = tpu.vector_load %arg5[%get3A_421, %get3A_422] {strides = array<i32>} : memref<384x128xf32, #tpu.memory_space<vmem>>, vector<1x16xf32>,
      %get3A_424 = vector.shape_cast %get3A_423 : vector<1x16xf32> to vector<16xf32>
      %add3A_425 = arith.addf %add3A_383, %get3A_424 : vector<16xf32>
      %get3A_426 = arith.index_cast %scan3A_415 : i32 to index
      %get3A_427 = arith.constant 32 : index
      %get3A_428 = tpu.vector_load %arg5[%get3A_426, %get3A_427] {strides = array<i32>} : memref<384x128xf32, #tpu.memory_space<vmem>>, vector<1x16xf32>,
      %get3A_429 = vector.shape_cast %get3A_428 : vector<1x16xf32> to vector<16xf32>
      %add3A_430 = arith.addf %add3A_388, %get3A_429 : vector<16xf32>
      %get3A_431 = arith.index_cast %scan3A_415 : i32 to index
      %get3A_432 = arith.constant 48 : index
      %get3A_433 = tpu.vector_load %arg5[%get3A_431, %get3A_432] {strides = array<i32>} : memref<384x128xf32, #tpu.memory_space<vmem>>, vector<1x16xf32>,
      %get3A_434 = vector.shape_cast %get3A_433 : vector<1x16xf32> to vector<16xf32>
      %add3A_435 = arith.addf %add3A_393, %get3A_434 : vector<16xf32>
      %get3A_436 = arith.index_cast %scan3A_415 : i32 to index
      %get3A_437 = arith.constant 64 : index
      %get3A_438 = tpu.vector_load %arg5[%get3A_436, %get3A_437] {strides = array<i32>} : memref<384x128xf32, #tpu.memory_space<vmem>>, vector<1x16xf32>,
      %get3A_439 = vector.shape_cast %get3A_438 : vector<1x16xf32> to vector<16xf32>
      %add3A_440 = arith.addf %add3A_398, %get3A_439 : vector<16xf32>
      %get3A_441 = arith.index_cast %scan3A_415 : i32 to index
      %get3A_442 = arith.constant 80 : index
      %get3A_443 = tpu.vector_load %arg5[%get3A_441, %get3A_442] {strides = array<i32>} : memref<384x128xf32, #tpu.memory_space<vmem>>, vector<1x16xf32>,
      %get3A_444 = vector.shape_cast %get3A_443 : vector<1x16xf32> to vector<16xf32>
      %add3A_445 = arith.addf %add3A_403, %get3A_444 : vector<16xf32>
      %get3A_446 = arith.index_cast %scan3A_415 : i32 to index
      %get3A_447 = arith.constant 96 : index
      %get3A_448 = tpu.vector_load %arg5[%get3A_446, %get3A_447] {strides = array<i32>} : memref<384x128xf32, #tpu.memory_space<vmem>>, vector<1x16xf32>,
      %get3A_449 = vector.shape_cast %get3A_448 : vector<1x16xf32> to vector<16xf32>
      %add3A_450 = arith.addf %add3A_408, %get3A_449 : vector<16xf32>
      %get3A_451 = arith.index_cast %scan3A_415 : i32 to index
      %get3A_452 = arith.constant 112 : index
      %get3A_453 = tpu.vector_load %arg5[%get3A_451, %get3A_452] {strides = array<i32>} : memref<384x128xf32, #tpu.memory_space<vmem>>, vector<1x16xf32>,
      %get3A_454 = vector.shape_cast %get3A_453 : vector<1x16xf32> to vector<16xf32>
      %add3A_455 = arith.addf %add3A_413, %get3A_454 : vector<16xf32>
      %scan3A_456 = arith.constant 2 : i32
      %scan3A_457 = arith.addi %scan3A_366, %scan3A_456 : i32
      %get3A_458 = arith.index_cast %scan3A_457 : i32 to index
      %get3A_459 = arith.constant 0 : index
      %get3A_460 = tpu.vector_load %arg5[%get3A_458, %get3A_459] {strides = array<i32>} : memref<384x128xf32, #tpu.memory_space<vmem>>, vector<1x16xf32>,
      %get3A_461 = vector.shape_cast %get3A_460 : vector<1x16xf32> to vector<16xf32>
      %add3A_462 = arith.addf %add3A_420, %get3A_461 : vector<16xf32>
      %get3A_463 = arith.index_cast %scan3A_457 : i32 to index
      %get3A_464 = arith.constant 16 : index
      %get3A_465 = tpu.vector_load %arg5[%get3A_463, %get3A_464] {strides = array<i32>} : memref<384x128xf32, #tpu.memory_space<vmem>>, vector<1x16xf32>,
      %get3A_466 = vector.shape_cast %get3A_465 : vector<1x16xf32> to vector<16xf32>
      %add3A_467 = arith.addf %add3A_425, %get3A_466 : vector<16xf32>
      %get3A_468 = arith.index_cast %scan3A_457 : i32 to index
      %get3A_469 = arith.constant 32 : index
      %get3A_470 = tpu.vector_load %arg5[%get3A_468, %get3A_469] {strides = array<i32>} : memref<384x128xf32, #tpu.memory_space<vmem>>, vector<1x16xf32>,
      %get3A_471 = vector.shape_cast %get3A_470 : vector<1x16xf32> to vector<16xf32>
      %add3A_472 = arith.addf %add3A_430, %get3A_471 : vector<16xf32>
      %get3A_473 = arith.index_cast %scan3A_457 : i32 to index
      %get3A_474 = arith.constant 48 : index
      %get3A_475 = tpu.vector_load %arg5[%get3A_473, %get3A_474] {strides = array<i32>} : memref<384x128xf32, #tpu.memory_space<vmem>>, vector<1x16xf32>,
      %get3A_476 = vector.shape_cast %get3A_475 : vector<1x16xf32> to vector<16xf32>
      %add3A_477 = arith.addf %add3A_435, %get3A_476 : vector<16xf32>
      %get3A_478 = arith.index_cast %scan3A_457 : i32 to index
      %get3A_479 = arith.constant 64 : index
      %get3A_480 = tpu.vector_load %arg5[%get3A_478, %get3A_479] {strides = array<i32>} : memref<384x128xf32, #tpu.memory_space<vmem>>, vector<1x16xf32>,
      %get3A_481 = vector.shape_cast %get3A_480 : vector<1x16xf32> to vector<16xf32>
      %add3A_482 = arith.addf %add3A_440, %get3A_481 : vector<16xf32>
      %get3A_483 = arith.index_cast %scan3A_457 : i32 to index
      %get3A_484 = arith.constant 80 : index
      %get3A_485 = tpu.vector_load %arg5[%get3A_483, %get3A_484] {strides = array<i32>} : memref<384x128xf32, #tpu.memory_space<vmem>>, vector<1x16xf32>,
      %get3A_486 = vector.shape_cast %get3A_485 : vector<1x16xf32> to vector<16xf32>
      %add3A_487 = arith.addf %add3A_445, %get3A_486 : vector<16xf32>
      %get3A_488 = arith.index_cast %scan3A_457 : i32 to index
      %get3A_489 = arith.constant 96 : index
      %get3A_490 = tpu.vector_load %arg5[%get3A_488, %get3A_489] {strides = array<i32>} : memref<384x128xf32, #tpu.memory_space<vmem>>, vector<1x16xf32>,
      %get3A_491 = vector.shape_cast %get3A_490 : vector<1x16xf32> to vector<16xf32>
      %add3A_492 = arith.addf %add3A_450, %get3A_491 : vector<16xf32>
      %get3A_493 = arith.index_cast %scan3A_457 : i32 to index
      %get3A_494 = arith.constant 112 : index
      %get3A_495 = tpu.vector_load %arg5[%get3A_493, %get3A_494] {strides = array<i32>} : memref<384x128xf32, #tpu.memory_space<vmem>>, vector<1x16xf32>,
      %get3A_496 = vector.shape_cast %get3A_495 : vector<1x16xf32> to vector<16xf32>
      %add3A_497 = arith.addf %add3A_455, %get3A_496 : vector<16xf32>
      %scan3A_498 = arith.constant 3 : i32
      %scan3A_499 = arith.addi %scan3A_366, %scan3A_498 : i32
      %get3A_500 = arith.index_cast %scan3A_499 : i32 to index
      %get3A_501 = arith.constant 0 : index
      %get3A_502 = tpu.vector_load %arg5[%get3A_500, %get3A_501] {strides = array<i32>} : memref<384x128xf32, #tpu.memory_space<vmem>>, vector<1x16xf32>,
      %get3A_503 = vector.shape_cast %get3A_502 : vector<1x16xf32> to vector<16xf32>
      %add3A_504 = arith.addf %add3A_462, %get3A_503 : vector<16xf32>
      %get3A_505 = arith.index_cast %scan3A_499 : i32 to index
      %get3A_506 = arith.constant 16 : index
      %get3A_507 = tpu.vector_load %arg5[%get3A_505, %get3A_506] {strides = array<i32>} : memref<384x128xf32, #tpu.memory_space<vmem>>, vector<1x16xf32>,
      %get3A_508 = vector.shape_cast %get3A_507 : vector<1x16xf32> to vector<16xf32>
      %add3A_509 = arith.addf %add3A_467, %get3A_508 : vector<16xf32>
      %get3A_510 = arith.index_cast %scan3A_499 : i32 to index
      %get3A_511 = arith.constant 32 : index
      %get3A_512 = tpu.vector_load %arg5[%get3A_510, %get3A_511] {strides = array<i32>} : memref<384x128xf32, #tpu.memory_space<vmem>>, vector<1x16xf32>,
      %get3A_513 = vector.shape_cast %get3A_512 : vector<1x16xf32> to vector<16xf32>
      %add3A_514 = arith.addf %add3A_472, %get3A_513 : vector<16xf32>
      %get3A_515 = arith.index_cast %scan3A_499 : i32 to index
      %get3A_516 = arith.constant 48 : index
      %get3A_517 = tpu.vector_load %arg5[%get3A_515, %get3A_516] {strides = array<i32>} : memref<384x128xf32, #tpu.memory_space<vmem>>, vector<1x16xf32>,
      %get3A_518 = vector.shape_cast %get3A_517 : vector<1x16xf32> to vector<16xf32>
      %add3A_519 = arith.addf %add3A_477, %get3A_518 : vector<16xf32>
      %get3A_520 = arith.index_cast %scan3A_499 : i32 to index
      %get3A_521 = arith.constant 64 : index
      %get3A_522 = tpu.vector_load %arg5[%get3A_520, %get3A_521] {strides = array<i32>} : memref<384x128xf32, #tpu.memory_space<vmem>>, vector<1x16xf32>,
      %get3A_523 = vector.shape_cast %get3A_522 : vector<1x16xf32> to vector<16xf32>
      %add3A_524 = arith.addf %add3A_482, %get3A_523 : vector<16xf32>
      %get3A_525 = arith.index_cast %scan3A_499 : i32 to index
      %get3A_526 = arith.constant 80 : index
      %get3A_527 = tpu.vector_load %arg5[%get3A_525, %get3A_526] {strides = array<i32>} : memref<384x128xf32, #tpu.memory_space<vmem>>, vector<1x16xf32>,
      %get3A_528 = vector.shape_cast %get3A_527 : vector<1x16xf32> to vector<16xf32>
      %add3A_529 = arith.addf %add3A_487, %get3A_528 : vector<16xf32>
      %get3A_530 = arith.index_cast %scan3A_499 : i32 to index
      %get3A_531 = arith.constant 96 : index
      %get3A_532 = tpu.vector_load %arg5[%get3A_530, %get3A_531] {strides = array<i32>} : memref<384x128xf32, #tpu.memory_space<vmem>>, vector<1x16xf32>,
      %get3A_533 = vector.shape_cast %get3A_532 : vector<1x16xf32> to vector<16xf32>
      %add3A_534 = arith.addf %add3A_492, %get3A_533 : vector<16xf32>
      %get3A_535 = arith.index_cast %scan3A_499 : i32 to index
      %get3A_536 = arith.constant 112 : index
      %get3A_537 = tpu.vector_load %arg5[%get3A_535, %get3A_536] {strides = array<i32>} : memref<384x128xf32, #tpu.memory_space<vmem>>, vector<1x16xf32>,
      %get3A_538 = vector.shape_cast %get3A_537 : vector<1x16xf32> to vector<16xf32>
      %add3A_539 = arith.addf %add3A_497, %get3A_538 : vector<16xf32>
      scf.yield %add3A_504, %add3A_509, %add3A_514, %add3A_519, %add3A_524, %add3A_529, %add3A_534, %add3A_539 : vector<16xf32>, vector<16xf32>, vector<16xf32>, vector<16xf32>, vector<16xf32>, vector<16xf32>, vector<16xf32>, vector<16xf32>
    }
    %scan3A_86 = arith.constant 384 : i32
    %add3A_87 = arith.constant 0 : i32
    %add3A_88 = arith.addi %mul3A_2, %add3A_87 : i32
    %mul3A_89 = arith.constant 4096 : i32
    %mul3A_90 = arith.muli %add3A_88, %mul3A_89 : i32
    %add3A_91 = arith.constant 2560 : i32
    %add3A_92 = arith.addi %mul3A_90, %add3A_91 : i32
    %add3A_93 = arith.constant 1152 : i32
    %add3A_94 = arith.addi %add3A_92, %add3A_93 : i32
    %dma_start3A_95 = arith.constant 0 : i32
    %dma_start3A_96 = tpu.memref_slice %arg2[%add3A_94, %dma_start3A_95] : memref<262144x128xf32, #tpu.memory_space<hbm>> -> memref<384x128xf32, #tpu.memory_space<hbm>>
    %dma_start3A_97 = arith.constant 0 : i32
    %dma_start3A_98 = tpu.memref_slice %arg2[%add3A_94, %dma_start3A_97] : memref<262144x128xf32, #tpu.memory_space<hbm>> -> memref<384x128xf32, #tpu.memory_space<hbm>>
    tpu.enqueue_dma source(%dma_start3A_98 : memref<384x128xf32, #tpu.memory_space<hbm>>) target(%arg5 : memref<384x128xf32, #tpu.memory_space<vmem>>) target_semaphore(%arg8 : memref<!tpu.dma_semaphore, #tpu.memory_space<semaphore_mem>>)
    %add3A_99 = arith.constant 0 : i32
    %add3A_100 = arith.addi %mul3A_2, %add3A_99 : i32
    %mul3A_101 = arith.constant 4096 : i32
    %mul3A_102 = arith.muli %add3A_100, %mul3A_101 : i32
    %add3A_103 = arith.constant 2560 : i32
    %add3A_104 = arith.addi %mul3A_102, %add3A_103 : i32
    %add3A_105 = arith.constant 768 : i32
    %add3A_106 = arith.addi %add3A_104, %add3A_105 : i32
    %dma_wait3A_107 = arith.constant 0 : i32
    %dma_wait3A_108 = tpu.memref_slice %arg2[%add3A_106, %dma_wait3A_107] : memref<262144x128xf32, #tpu.memory_space<hbm>> -> memref<384x128xf32, #tpu.memory_space<hbm>>
    %dma_wait3A_109 = arith.constant 0 : i32
    %dma_wait3A_110 = tpu.memref_slice %arg2[%add3A_106, %dma_wait3A_109] : memref<262144x128xf32, #tpu.memory_space<hbm>> -> memref<384x128xf32, #tpu.memory_space<hbm>>
    tpu.wait_dma2 semaphore(%arg7 : memref<!tpu.dma_semaphore, #tpu.memory_space<semaphore_mem>>) src(%dma_wait3A_110 : memref<384x128xf32, #tpu.memory_space<hbm>>) dst(%arg4 : memref<384x128xf32, #tpu.memory_space<vmem>>)
    %scan3A_111 = arith.constant 0 : i32
    %scan3A_112 = arith.constant 384 : i32
    %scan3A_113 = arith.addi %scan3A_111, %scan3A_112 : i32
    %scan3A_114 = arith.constant 4 : i32
    %scan3A_115:8 = scf.for %scan3A_366 = %scan3A_111 to %scan3A_113 step %scan3A_114 iter_args(%scan3A_367 = %scan3A_85#0, %scan3A_368 = %scan3A_85#1, %scan3A_369 = %scan3A_85#2, %scan3A_370 = %scan3A_85#3, %scan3A_371 = %scan3A_85#4, %scan3A_372 = %scan3A_85#5, %scan3A_373 = %scan3A_85#6, %scan3A_374 = %scan3A_85#7) -> (vector<16xf32>, vector<16xf32>, vector<16xf32>, vector<16xf32>, vector<16xf32>, vector<16xf32>, vector<16xf32>, vector<16xf32>)  : i32 {
      %get3A = arith.index_cast %scan3A_366 : i32 to index
      %get3A_375 = arith.constant 0 : index
      %get3A_376 = tpu.vector_load %arg4[%get3A, %get3A_375] {strides = array<i32>} : memref<384x128xf32, #tpu.memory_space<vmem>>, vector<1x16xf32>,
      %get3A_377 = vector.shape_cast %get3A_376 : vector<1x16xf32> to vector<16xf32>
      %add3A_378 = arith.addf %scan3A_367, %get3A_377 : vector<16xf32>
      %get3A_379 = arith.index_cast %scan3A_366 : i32 to index
      %get3A_380 = arith.constant 16 : index
      %get3A_381 = tpu.vector_load %arg4[%get3A_379, %get3A_380] {strides = array<i32>} : memref<384x128xf32, #tpu.memory_space<vmem>>, vector<1x16xf32>,
      %get3A_382 = vector.shape_cast %get3A_381 : vector<1x16xf32> to vector<16xf32>
      %add3A_383 = arith.addf %scan3A_368, %get3A_382 : vector<16xf32>
      %get3A_384 = arith.index_cast %scan3A_366 : i32 to index
      %get3A_385 = arith.constant 32 : index
      %get3A_386 = tpu.vector_load %arg4[%get3A_384, %get3A_385] {strides = array<i32>} : memref<384x128xf32, #tpu.memory_space<vmem>>, vector<1x16xf32>,
      %get3A_387 = vector.shape_cast %get3A_386 : vector<1x16xf32> to vector<16xf32>
      %add3A_388 = arith.addf %scan3A_369, %get3A_387 : vector<16xf32>
      %get3A_389 = arith.index_cast %scan3A_366 : i32 to index
      %get3A_390 = arith.constant 48 : index
      %get3A_391 = tpu.vector_load %arg4[%get3A_389, %get3A_390] {strides = array<i32>} : memref<384x128xf32, #tpu.memory_space<vmem>>, vector<1x16xf32>,
      %get3A_392 = vector.shape_cast %get3A_391 : vector<1x16xf32> to vector<16xf32>
      %add3A_393 = arith.addf %scan3A_370, %get3A_392 : vector<16xf32>
      %get3A_394 = arith.index_cast %scan3A_366 : i32 to index
      %get3A_395 = arith.constant 64 : index
      %get3A_396 = tpu.vector_load %arg4[%get3A_394, %get3A_395] {strides = array<i32>} : memref<384x128xf32, #tpu.memory_space<vmem>>, vector<1x16xf32>,
      %get3A_397 = vector.shape_cast %get3A_396 : vector<1x16xf32> to vector<16xf32>
      %add3A_398 = arith.addf %scan3A_371, %get3A_397 : vector<16xf32>
      %get3A_399 = arith.index_cast %scan3A_366 : i32 to index
      %get3A_400 = arith.constant 80 : index
      %get3A_401 = tpu.vector_load %arg4[%get3A_399, %get3A_400] {strides = array<i32>} : memref<384x128xf32, #tpu.memory_space<vmem>>, vector<1x16xf32>,
      %get3A_402 = vector.shape_cast %get3A_401 : vector<1x16xf32> to vector<16xf32>
      %add3A_403 = arith.addf %scan3A_372, %get3A_402 : vector<16xf32>
      %get3A_404 = arith.index_cast %scan3A_366 : i32 to index
      %get3A_405 = arith.constant 96 : index
      %get3A_406 = tpu.vector_load %arg4[%get3A_404, %get3A_405] {strides = array<i32>} : memref<384x128xf32, #tpu.memory_space<vmem>>, vector<1x16xf32>,
      %get3A_407 = vector.shape_cast %get3A_406 : vector<1x16xf32> to vector<16xf32>
      %add3A_408 = arith.addf %scan3A_373, %get3A_407 : vector<16xf32>
      %get3A_409 = arith.index_cast %scan3A_366 : i32 to index
      %get3A_410 = arith.constant 112 : index
      %get3A_411 = tpu.vector_load %arg4[%get3A_409, %get3A_410] {strides = array<i32>} : memref<384x128xf32, #tpu.memory_space<vmem>>, vector<1x16xf32>,
      %get3A_412 = vector.shape_cast %get3A_411 : vector<1x16xf32> to vector<16xf32>
      %add3A_413 = arith.addf %scan3A_374, %get3A_412 : vector<16xf32>
      %scan3A_414 = arith.constant 1 : i32
      %scan3A_415 = arith.addi %scan3A_366, %scan3A_414 : i32
      %get3A_416 = arith.index_cast %scan3A_415 : i32 to index
      %get3A_417 = arith.constant 0 : index
      %get3A_418 = tpu.vector_load %arg4[%get3A_416, %get3A_417] {strides = array<i32>} : memref<384x128xf32, #tpu.memory_space<vmem>>, vector<1x16xf32>,
      %get3A_419 = vector.shape_cast %get3A_418 : vector<1x16xf32> to vector<16xf32>
      %add3A_420 = arith.addf %add3A_378, %get3A_419 : vector<16xf32>
      %get3A_421 = arith.index_cast %scan3A_415 : i32 to index
      %get3A_422 = arith.constant 16 : index
      %get3A_423 = tpu.vector_load %arg4[%get3A_421, %get3A_422] {strides = array<i32>} : memref<384x128xf32, #tpu.memory_space<vmem>>, vector<1x16xf32>,
      %get3A_424 = vector.shape_cast %get3A_423 : vector<1x16xf32> to vector<16xf32>
      %add3A_425 = arith.addf %add3A_383, %get3A_424 : vector<16xf32>
      %get3A_426 = arith.index_cast %scan3A_415 : i32 to index
      %get3A_427 = arith.constant 32 : index
      %get3A_428 = tpu.vector_load %arg4[%get3A_426, %get3A_427] {strides = array<i32>} : memref<384x128xf32, #tpu.memory_space<vmem>>, vector<1x16xf32>,
      %get3A_429 = vector.shape_cast %get3A_428 : vector<1x16xf32> to vector<16xf32>
      %add3A_430 = arith.addf %add3A_388, %get3A_429 : vector<16xf32>
      %get3A_431 = arith.index_cast %scan3A_415 : i32 to index
      %get3A_432 = arith.constant 48 : index
      %get3A_433 = tpu.vector_load %arg4[%get3A_431, %get3A_432] {strides = array<i32>} : memref<384x128xf32, #tpu.memory_space<vmem>>, vector<1x16xf32>,
      %get3A_434 = vector.shape_cast %get3A_433 : vector<1x16xf32> to vector<16xf32>
      %add3A_435 = arith.addf %add3A_393, %get3A_434 : vector<16xf32>
      %get3A_436 = arith.index_cast %scan3A_415 : i32 to index
      %get3A_437 = arith.constant 64 : index
      %get3A_438 = tpu.vector_load %arg4[%get3A_436, %get3A_437] {strides = array<i32>} : memref<384x128xf32, #tpu.memory_space<vmem>>, vector<1x16xf32>,
      %get3A_439 = vector.shape_cast %get3A_438 : vector<1x16xf32> to vector<16xf32>
      %add3A_440 = arith.addf %add3A_398, %get3A_439 : vector<16xf32>
      %get3A_441 = arith.index_cast %scan3A_415 : i32 to index
      %get3A_442 = arith.constant 80 : index
      %get3A_443 = tpu.vector_load %arg4[%get3A_441, %get3A_442] {strides = array<i32>} : memref<384x128xf32, #tpu.memory_space<vmem>>, vector<1x16xf32>,
      %get3A_444 = vector.shape_cast %get3A_443 : vector<1x16xf32> to vector<16xf32>
      %add3A_445 = arith.addf %add3A_403, %get3A_444 : vector<16xf32>
      %get3A_446 = arith.index_cast %scan3A_415 : i32 to index
      %get3A_447 = arith.constant 96 : index
      %get3A_448 = tpu.vector_load %arg4[%get3A_446, %get3A_447] {strides = array<i32>} : memref<384x128xf32, #tpu.memory_space<vmem>>, vector<1x16xf32>,
      %get3A_449 = vector.shape_cast %get3A_448 : vector<1x16xf32> to vector<16xf32>
      %add3A_450 = arith.addf %add3A_408, %get3A_449 : vector<16xf32>
      %get3A_451 = arith.index_cast %scan3A_415 : i32 to index
      %get3A_452 = arith.constant 112 : index
      %get3A_453 = tpu.vector_load %arg4[%get3A_451, %get3A_452] {strides = array<i32>} : memref<384x128xf32, #tpu.memory_space<vmem>>, vector<1x16xf32>,
      %get3A_454 = vector.shape_cast %get3A_453 : vector<1x16xf32> to vector<16xf32>
      %add3A_455 = arith.addf %add3A_413, %get3A_454 : vector<16xf32>
      %scan3A_456 = arith.constant 2 : i32
      %scan3A_457 = arith.addi %scan3A_366, %scan3A_456 : i32
      %get3A_458 = arith.index_cast %scan3A_457 : i32 to index
      %get3A_459 = arith.constant 0 : index
      %get3A_460 = tpu.vector_load %arg4[%get3A_458, %get3A_459] {strides = array<i32>} : memref<384x128xf32, #tpu.memory_space<vmem>>, vector<1x16xf32>,
      %get3A_461 = vector.shape_cast %get3A_460 : vector<1x16xf32> to vector<16xf32>
      %add3A_462 = arith.addf %add3A_420, %get3A_461 : vector<16xf32>
      %get3A_463 = arith.index_cast %scan3A_457 : i32 to index
      %get3A_464 = arith.constant 16 : index
      %get3A_465 = tpu.vector_load %arg4[%get3A_463, %get3A_464] {strides = array<i32>} : memref<384x128xf32, #tpu.memory_space<vmem>>, vector<1x16xf32>,
      %get3A_466 = vector.shape_cast %get3A_465 : vector<1x16xf32> to vector<16xf32>
      %add3A_467 = arith.addf %add3A_425, %get3A_466 : vector<16xf32>
      %get3A_468 = arith.index_cast %scan3A_457 : i32 to index
      %get3A_469 = arith.constant 32 : index
      %get3A_470 = tpu.vector_load %arg4[%get3A_468, %get3A_469] {strides = array<i32>} : memref<384x128xf32, #tpu.memory_space<vmem>>, vector<1x16xf32>,
      %get3A_471 = vector.shape_cast %get3A_470 : vector<1x16xf32> to vector<16xf32>
      %add3A_472 = arith.addf %add3A_430, %get3A_471 : vector<16xf32>
      %get3A_473 = arith.index_cast %scan3A_457 : i32 to index
      %get3A_474 = arith.constant 48 : index
      %get3A_475 = tpu.vector_load %arg4[%get3A_473, %get3A_474] {strides = array<i32>} : memref<384x128xf32, #tpu.memory_space<vmem>>, vector<1x16xf32>,
      %get3A_476 = vector.shape_cast %get3A_475 : vector<1x16xf32> to vector<16xf32>
      %add3A_477 = arith.addf %add3A_435, %get3A_476 : vector<16xf32>
      %get3A_478 = arith.index_cast %scan3A_457 : i32 to index
      %get3A_479 = arith.constant 64 : index
      %get3A_480 = tpu.vector_load %arg4[%get3A_478, %get3A_479] {strides = array<i32>} : memref<384x128xf32, #tpu.memory_space<vmem>>, vector<1x16xf32>,
      %get3A_481 = vector.shape_cast %get3A_480 : vector<1x16xf32> to vector<16xf32>
      %add3A_482 = arith.addf %add3A_440, %get3A_481 : vector<16xf32>
      %get3A_483 = arith.index_cast %scan3A_457 : i32 to index
      %get3A_484 = arith.constant 80 : index
      %get3A_485 = tpu.vector_load %arg4[%get3A_483, %get3A_484] {strides = array<i32>} : memref<384x128xf32, #tpu.memory_space<vmem>>, vector<1x16xf32>,
      %get3A_486 = vector.shape_cast %get3A_485 : vector<1x16xf32> to vector<16xf32>
      %add3A_487 = arith.addf %add3A_445, %get3A_486 : vector<16xf32>
      %get3A_488 = arith.index_cast %scan3A_457 : i32 to index
      %get3A_489 = arith.constant 96 : index
      %get3A_490 = tpu.vector_load %arg4[%get3A_488, %get3A_489] {strides = array<i32>} : memref<384x128xf32, #tpu.memory_space<vmem>>, vector<1x16xf32>,
      %get3A_491 = vector.shape_cast %get3A_490 : vector<1x16xf32> to vector<16xf32>
      %add3A_492 = arith.addf %add3A_450, %get3A_491 : vector<16xf32>
      %get3A_493 = arith.index_cast %scan3A_457 : i32 to index
      %get3A_494 = arith.constant 112 : index
      %get3A_495 = tpu.vector_load %arg4[%get3A_493, %get3A_494] {strides = array<i32>} : memref<384x128xf32, #tpu.memory_space<vmem>>, vector<1x16xf32>,
      %get3A_496 = vector.shape_cast %get3A_495 : vector<1x16xf32> to vector<16xf32>
      %add3A_497 = arith.addf %add3A_455, %get3A_496 : vector<16xf32>
      %scan3A_498 = arith.constant 3 : i32
      %scan3A_499 = arith.addi %scan3A_366, %scan3A_498 : i32
      %get3A_500 = arith.index_cast %scan3A_499 : i32 to index
      %get3A_501 = arith.constant 0 : index
      %get3A_502 = tpu.vector_load %arg4[%get3A_500, %get3A_501] {strides = array<i32>} : memref<384x128xf32, #tpu.memory_space<vmem>>, vector<1x16xf32>,
      %get3A_503 = vector.shape_cast %get3A_502 : vector<1x16xf32> to vector<16xf32>
      %add3A_504 = arith.addf %add3A_462, %get3A_503 : vector<16xf32>
      %get3A_505 = arith.index_cast %scan3A_499 : i32 to index
      %get3A_506 = arith.constant 16 : index
      %get3A_507 = tpu.vector_load %arg4[%get3A_505, %get3A_506] {strides = array<i32>} : memref<384x128xf32, #tpu.memory_space<vmem>>, vector<1x16xf32>,
      %get3A_508 = vector.shape_cast %get3A_507 : vector<1x16xf32> to vector<16xf32>
      %add3A_509 = arith.addf %add3A_467, %get3A_508 : vector<16xf32>
      %get3A_510 = arith.index_cast %scan3A_499 : i32 to index
      %get3A_511 = arith.constant 32 : index
      %get3A_512 = tpu.vector_load %arg4[%get3A_510, %get3A_511] {strides = array<i32>} : memref<384x128xf32, #tpu.memory_space<vmem>>, vector<1x16xf32>,
      %get3A_513 = vector.shape_cast %get3A_512 : vector<1x16xf32> to vector<16xf32>
      %add3A_514 = arith.addf %add3A_472, %get3A_513 : vector<16xf32>
      %get3A_515 = arith.index_cast %scan3A_499 : i32 to index
      %get3A_516 = arith.constant 48 : index
      %get3A_517 = tpu.vector_load %arg4[%get3A_515, %get3A_516] {strides = array<i32>} : memref<384x128xf32, #tpu.memory_space<vmem>>, vector<1x16xf32>,
      %get3A_518 = vector.shape_cast %get3A_517 : vector<1x16xf32> to vector<16xf32>
      %add3A_519 = arith.addf %add3A_477, %get3A_518 : vector<16xf32>
      %get3A_520 = arith.index_cast %scan3A_499 : i32 to index
      %get3A_521 = arith.constant 64 : index
      %get3A_522 = tpu.vector_load %arg4[%get3A_520, %get3A_521] {strides = array<i32>} : memref<384x128xf32, #tpu.memory_space<vmem>>, vector<1x16xf32>,
      %get3A_523 = vector.shape_cast %get3A_522 : vector<1x16xf32> to vector<16xf32>
      %add3A_524 = arith.addf %add3A_482, %get3A_523 : vector<16xf32>
      %get3A_525 = arith.index_cast %scan3A_499 : i32 to index
      %get3A_526 = arith.constant 80 : index
      %get3A_527 = tpu.vector_load %arg4[%get3A_525, %get3A_526] {strides = array<i32>} : memref<384x128xf32, #tpu.memory_space<vmem>>, vector<1x16xf32>,
      %get3A_528 = vector.shape_cast %get3A_527 : vector<1x16xf32> to vector<16xf32>
      %add3A_529 = arith.addf %add3A_487, %get3A_528 : vector<16xf32>
      %get3A_530 = arith.index_cast %scan3A_499 : i32 to index
      %get3A_531 = arith.constant 96 : index
      %get3A_532 = tpu.vector_load %arg4[%get3A_530, %get3A_531] {strides = array<i32>} : memref<384x128xf32, #tpu.memory_space<vmem>>, vector<1x16xf32>,
      %get3A_533 = vector.shape_cast %get3A_532 : vector<1x16xf32> to vector<16xf32>
      %add3A_534 = arith.addf %add3A_492, %get3A_533 : vector<16xf32>
      %get3A_535 = arith.index_cast %scan3A_499 : i32 to index
      %get3A_536 = arith.constant 112 : index
      %get3A_537 = tpu.vector_load %arg4[%get3A_535, %get3A_536] {strides = array<i32>} : memref<384x128xf32, #tpu.memory_space<vmem>>, vector<1x16xf32>,
      %get3A_538 = vector.shape_cast %get3A_537 : vector<1x16xf32> to vector<16xf32>
      %add3A_539 = arith.addf %add3A_497, %get3A_538 : vector<16xf32>
      scf.yield %add3A_504, %add3A_509, %add3A_514, %add3A_519, %add3A_524, %add3A_529, %add3A_534, %add3A_539 : vector<16xf32>, vector<16xf32>, vector<16xf32>, vector<16xf32>, vector<16xf32>, vector<16xf32>, vector<16xf32>, vector<16xf32>
    }
    %scan3A_116 = arith.constant 384 : i32
    %add3A_117 = arith.constant 1 : i32
    %add3A_118 = arith.addi %mul3A_2, %add3A_117 : i32
    %mul3A_119 = arith.constant 4096 : i32
    %mul3A_120 = arith.muli %add3A_118, %mul3A_119 : i32
    %add3A_121 = arith.constant 2560 : i32
    %add3A_122 = arith.addi %mul3A_120, %add3A_121 : i32
    %add3A_123 = arith.constant 0 : i32
    %add3A_124 = arith.addi %add3A_122, %add3A_123 : i32
    %dma_start3A_125 = arith.constant 0 : i32
    %dma_start3A_126 = tpu.memref_slice %arg2[%add3A_124, %dma_start3A_125] : memref<262144x128xf32, #tpu.memory_space<hbm>> -> memref<384x128xf32, #tpu.memory_space<hbm>>
    %dma_start3A_127 = arith.constant 0 : i32
    %dma_start3A_128 = tpu.memref_slice %arg2[%add3A_124, %dma_start3A_127] : memref<262144x128xf32, #tpu.memory_space<hbm>> -> memref<384x128xf32, #tpu.memory_space<hbm>>
    tpu.enqueue_dma source(%dma_start3A_128 : memref<384x128xf32, #tpu.memory_space<hbm>>) target(%arg4 : memref<384x128xf32, #tpu.memory_space<vmem>>) target_semaphore(%arg7 : memref<!tpu.dma_semaphore, #tpu.memory_space<semaphore_mem>>)
    %add3A_129 = arith.constant 0 : i32
    %add3A_130 = arith.addi %mul3A_2, %add3A_129 : i32
    %mul3A_131 = arith.constant 4096 : i32
    %mul3A_132 = arith.muli %add3A_130, %mul3A_131 : i32
    %add3A_133 = arith.constant 2560 : i32
    %add3A_134 = arith.addi %mul3A_132, %add3A_133 : i32
    %add3A_135 = arith.constant 1152 : i32
    %add3A_136 = arith.addi %add3A_134, %add3A_135 : i32
    %dma_wait3A_137 = arith.constant 0 : i32
    %dma_wait3A_138 = tpu.memref_slice %arg2[%add3A_136, %dma_wait3A_137] : memref<262144x128xf32, #tpu.memory_space<hbm>> -> memref<384x128xf32, #tpu.memory_space<hbm>>
    %dma_wait3A_139 = arith.constant 0 : i32
    %dma_wait3A_140 = tpu.memref_slice %arg2[%add3A_136, %dma_wait3A_139] : memref<262144x128xf32, #tpu.memory_space<hbm>> -> memref<384x128xf32, #tpu.memory_space<hbm>>
    tpu.wait_dma2 semaphore(%arg8 : memref<!tpu.dma_semaphore, #tpu.memory_space<semaphore_mem>>) src(%dma_wait3A_140 : memref<384x128xf32, #tpu.memory_space<hbm>>) dst(%arg5 : memref<384x128xf32, #tpu.memory_space<vmem>>)
    %scan3A_141 = arith.constant 0 : i32
    %scan3A_142 = arith.constant 384 : i32
    %scan3A_143 = arith.addi %scan3A_141, %scan3A_142 : i32
    %scan3A_144 = arith.constant 4 : i32
    %scan3A_145:8 = scf.for %scan3A_366 = %scan3A_141 to %scan3A_143 step %scan3A_144 iter_args(%scan3A_367 = %scan3A_115#0, %scan3A_368 = %scan3A_115#1, %scan3A_369 = %scan3A_115#2, %scan3A_370 = %scan3A_115#3, %scan3A_371 = %scan3A_115#4, %scan3A_372 = %scan3A_115#5, %scan3A_373 = %scan3A_115#6, %scan3A_374 = %scan3A_115#7) -> (vector<16xf32>, vector<16xf32>, vector<16xf32>, vector<16xf32>, vector<16xf32>, vector<16xf32>, vector<16xf32>, vector<16xf32>)  : i32 {
      %get3A = arith.index_cast %scan3A_366 : i32 to index
      %get3A_375 = arith.constant 0 : index
      %get3A_376 = tpu.vector_load %arg5[%get3A, %get3A_375] {strides = array<i32>} : memref<384x128xf32, #tpu.memory_space<vmem>>, vector<1x16xf32>,
      %get3A_377 = vector.shape_cast %get3A_376 : vector<1x16xf32> to vector<16xf32>
      %add3A_378 = arith.addf %scan3A_367, %get3A_377 : vector<16xf32>
      %get3A_379 = arith.index_cast %scan3A_366 : i32 to index
      %get3A_380 = arith.constant 16 : index
      %get3A_381 = tpu.vector_load %arg5[%get3A_379, %get3A_380] {strides = array<i32>} : memref<384x128xf32, #tpu.memory_space<vmem>>, vector<1x16xf32>,
      %get3A_382 = vector.shape_cast %get3A_381 : vector<1x16xf32> to vector<16xf32>
      %add3A_383 = arith.addf %scan3A_368, %get3A_382 : vector<16xf32>
      %get3A_384 = arith.index_cast %scan3A_366 : i32 to index
      %get3A_385 = arith.constant 32 : index
      %get3A_386 = tpu.vector_load %arg5[%get3A_384, %get3A_385] {strides = array<i32>} : memref<384x128xf32, #tpu.memory_space<vmem>>, vector<1x16xf32>,
      %get3A_387 = vector.shape_cast %get3A_386 : vector<1x16xf32> to vector<16xf32>
      %add3A_388 = arith.addf %scan3A_369, %get3A_387 : vector<16xf32>
      %get3A_389 = arith.index_cast %scan3A_366 : i32 to index
      %get3A_390 = arith.constant 48 : index
      %get3A_391 = tpu.vector_load %arg5[%get3A_389, %get3A_390] {strides = array<i32>} : memref<384x128xf32, #tpu.memory_space<vmem>>, vector<1x16xf32>,
      %get3A_392 = vector.shape_cast %get3A_391 : vector<1x16xf32> to vector<16xf32>
      %add3A_393 = arith.addf %scan3A_370, %get3A_392 : vector<16xf32>
      %get3A_394 = arith.index_cast %scan3A_366 : i32 to index
      %get3A_395 = arith.constant 64 : index
      %get3A_396 = tpu.vector_load %arg5[%get3A_394, %get3A_395] {strides = array<i32>} : memref<384x128xf32, #tpu.memory_space<vmem>>, vector<1x16xf32>,
      %get3A_397 = vector.shape_cast %get3A_396 : vector<1x16xf32> to vector<16xf32>
      %add3A_398 = arith.addf %scan3A_371, %get3A_397 : vector<16xf32>
      %get3A_399 = arith.index_cast %scan3A_366 : i32 to index
      %get3A_400 = arith.constant 80 : index
      %get3A_401 = tpu.vector_load %arg5[%get3A_399, %get3A_400] {strides = array<i32>} : memref<384x128xf32, #tpu.memory_space<vmem>>, vector<1x16xf32>,
      %get3A_402 = vector.shape_cast %get3A_401 : vector<1x16xf32> to vector<16xf32>
      %add3A_403 = arith.addf %scan3A_372, %get3A_402 : vector<16xf32>
      %get3A_404 = arith.index_cast %scan3A_366 : i32 to index
      %get3A_405 = arith.constant 96 : index
      %get3A_406 = tpu.vector_load %arg5[%get3A_404, %get3A_405] {strides = array<i32>} : memref<384x128xf32, #tpu.memory_space<vmem>>, vector<1x16xf32>,
      %get3A_407 = vector.shape_cast %get3A_406 : vector<1x16xf32> to vector<16xf32>
      %add3A_408 = arith.addf %scan3A_373, %get3A_407 : vector<16xf32>
      %get3A_409 = arith.index_cast %scan3A_366 : i32 to index
      %get3A_410 = arith.constant 112 : index
      %get3A_411 = tpu.vector_load %arg5[%get3A_409, %get3A_410] {strides = array<i32>} : memref<384x128xf32, #tpu.memory_space<vmem>>, vector<1x16xf32>,
      %get3A_412 = vector.shape_cast %get3A_411 : vector<1x16xf32> to vector<16xf32>
      %add3A_413 = arith.addf %scan3A_374, %get3A_412 : vector<16xf32>
      %scan3A_414 = arith.constant 1 : i32
      %scan3A_415 = arith.addi %scan3A_366, %scan3A_414 : i32
      %get3A_416 = arith.index_cast %scan3A_415 : i32 to index
      %get3A_417 = arith.constant 0 : index
      %get3A_418 = tpu.vector_load %arg5[%get3A_416, %get3A_417] {strides = array<i32>} : memref<384x128xf32, #tpu.memory_space<vmem>>, vector<1x16xf32>,
      %get3A_419 = vector.shape_cast %get3A_418 : vector<1x16xf32> to vector<16xf32>
      %add3A_420 = arith.addf %add3A_378, %get3A_419 : vector<16xf32>
      %get3A_421 = arith.index_cast %scan3A_415 : i32 to index
      %get3A_422 = arith.constant 16 : index
      %get3A_423 = tpu.vector_load %arg5[%get3A_421, %get3A_422] {strides = array<i32>} : memref<384x128xf32, #tpu.memory_space<vmem>>, vector<1x16xf32>,
      %get3A_424 = vector.shape_cast %get3A_423 : vector<1x16xf32> to vector<16xf32>
      %add3A_425 = arith.addf %add3A_383, %get3A_424 : vector<16xf32>
      %get3A_426 = arith.index_cast %scan3A_415 : i32 to index
      %get3A_427 = arith.constant 32 : index
      %get3A_428 = tpu.vector_load %arg5[%get3A_426, %get3A_427] {strides = array<i32>} : memref<384x128xf32, #tpu.memory_space<vmem>>, vector<1x16xf32>,
      %get3A_429 = vector.shape_cast %get3A_428 : vector<1x16xf32> to vector<16xf32>
      %add3A_430 = arith.addf %add3A_388, %get3A_429 : vector<16xf32>
      %get3A_431 = arith.index_cast %scan3A_415 : i32 to index
      %get3A_432 = arith.constant 48 : index
      %get3A_433 = tpu.vector_load %arg5[%get3A_431, %get3A_432] {strides = array<i32>} : memref<384x128xf32, #tpu.memory_space<vmem>>, vector<1x16xf32>,
      %get3A_434 = vector.shape_cast %get3A_433 : vector<1x16xf32> to vector<16xf32>
      %add3A_435 = arith.addf %add3A_393, %get3A_434 : vector<16xf32>
      %get3A_436 = arith.index_cast %scan3A_415 : i32 to index
      %get3A_437 = arith.constant 64 : index
      %get3A_438 = tpu.vector_load %arg5[%get3A_436, %get3A_437] {strides = array<i32>} : memref<384x128xf32, #tpu.memory_space<vmem>>, vector<1x16xf32>,
      %get3A_439 = vector.shape_cast %get3A_438 : vector<1x16xf32> to vector<16xf32>
      %add3A_440 = arith.addf %add3A_398, %get3A_439 : vector<16xf32>
      %get3A_441 = arith.index_cast %scan3A_415 : i32 to index
      %get3A_442 = arith.constant 80 : index
      %get3A_443 = tpu.vector_load %arg5[%get3A_441, %get3A_442] {strides = array<i32>} : memref<384x128xf32, #tpu.memory_space<vmem>>, vector<1x16xf32>,
      %get3A_444 = vector.shape_cast %get3A_443 : vector<1x16xf32> to vector<16xf32>
      %add3A_445 = arith.addf %add3A_403, %get3A_444 : vector<16xf32>
      %get3A_446 = arith.index_cast %scan3A_415 : i32 to index
      %get3A_447 = arith.constant 96 : index
      %get3A_448 = tpu.vector_load %arg5[%get3A_446, %get3A_447] {strides = array<i32>} : memref<384x128xf32, #tpu.memory_space<vmem>>, vector<1x16xf32>,
      %get3A_449 = vector.shape_cast %get3A_448 : vector<1x16xf32> to vector<16xf32>
      %add3A_450 = arith.addf %add3A_408, %get3A_449 : vector<16xf32>
      %get3A_451 = arith.index_cast %scan3A_415 : i32 to index
      %get3A_452 = arith.constant 112 : index
      %get3A_453 = tpu.vector_load %arg5[%get3A_451, %get3A_452] {strides = array<i32>} : memref<384x128xf32, #tpu.memory_space<vmem>>, vector<1x16xf32>,
      %get3A_454 = vector.shape_cast %get3A_453 : vector<1x16xf32> to vector<16xf32>
      %add3A_455 = arith.addf %add3A_413, %get3A_454 : vector<16xf32>
      %scan3A_456 = arith.constant 2 : i32
      %scan3A_457 = arith.addi %scan3A_366, %scan3A_456 : i32
      %get3A_458 = arith.index_cast %scan3A_457 : i32 to index
      %get3A_459 = arith.constant 0 : index
      %get3A_460 = tpu.vector_load %arg5[%get3A_458, %get3A_459] {strides = array<i32>} : memref<384x128xf32, #tpu.memory_space<vmem>>, vector<1x16xf32>,
      %get3A_461 = vector.shape_cast %get3A_460 : vector<1x16xf32> to vector<16xf32>
      %add3A_462 = arith.addf %add3A_420, %get3A_461 : vector<16xf32>
      %get3A_463 = arith.index_cast %scan3A_457 : i32 to index
      %get3A_464 = arith.constant 16 : index
      %get3A_465 = tpu.vector_load %arg5[%get3A_463, %get3A_464] {strides = array<i32>} : memref<384x128xf32, #tpu.memory_space<vmem>>, vector<1x16xf32>,
      %get3A_466 = vector.shape_cast %get3A_465 : vector<1x16xf32> to vector<16xf32>
      %add3A_467 = arith.addf %add3A_425, %get3A_466 : vector<16xf32>
      %get3A_468 = arith.index_cast %scan3A_457 : i32 to index
      %get3A_469 = arith.constant 32 : index
      %get3A_470 = tpu.vector_load %arg5[%get3A_468, %get3A_469] {strides = array<i32>} : memref<384x128xf32, #tpu.memory_space<vmem>>, vector<1x16xf32>,
      %get3A_471 = vector.shape_cast %get3A_470 : vector<1x16xf32> to vector<16xf32>
      %add3A_472 = arith.addf %add3A_430, %get3A_471 : vector<16xf32>
      %get3A_473 = arith.index_cast %scan3A_457 : i32 to index
      %get3A_474 = arith.constant 48 : index
      %get3A_475 = tpu.vector_load %arg5[%get3A_473, %get3A_474] {strides = array<i32>} : memref<384x128xf32, #tpu.memory_space<vmem>>, vector<1x16xf32>,
      %get3A_476 = vector.shape_cast %get3A_475 : vector<1x16xf32> to vector<16xf32>
      %add3A_477 = arith.addf %add3A_435, %get3A_476 : vector<16xf32>
      %get3A_478 = arith.index_cast %scan3A_457 : i32 to index
      %get3A_479 = arith.constant 64 : index
      %get3A_480 = tpu.vector_load %arg5[%get3A_478, %get3A_479] {strides = array<i32>} : memref<384x128xf32, #tpu.memory_space<vmem>>, vector<1x16xf32>,
      %get3A_481 = vector.shape_cast %get3A_480 : vector<1x16xf32> to vector<16xf32>
      %add3A_482 = arith.addf %add3A_440, %get3A_481 : vector<16xf32>
      %get3A_483 = arith.index_cast %scan3A_457 : i32 to index
      %get3A_484 = arith.constant 80 : index
      %get3A_485 = tpu.vector_load %arg5[%get3A_483, %get3A_484] {strides = array<i32>} : memref<384x128xf32, #tpu.memory_space<vmem>>, vector<1x16xf32>,
      %get3A_486 = vector.shape_cast %get3A_485 : vector<1x16xf32> to vector<16xf32>
      %add3A_487 = arith.addf %add3A_445, %get3A_486 : vector<16xf32>
      %get3A_488 = arith.index_cast %scan3A_457 : i32 to index
      %get3A_489 = arith.constant 96 : index
      %get3A_490 = tpu.vector_load %arg5[%get3A_488, %get3A_489] {strides = array<i32>} : memref<384x128xf32, #tpu.memory_space<vmem>>, vector<1x16xf32>,
      %get3A_491 = vector.shape_cast %get3A_490 : vector<1x16xf32> to vector<16xf32>
      %add3A_492 = arith.addf %add3A_450, %get3A_491 : vector<16xf32>
      %get3A_493 = arith.index_cast %scan3A_457 : i32 to index
      %get3A_494 = arith.constant 112 : index
      %get3A_495 = tpu.vector_load %arg5[%get3A_493, %get3A_494] {strides = array<i32>} : memref<384x128xf32, #tpu.memory_space<vmem>>, vector<1x16xf32>,
      %get3A_496 = vector.shape_cast %get3A_495 : vector<1x16xf32> to vector<16xf32>
      %add3A_497 = arith.addf %add3A_455, %get3A_496 : vector<16xf32>
      %scan3A_498 = arith.constant 3 : i32
      %scan3A_499 = arith.addi %scan3A_366, %scan3A_498 : i32
      %get3A_500 = arith.index_cast %scan3A_499 : i32 to index
      %get3A_501 = arith.constant 0 : index
      %get3A_502 = tpu.vector_load %arg5[%get3A_500, %get3A_501] {strides = array<i32>} : memref<384x128xf32, #tpu.memory_space<vmem>>, vector<1x16xf32>,
      %get3A_503 = vector.shape_cast %get3A_502 : vector<1x16xf32> to vector<16xf32>
      %add3A_504 = arith.addf %add3A_462, %get3A_503 : vector<16xf32>
      %get3A_505 = arith.index_cast %scan3A_499 : i32 to index
      %get3A_506 = arith.constant 16 : index
      %get3A_507 = tpu.vector_load %arg5[%get3A_505, %get3A_506] {strides = array<i32>} : memref<384x128xf32, #tpu.memory_space<vmem>>, vector<1x16xf32>,
      %get3A_508 = vector.shape_cast %get3A_507 : vector<1x16xf32> to vector<16xf32>
      %add3A_509 = arith.addf %add3A_467, %get3A_508 : vector<16xf32>
      %get3A_510 = arith.index_cast %scan3A_499 : i32 to index
      %get3A_511 = arith.constant 32 : index
      %get3A_512 = tpu.vector_load %arg5[%get3A_510, %get3A_511] {strides = array<i32>} : memref<384x128xf32, #tpu.memory_space<vmem>>, vector<1x16xf32>,
      %get3A_513 = vector.shape_cast %get3A_512 : vector<1x16xf32> to vector<16xf32>
      %add3A_514 = arith.addf %add3A_472, %get3A_513 : vector<16xf32>
      %get3A_515 = arith.index_cast %scan3A_499 : i32 to index
      %get3A_516 = arith.constant 48 : index
      %get3A_517 = tpu.vector_load %arg5[%get3A_515, %get3A_516] {strides = array<i32>} : memref<384x128xf32, #tpu.memory_space<vmem>>, vector<1x16xf32>,
      %get3A_518 = vector.shape_cast %get3A_517 : vector<1x16xf32> to vector<16xf32>
      %add3A_519 = arith.addf %add3A_477, %get3A_518 : vector<16xf32>
      %get3A_520 = arith.index_cast %scan3A_499 : i32 to index
      %get3A_521 = arith.constant 64 : index
      %get3A_522 = tpu.vector_load %arg5[%get3A_520, %get3A_521] {strides = array<i32>} : memref<384x128xf32, #tpu.memory_space<vmem>>, vector<1x16xf32>,
      %get3A_523 = vector.shape_cast %get3A_522 : vector<1x16xf32> to vector<16xf32>
      %add3A_524 = arith.addf %add3A_482, %get3A_523 : vector<16xf32>
      %get3A_525 = arith.index_cast %scan3A_499 : i32 to index
      %get3A_526 = arith.constant 80 : index
      %get3A_527 = tpu.vector_load %arg5[%get3A_525, %get3A_526] {strides = array<i32>} : memref<384x128xf32, #tpu.memory_space<vmem>>, vector<1x16xf32>,
      %get3A_528 = vector.shape_cast %get3A_527 : vector<1x16xf32> to vector<16xf32>
      %add3A_529 = arith.addf %add3A_487, %get3A_528 : vector<16xf32>
      %get3A_530 = arith.index_cast %scan3A_499 : i32 to index
      %get3A_531 = arith.constant 96 : index
      %get3A_532 = tpu.vector_load %arg5[%get3A_530, %get3A_531] {strides = array<i32>} : memref<384x128xf32, #tpu.memory_space<vmem>>, vector<1x16xf32>,
      %get3A_533 = vector.shape_cast %get3A_532 : vector<1x16xf32> to vector<16xf32>
      %add3A_534 = arith.addf %add3A_492, %get3A_533 : vector<16xf32>
      %get3A_535 = arith.index_cast %scan3A_499 : i32 to index
      %get3A_536 = arith.constant 112 : index
      %get3A_537 = tpu.vector_load %arg5[%get3A_535, %get3A_536] {strides = array<i32>} : memref<384x128xf32, #tpu.memory_space<vmem>>, vector<1x16xf32>,
      %get3A_538 = vector.shape_cast %get3A_537 : vector<1x16xf32> to vector<16xf32>
      %add3A_539 = arith.addf %add3A_497, %get3A_538 : vector<16xf32>
      scf.yield %add3A_504, %add3A_509, %add3A_514, %add3A_519, %add3A_524, %add3A_529, %add3A_534, %add3A_539 : vector<16xf32>, vector<16xf32>, vector<16xf32>, vector<16xf32>, vector<16xf32>, vector<16xf32>, vector<16xf32>, vector<16xf32>
    }
    %scan3A_146 = arith.constant 384 : i32
    %swap3A = arith.constant 0 : i32
    %swap3A_147 = arith.index_cast %swap3A : i32 to index
    %swap3A_148 = arith.constant 0 : index
    %swap3A_149 = tpu.vector_load %arg6[%swap3A_147, %swap3A_148] {strides = array<i32>} : memref<2x128xf32, #tpu.memory_space<vmem>>, vector<1x16xf32>,
    %swap3A_150 = vector.shape_cast %swap3A_149 : vector<1x16xf32> to vector<16xf32>
    %swap3A_151 = vector.shape_cast %scan3A_145#0 : vector<16xf32> to vector<1x16xf32>
    tpu.vector_store %arg6[%swap3A_147, %swap3A_148], %swap3A_151 {strides = array<i32>} : memref<2x128xf32, #tpu.memory_space<vmem>>, vector<1x16xf32>,
    %swap3A_152 = arith.constant 0 : i32
    %swap3A_153 = arith.index_cast %swap3A_152 : i32 to index
    %swap3A_154 = arith.constant 16 : index
    %swap3A_155 = tpu.vector_load %arg6[%swap3A_153, %swap3A_154] {strides = array<i32>} : memref<2x128xf32, #tpu.memory_space<vmem>>, vector<1x16xf32>,
    %swap3A_156 = vector.shape_cast %swap3A_155 : vector<1x16xf32> to vector<16xf32>
    %swap3A_157 = vector.shape_cast %scan3A_145#1 : vector<16xf32> to vector<1x16xf32>
    tpu.vector_store %arg6[%swap3A_153, %swap3A_154], %swap3A_157 {strides = array<i32>} : memref<2x128xf32, #tpu.memory_space<vmem>>, vector<1x16xf32>,
    %swap3A_158 = arith.constant 0 : i32
    %swap3A_159 = arith.index_cast %swap3A_158 : i32 to index
    %swap3A_160 = arith.constant 32 : index
    %swap3A_161 = tpu.vector_load %arg6[%swap3A_159, %swap3A_160] {strides = array<i32>} : memref<2x128xf32, #tpu.memory_space<vmem>>, vector<1x16xf32>,
    %swap3A_162 = vector.shape_cast %swap3A_161 : vector<1x16xf32> to vector<16xf32>
    %swap3A_163 = vector.shape_cast %scan3A_145#2 : vector<16xf32> to vector<1x16xf32>
    tpu.vector_store %arg6[%swap3A_159, %swap3A_160], %swap3A_163 {strides = array<i32>} : memref<2x128xf32, #tpu.memory_space<vmem>>, vector<1x16xf32>,
    %swap3A_164 = arith.constant 0 : i32
    %swap3A_165 = arith.index_cast %swap3A_164 : i32 to index
    %swap3A_166 = arith.constant 48 : index
    %swap3A_167 = tpu.vector_load %arg6[%swap3A_165, %swap3A_166] {strides = array<i32>} : memref<2x128xf32, #tpu.memory_space<vmem>>, vector<1x16xf32>,
    %swap3A_168 = vector.shape_cast %swap3A_167 : vector<1x16xf32> to vector<16xf32>
    %swap3A_169 = vector.shape_cast %scan3A_145#3 : vector<16xf32> to vector<1x16xf32>
    tpu.vector_store %arg6[%swap3A_165, %swap3A_166], %swap3A_169 {strides = array<i32>} : memref<2x128xf32, #tpu.memory_space<vmem>>, vector<1x16xf32>,
    %swap3A_170 = arith.constant 0 : i32
    %swap3A_171 = arith.index_cast %swap3A_170 : i32 to index
    %swap3A_172 = arith.constant 64 : index
    %swap3A_173 = tpu.vector_load %arg6[%swap3A_171, %swap3A_172] {strides = array<i32>} : memref<2x128xf32, #tpu.memory_space<vmem>>, vector<1x16xf32>,
    %swap3A_174 = vector.shape_cast %swap3A_173 : vector<1x16xf32> to vector<16xf32>
    %swap3A_175 = vector.shape_cast %scan3A_145#4 : vector<16xf32> to vector<1x16xf32>
    tpu.vector_store %arg6[%swap3A_171, %swap3A_172], %swap3A_175 {strides = array<i32>} : memref<2x128xf32, #tpu.memory_space<vmem>>, vector<1x16xf32>,
    %swap3A_176 = arith.constant 0 : i32
    %swap3A_177 = arith.index_cast %swap3A_176 : i32 to index
    %swap3A_178 = arith.constant 80 : index
    %swap3A_179 = tpu.vector_load %arg6[%swap3A_177, %swap3A_178] {strides = array<i32>} : memref<2x128xf32, #tpu.memory_space<vmem>>, vector<1x16xf32>,
    %swap3A_180 = vector.shape_cast %swap3A_179 : vector<1x16xf32> to vector<16xf32>
    %swap3A_181 = vector.shape_cast %scan3A_145#5 : vector<16xf32> to vector<1x16xf32>
    tpu.vector_store %arg6[%swap3A_177, %swap3A_178], %swap3A_181 {strides = array<i32>} : memref<2x128xf32, #tpu.memory_space<vmem>>, vector<1x16xf32>,
    %swap3A_182 = arith.constant 0 : i32
    %swap3A_183 = arith.index_cast %swap3A_182 : i32 to index
    %swap3A_184 = arith.constant 96 : index
    %swap3A_185 = tpu.vector_load %arg6[%swap3A_183, %swap3A_184] {strides = array<i32>} : memref<2x128xf32, #tpu.memory_space<vmem>>, vector<1x16xf32>,
    %swap3A_186 = vector.shape_cast %swap3A_185 : vector<1x16xf32> to vector<16xf32>
    %swap3A_187 = vector.shape_cast %scan3A_145#6 : vector<16xf32> to vector<1x16xf32>
    tpu.vector_store %arg6[%swap3A_183, %swap3A_184], %swap3A_187 {strides = array<i32>} : memref<2x128xf32, #tpu.memory_space<vmem>>, vector<1x16xf32>,
    %swap3A_188 = arith.constant 0 : i32
    %swap3A_189 = arith.index_cast %swap3A_188 : i32 to index
    %swap3A_190 = arith.constant 112 : index
    %swap3A_191 = tpu.vector_load %arg6[%swap3A_189, %swap3A_190] {strides = array<i32>} : memref<2x128xf32, #tpu.memory_space<vmem>>, vector<1x16xf32>,
    %swap3A_192 = vector.shape_cast %swap3A_191 : vector<1x16xf32> to vector<16xf32>
    %swap3A_193 = vector.shape_cast %scan3A_145#7 : vector<16xf32> to vector<1x16xf32>
    tpu.vector_store %arg6[%swap3A_189, %swap3A_190], %swap3A_193 {strides = array<i32>} : memref<2x128xf32, #tpu.memory_space<vmem>>, vector<1x16xf32>,
    %broadcast_in_dim3A_194 = arith.constant 0.000000e+00 : f32
    %broadcast_in_dim3A_195 = vector.broadcast %broadcast_in_dim3A_194 : f32 to vector<16xf32>
    %broadcast_in_dim3A_196 = arith.constant 0.000000e+00 : f32
    %broadcast_in_dim3A_197 = vector.broadcast %broadcast_in_dim3A_196 : f32 to vector<16xf32>
    %broadcast_in_dim3A_198 = arith.constant 0.000000e+00 : f32
    %broadcast_in_dim3A_199 = vector.broadcast %broadcast_in_dim3A_198 : f32 to vector<16xf32>
    %broadcast_in_dim3A_200 = arith.constant 0.000000e+00 : f32
    %broadcast_in_dim3A_201 = vector.broadcast %broadcast_in_dim3A_200 : f32 to vector<16xf32>
    %broadcast_in_dim3A_202 = arith.constant 0.000000e+00 : f32
    %broadcast_in_dim3A_203 = vector.broadcast %broadcast_in_dim3A_202 : f32 to vector<16xf32>
    %broadcast_in_dim3A_204 = arith.constant 0.000000e+00 : f32
    %broadcast_in_dim3A_205 = vector.broadcast %broadcast_in_dim3A_204 : f32 to vector<16xf32>
    %broadcast_in_dim3A_206 = arith.constant 0.000000e+00 : f32
    %broadcast_in_dim3A_207 = vector.broadcast %broadcast_in_dim3A_206 : f32 to vector<16xf32>
    %broadcast_in_dim3A_208 = arith.constant 0.000000e+00 : f32
    %broadcast_in_dim3A_209 = vector.broadcast %broadcast_in_dim3A_208 : f32 to vector<16xf32>
    %add3A_210 = arith.constant 1 : i32
    %add3A_211 = arith.addi %mul3A_2, %add3A_210 : i32
    %mul3A_212 = arith.constant 4096 : i32
    %mul3A_213 = arith.muli %add3A_211, %mul3A_212 : i32
    %add3A_214 = arith.constant 2560 : i32
    %add3A_215 = arith.addi %mul3A_213, %add3A_214 : i32
    %add3A_216 = arith.constant 384 : i32
    %add3A_217 = arith.addi %add3A_215, %add3A_216 : i32
    %dma_start3A_218 = arith.constant 0 : i32
    %dma_start3A_219 = tpu.memref_slice %arg2[%add3A_217, %dma_start3A_218] : memref<262144x128xf32, #tpu.memory_space<hbm>> -> memref<384x128xf32, #tpu.memory_space<hbm>>
    %dma_start3A_220 = arith.constant 0 : i32
    %dma_start3A_221 = tpu.memref_slice %arg2[%add3A_217, %dma_start3A_220] : memref<262144x128xf32, #tpu.memory_space<hbm>> -> memref<384x128xf32, #tpu.memory_space<hbm>>
    tpu.enqueue_dma source(%dma_start3A_221 : memref<384x128xf32, #tpu.memory_space<hbm>>) target(%arg5 : memref<384x128xf32, #tpu.memory_space<vmem>>) target_semaphore(%arg8 : memref<!tpu.dma_semaphore, #tpu.memory_space<semaphore_mem>>)
    %add3A_222 = arith.constant 1 : i32
    %add3A_223 = arith.addi %mul3A_2, %add3A_222 : i32
    %mul3A_224 = arith.constant 4096 : i32
    %mul3A_225 = arith.muli %add3A_223, %mul3A_224 : i32
    %add3A_226 = arith.constant 2560 : i32
    %add3A_227 = arith.addi %mul3A_225, %add3A_226 : i32
    %add3A_228 = arith.constant 0 : i32
    %add3A_229 = arith.addi %add3A_227, %add3A_228 : i32
    %dma_wait3A_230 = arith.constant 0 : i32
    %dma_wait3A_231 = tpu.memref_slice %arg2[%add3A_229, %dma_wait3A_230] : memref<262144x128xf32, #tpu.memory_space<hbm>> -> memref<384x128xf32, #tpu.memory_space<hbm>>
    %dma_wait3A_232 = arith.constant 0 : i32
    %dma_wait3A_233 = tpu.memref_slice %arg2[%add3A_229, %dma_wait3A_232] : memref<262144x128xf32, #tpu.memory_space<hbm>> -> memref<384x128xf32, #tpu.memory_space<hbm>>
    tpu.wait_dma2 semaphore(%arg7 : memref<!tpu.dma_semaphore, #tpu.memory_space<semaphore_mem>>) src(%dma_wait3A_233 : memref<384x128xf32, #tpu.memory_space<hbm>>) dst(%arg4 : memref<384x128xf32, #tpu.memory_space<vmem>>)
    %scan3A_234 = arith.constant 0 : i32
    %scan3A_235 = arith.constant 384 : i32
    %scan3A_236 = arith.addi %scan3A_234, %scan3A_235 : i32
    %scan3A_237 = arith.constant 4 : i32
    %scan3A_238:8 = scf.for %scan3A_366 = %scan3A_234 to %scan3A_236 step %scan3A_237 iter_args(%scan3A_367 = %broadcast_in_dim3A_195, %scan3A_368 = %broadcast_in_dim3A_197, %scan3A_369 = %broadcast_in_dim3A_199, %scan3A_370 = %broadcast_in_dim3A_201, %scan3A_371 = %broadcast_in_dim3A_203, %scan3A_372 = %broadcast_in_dim3A_205, %scan3A_373 = %broadcast_in_dim3A_207, %scan3A_374 = %broadcast_in_dim3A_209) -> (vector<16xf32>, vector<16xf32>, vector<16xf32>, vector<16xf32>, vector<16xf32>, vector<16xf32>, vector<16xf32>, vector<16xf32>)  : i32 {
      %get3A = arith.index_cast %scan3A_366 : i32 to index
      %get3A_375 = arith.constant 0 : index
      %get3A_376 = tpu.vector_load %arg4[%get3A, %get3A_375] {strides = array<i32>} : memref<384x128xf32, #tpu.memory_space<vmem>>, vector<1x16xf32>,
      %get3A_377 = vector.shape_cast %get3A_376 : vector<1x16xf32> to vector<16xf32>
      %add3A_378 = arith.addf %scan3A_367, %get3A_377 : vector<16xf32>
      %get3A_379 = arith.index_cast %scan3A_366 : i32 to index
      %get3A_380 = arith.constant 16 : index
      %get3A_381 = tpu.vector_load %arg4[%get3A_379, %get3A_380] {strides = array<i32>} : memref<384x128xf32, #tpu.memory_space<vmem>>, vector<1x16xf32>,
      %get3A_382 = vector.shape_cast %get3A_381 : vector<1x16xf32> to vector<16xf32>
      %add3A_383 = arith.addf %scan3A_368, %get3A_382 : vector<16xf32>
      %get3A_384 = arith.index_cast %scan3A_366 : i32 to index
      %get3A_385 = arith.constant 32 : index
      %get3A_386 = tpu.vector_load %arg4[%get3A_384, %get3A_385] {strides = array<i32>} : memref<384x128xf32, #tpu.memory_space<vmem>>, vector<1x16xf32>,
      %get3A_387 = vector.shape_cast %get3A_386 : vector<1x16xf32> to vector<16xf32>
      %add3A_388 = arith.addf %scan3A_369, %get3A_387 : vector<16xf32>
      %get3A_389 = arith.index_cast %scan3A_366 : i32 to index
      %get3A_390 = arith.constant 48 : index
      %get3A_391 = tpu.vector_load %arg4[%get3A_389, %get3A_390] {strides = array<i32>} : memref<384x128xf32, #tpu.memory_space<vmem>>, vector<1x16xf32>,
      %get3A_392 = vector.shape_cast %get3A_391 : vector<1x16xf32> to vector<16xf32>
      %add3A_393 = arith.addf %scan3A_370, %get3A_392 : vector<16xf32>
      %get3A_394 = arith.index_cast %scan3A_366 : i32 to index
      %get3A_395 = arith.constant 64 : index
      %get3A_396 = tpu.vector_load %arg4[%get3A_394, %get3A_395] {strides = array<i32>} : memref<384x128xf32, #tpu.memory_space<vmem>>, vector<1x16xf32>,
      %get3A_397 = vector.shape_cast %get3A_396 : vector<1x16xf32> to vector<16xf32>
      %add3A_398 = arith.addf %scan3A_371, %get3A_397 : vector<16xf32>
      %get3A_399 = arith.index_cast %scan3A_366 : i32 to index
      %get3A_400 = arith.constant 80 : index
      %get3A_401 = tpu.vector_load %arg4[%get3A_399, %get3A_400] {strides = array<i32>} : memref<384x128xf32, #tpu.memory_space<vmem>>, vector<1x16xf32>,
      %get3A_402 = vector.shape_cast %get3A_401 : vector<1x16xf32> to vector<16xf32>
      %add3A_403 = arith.addf %scan3A_372, %get3A_402 : vector<16xf32>
      %get3A_404 = arith.index_cast %scan3A_366 : i32 to index
      %get3A_405 = arith.constant 96 : index
      %get3A_406 = tpu.vector_load %arg4[%get3A_404, %get3A_405] {strides = array<i32>} : memref<384x128xf32, #tpu.memory_space<vmem>>, vector<1x16xf32>,
      %get3A_407 = vector.shape_cast %get3A_406 : vector<1x16xf32> to vector<16xf32>
      %add3A_408 = arith.addf %scan3A_373, %get3A_407 : vector<16xf32>
      %get3A_409 = arith.index_cast %scan3A_366 : i32 to index
      %get3A_410 = arith.constant 112 : index
      %get3A_411 = tpu.vector_load %arg4[%get3A_409, %get3A_410] {strides = array<i32>} : memref<384x128xf32, #tpu.memory_space<vmem>>, vector<1x16xf32>,
      %get3A_412 = vector.shape_cast %get3A_411 : vector<1x16xf32> to vector<16xf32>
      %add3A_413 = arith.addf %scan3A_374, %get3A_412 : vector<16xf32>
      %scan3A_414 = arith.constant 1 : i32
      %scan3A_415 = arith.addi %scan3A_366, %scan3A_414 : i32
      %get3A_416 = arith.index_cast %scan3A_415 : i32 to index
      %get3A_417 = arith.constant 0 : index
      %get3A_418 = tpu.vector_load %arg4[%get3A_416, %get3A_417] {strides = array<i32>} : memref<384x128xf32, #tpu.memory_space<vmem>>, vector<1x16xf32>,
      %get3A_419 = vector.shape_cast %get3A_418 : vector<1x16xf32> to vector<16xf32>
      %add3A_420 = arith.addf %add3A_378, %get3A_419 : vector<16xf32>
      %get3A_421 = arith.index_cast %scan3A_415 : i32 to index
      %get3A_422 = arith.constant 16 : index
      %get3A_423 = tpu.vector_load %arg4[%get3A_421, %get3A_422] {strides = array<i32>} : memref<384x128xf32, #tpu.memory_space<vmem>>, vector<1x16xf32>,
      %get3A_424 = vector.shape_cast %get3A_423 : vector<1x16xf32> to vector<16xf32>
      %add3A_425 = arith.addf %add3A_383, %get3A_424 : vector<16xf32>
      %get3A_426 = arith.index_cast %scan3A_415 : i32 to index
      %get3A_427 = arith.constant 32 : index
      %get3A_428 = tpu.vector_load %arg4[%get3A_426, %get3A_427] {strides = array<i32>} : memref<384x128xf32, #tpu.memory_space<vmem>>, vector<1x16xf32>,
      %get3A_429 = vector.shape_cast %get3A_428 : vector<1x16xf32> to vector<16xf32>
      %add3A_430 = arith.addf %add3A_388, %get3A_429 : vector<16xf32>
      %get3A_431 = arith.index_cast %scan3A_415 : i32 to index
      %get3A_432 = arith.constant 48 : index
      %get3A_433 = tpu.vector_load %arg4[%get3A_431, %get3A_432] {strides = array<i32>} : memref<384x128xf32, #tpu.memory_space<vmem>>, vector<1x16xf32>,
      %get3A_434 = vector.shape_cast %get3A_433 : vector<1x16xf32> to vector<16xf32>
      %add3A_435 = arith.addf %add3A_393, %get3A_434 : vector<16xf32>
      %get3A_436 = arith.index_cast %scan3A_415 : i32 to index
      %get3A_437 = arith.constant 64 : index
      %get3A_438 = tpu.vector_load %arg4[%get3A_436, %get3A_437] {strides = array<i32>} : memref<384x128xf32, #tpu.memory_space<vmem>>, vector<1x16xf32>,
      %get3A_439 = vector.shape_cast %get3A_438 : vector<1x16xf32> to vector<16xf32>
      %add3A_440 = arith.addf %add3A_398, %get3A_439 : vector<16xf32>
      %get3A_441 = arith.index_cast %scan3A_415 : i32 to index
      %get3A_442 = arith.constant 80 : index
      %get3A_443 = tpu.vector_load %arg4[%get3A_441, %get3A_442] {strides = array<i32>} : memref<384x128xf32, #tpu.memory_space<vmem>>, vector<1x16xf32>,
      %get3A_444 = vector.shape_cast %get3A_443 : vector<1x16xf32> to vector<16xf32>
      %add3A_445 = arith.addf %add3A_403, %get3A_444 : vector<16xf32>
      %get3A_446 = arith.index_cast %scan3A_415 : i32 to index
      %get3A_447 = arith.constant 96 : index
      %get3A_448 = tpu.vector_load %arg4[%get3A_446, %get3A_447] {strides = array<i32>} : memref<384x128xf32, #tpu.memory_space<vmem>>, vector<1x16xf32>,
      %get3A_449 = vector.shape_cast %get3A_448 : vector<1x16xf32> to vector<16xf32>
      %add3A_450 = arith.addf %add3A_408, %get3A_449 : vector<16xf32>
      %get3A_451 = arith.index_cast %scan3A_415 : i32 to index
      %get3A_452 = arith.constant 112 : index
      %get3A_453 = tpu.vector_load %arg4[%get3A_451, %get3A_452] {strides = array<i32>} : memref<384x128xf32, #tpu.memory_space<vmem>>, vector<1x16xf32>,
      %get3A_454 = vector.shape_cast %get3A_453 : vector<1x16xf32> to vector<16xf32>
      %add3A_455 = arith.addf %add3A_413, %get3A_454 : vector<16xf32>
      %scan3A_456 = arith.constant 2 : i32
      %scan3A_457 = arith.addi %scan3A_366, %scan3A_456 : i32
      %get3A_458 = arith.index_cast %scan3A_457 : i32 to index
      %get3A_459 = arith.constant 0 : index
      %get3A_460 = tpu.vector_load %arg4[%get3A_458, %get3A_459] {strides = array<i32>} : memref<384x128xf32, #tpu.memory_space<vmem>>, vector<1x16xf32>,
      %get3A_461 = vector.shape_cast %get3A_460 : vector<1x16xf32> to vector<16xf32>
      %add3A_462 = arith.addf %add3A_420, %get3A_461 : vector<16xf32>
      %get3A_463 = arith.index_cast %scan3A_457 : i32 to index
      %get3A_464 = arith.constant 16 : index
      %get3A_465 = tpu.vector_load %arg4[%get3A_463, %get3A_464] {strides = array<i32>} : memref<384x128xf32, #tpu.memory_space<vmem>>, vector<1x16xf32>,
      %get3A_466 = vector.shape_cast %get3A_465 : vector<1x16xf32> to vector<16xf32>
      %add3A_467 = arith.addf %add3A_425, %get3A_466 : vector<16xf32>
      %get3A_468 = arith.index_cast %scan3A_457 : i32 to index
      %get3A_469 = arith.constant 32 : index
      %get3A_470 = tpu.vector_load %arg4[%get3A_468, %get3A_469] {strides = array<i32>} : memref<384x128xf32, #tpu.memory_space<vmem>>, vector<1x16xf32>,
      %get3A_471 = vector.shape_cast %get3A_470 : vector<1x16xf32> to vector<16xf32>
      %add3A_472 = arith.addf %add3A_430, %get3A_471 : vector<16xf32>
      %get3A_473 = arith.index_cast %scan3A_457 : i32 to index
      %get3A_474 = arith.constant 48 : index
      %get3A_475 = tpu.vector_load %arg4[%get3A_473, %get3A_474] {strides = array<i32>} : memref<384x128xf32, #tpu.memory_space<vmem>>, vector<1x16xf32>,
      %get3A_476 = vector.shape_cast %get3A_475 : vector<1x16xf32> to vector<16xf32>
      %add3A_477 = arith.addf %add3A_435, %get3A_476 : vector<16xf32>
      %get3A_478 = arith.index_cast %scan3A_457 : i32 to index
      %get3A_479 = arith.constant 64 : index
      %get3A_480 = tpu.vector_load %arg4[%get3A_478, %get3A_479] {strides = array<i32>} : memref<384x128xf32, #tpu.memory_space<vmem>>, vector<1x16xf32>,
      %get3A_481 = vector.shape_cast %get3A_480 : vector<1x16xf32> to vector<16xf32>
      %add3A_482 = arith.addf %add3A_440, %get3A_481 : vector<16xf32>
      %get3A_483 = arith.index_cast %scan3A_457 : i32 to index
      %get3A_484 = arith.constant 80 : index
      %get3A_485 = tpu.vector_load %arg4[%get3A_483, %get3A_484] {strides = array<i32>} : memref<384x128xf32, #tpu.memory_space<vmem>>, vector<1x16xf32>,
      %get3A_486 = vector.shape_cast %get3A_485 : vector<1x16xf32> to vector<16xf32>
      %add3A_487 = arith.addf %add3A_445, %get3A_486 : vector<16xf32>
      %get3A_488 = arith.index_cast %scan3A_457 : i32 to index
      %get3A_489 = arith.constant 96 : index
      %get3A_490 = tpu.vector_load %arg4[%get3A_488, %get3A_489] {strides = array<i32>} : memref<384x128xf32, #tpu.memory_space<vmem>>, vector<1x16xf32>,
      %get3A_491 = vector.shape_cast %get3A_490 : vector<1x16xf32> to vector<16xf32>
      %add3A_492 = arith.addf %add3A_450, %get3A_491 : vector<16xf32>
      %get3A_493 = arith.index_cast %scan3A_457 : i32 to index
      %get3A_494 = arith.constant 112 : index
      %get3A_495 = tpu.vector_load %arg4[%get3A_493, %get3A_494] {strides = array<i32>} : memref<384x128xf32, #tpu.memory_space<vmem>>, vector<1x16xf32>,
      %get3A_496 = vector.shape_cast %get3A_495 : vector<1x16xf32> to vector<16xf32>
      %add3A_497 = arith.addf %add3A_455, %get3A_496 : vector<16xf32>
      %scan3A_498 = arith.constant 3 : i32
      %scan3A_499 = arith.addi %scan3A_366, %scan3A_498 : i32
      %get3A_500 = arith.index_cast %scan3A_499 : i32 to index
      %get3A_501 = arith.constant 0 : index
      %get3A_502 = tpu.vector_load %arg4[%get3A_500, %get3A_501] {strides = array<i32>} : memref<384x128xf32, #tpu.memory_space<vmem>>, vector<1x16xf32>,
      %get3A_503 = vector.shape_cast %get3A_502 : vector<1x16xf32> to vector<16xf32>
      %add3A_504 = arith.addf %add3A_462, %get3A_503 : vector<16xf32>
      %get3A_505 = arith.index_cast %scan3A_499 : i32 to index
      %get3A_506 = arith.constant 16 : index
      %get3A_507 = tpu.vector_load %arg4[%get3A_505, %get3A_506] {strides = array<i32>} : memref<384x128xf32, #tpu.memory_space<vmem>>, vector<1x16xf32>,
      %get3A_508 = vector.shape_cast %get3A_507 : vector<1x16xf32> to vector<16xf32>
      %add3A_509 = arith.addf %add3A_467, %get3A_508 : vector<16xf32>
      %get3A_510 = arith.index_cast %scan3A_499 : i32 to index
      %get3A_511 = arith.constant 32 : index
      %get3A_512 = tpu.vector_load %arg4[%get3A_510, %get3A_511] {strides = array<i32>} : memref<384x128xf32, #tpu.memory_space<vmem>>, vector<1x16xf32>,
      %get3A_513 = vector.shape_cast %get3A_512 : vector<1x16xf32> to vector<16xf32>
      %add3A_514 = arith.addf %add3A_472, %get3A_513 : vector<16xf32>
      %get3A_515 = arith.index_cast %scan3A_499 : i32 to index
      %get3A_516 = arith.constant 48 : index
      %get3A_517 = tpu.vector_load %arg4[%get3A_515, %get3A_516] {strides = array<i32>} : memref<384x128xf32, #tpu.memory_space<vmem>>, vector<1x16xf32>,
      %get3A_518 = vector.shape_cast %get3A_517 : vector<1x16xf32> to vector<16xf32>
      %add3A_519 = arith.addf %add3A_477, %get3A_518 : vector<16xf32>
      %get3A_520 = arith.index_cast %scan3A_499 : i32 to index
      %get3A_521 = arith.constant 64 : index
      %get3A_522 = tpu.vector_load %arg4[%get3A_520, %get3A_521] {strides = array<i32>} : memref<384x128xf32, #tpu.memory_space<vmem>>, vector<1x16xf32>,
      %get3A_523 = vector.shape_cast %get3A_522 : vector<1x16xf32> to vector<16xf32>
      %add3A_524 = arith.addf %add3A_482, %get3A_523 : vector<16xf32>
      %get3A_525 = arith.index_cast %scan3A_499 : i32 to index
      %get3A_526 = arith.constant 80 : index
      %get3A_527 = tpu.vector_load %arg4[%get3A_525, %get3A_526] {strides = array<i32>} : memref<384x128xf32, #tpu.memory_space<vmem>>, vector<1x16xf32>,
      %get3A_528 = vector.shape_cast %get3A_527 : vector<1x16xf32> to vector<16xf32>
      %add3A_529 = arith.addf %add3A_487, %get3A_528 : vector<16xf32>
      %get3A_530 = arith.index_cast %scan3A_499 : i32 to index
      %get3A_531 = arith.constant 96 : index
      %get3A_532 = tpu.vector_load %arg4[%get3A_530, %get3A_531] {strides = array<i32>} : memref<384x128xf32, #tpu.memory_space<vmem>>, vector<1x16xf32>,
      %get3A_533 = vector.shape_cast %get3A_532 : vector<1x16xf32> to vector<16xf32>
      %add3A_534 = arith.addf %add3A_492, %get3A_533 : vector<16xf32>
      %get3A_535 = arith.index_cast %scan3A_499 : i32 to index
      %get3A_536 = arith.constant 112 : index
      %get3A_537 = tpu.vector_load %arg4[%get3A_535, %get3A_536] {strides = array<i32>} : memref<384x128xf32, #tpu.memory_space<vmem>>, vector<1x16xf32>,
      %get3A_538 = vector.shape_cast %get3A_537 : vector<1x16xf32> to vector<16xf32>
      %add3A_539 = arith.addf %add3A_497, %get3A_538 : vector<16xf32>
      scf.yield %add3A_504, %add3A_509, %add3A_514, %add3A_519, %add3A_524, %add3A_529, %add3A_534, %add3A_539 : vector<16xf32>, vector<16xf32>, vector<16xf32>, vector<16xf32>, vector<16xf32>, vector<16xf32>, vector<16xf32>, vector<16xf32>
    }
    %scan3A_239 = arith.constant 384 : i32
    %add3A_240 = arith.constant 1 : i32
    %add3A_241 = arith.addi %mul3A_2, %add3A_240 : i32
    %mul3A_242 = arith.constant 4096 : i32
    %mul3A_243 = arith.muli %add3A_241, %mul3A_242 : i32
    %add3A_244 = arith.constant 2560 : i32
    %add3A_245 = arith.addi %mul3A_243, %add3A_244 : i32
    %add3A_246 = arith.constant 768 : i32
    %add3A_247 = arith.addi %add3A_245, %add3A_246 : i32
    %dma_start3A_248 = arith.constant 0 : i32
    %dma_start3A_249 = tpu.memref_slice %arg2[%add3A_247, %dma_start3A_248] : memref<262144x128xf32, #tpu.memory_space<hbm>> -> memref<384x128xf32, #tpu.memory_space<hbm>>
    %dma_start3A_250 = arith.constant 0 : i32
    %dma_start3A_251 = tpu.memref_slice %arg2[%add3A_247, %dma_start3A_250] : memref<262144x128xf32, #tpu.memory_space<hbm>> -> memref<384x128xf32, #tpu.memory_space<hbm>>
    tpu.enqueue_dma source(%dma_start3A_251 : memref<384x128xf32, #tpu.memory_space<hbm>>) target(%arg4 : memref<384x128xf32, #tpu.memory_space<vmem>>) target_semaphore(%arg7 : memref<!tpu.dma_semaphore, #tpu.memory_space<semaphore_mem>>)
    %add3A_252 = arith.constant 1 : i32
    %add3A_253 = arith.addi %mul3A_2, %add3A_252 : i32
    %mul3A_254 = arith.constant 4096 : i32
    %mul3A_255 = arith.muli %add3A_253, %mul3A_254 : i32
    %add3A_256 = arith.constant 2560 : i32
    %add3A_257 = arith.addi %mul3A_255, %add3A_256 : i32
    %add3A_258 = arith.constant 384 : i32
    %add3A_259 = arith.addi %add3A_257, %add3A_258 : i32
    %dma_wait3A_260 = arith.constant 0 : i32
    %dma_wait3A_261 = tpu.memref_slice %arg2[%add3A_259, %dma_wait3A_260] : memref<262144x128xf32, #tpu.memory_space<hbm>> -> memref<384x128xf32, #tpu.memory_space<hbm>>
    %dma_wait3A_262 = arith.constant 0 : i32
    %dma_wait3A_263 = tpu.memref_slice %arg2[%add3A_259, %dma_wait3A_262] : memref<262144x128xf32, #tpu.memory_space<hbm>> -> memref<384x128xf32, #tpu.memory_space<hbm>>
    tpu.wait_dma2 semaphore(%arg8 : memref<!tpu.dma_semaphore, #tpu.memory_space<semaphore_mem>>) src(%dma_wait3A_263 : memref<384x128xf32, #tpu.memory_space<hbm>>) dst(%arg5 : memref<384x128xf32, #tpu.memory_space<vmem>>)
    %scan3A_264 = arith.constant 0 : i32
    %scan3A_265 = arith.constant 384 : i32
    %scan3A_266 = arith.addi %scan3A_264, %scan3A_265 : i32
    %scan3A_267 = arith.constant 4 : i32
    %scan3A_268:8 = scf.for %scan3A_366 = %scan3A_264 to %scan3A_266 step %scan3A_267 iter_args(%scan3A_367 = %scan3A_238#0, %scan3A_368 = %scan3A_238#1, %scan3A_369 = %scan3A_238#2, %scan3A_370 = %scan3A_238#3, %scan3A_371 = %scan3A_238#4, %scan3A_372 = %scan3A_238#5, %scan3A_373 = %scan3A_238#6, %scan3A_374 = %scan3A_238#7) -> (vector<16xf32>, vector<16xf32>, vector<16xf32>, vector<16xf32>, vector<16xf32>, vector<16xf32>, vector<16xf32>, vector<16xf32>)  : i32 {
      %get3A = arith.index_cast %scan3A_366 : i32 to index
      %get3A_375 = arith.constant 0 : index
      %get3A_376 = tpu.vector_load %arg5[%get3A, %get3A_375] {strides = array<i32>} : memref<384x128xf32, #tpu.memory_space<vmem>>, vector<1x16xf32>,
      %get3A_377 = vector.shape_cast %get3A_376 : vector<1x16xf32> to vector<16xf32>
      %add3A_378 = arith.addf %scan3A_367, %get3A_377 : vector<16xf32>
      %get3A_379 = arith.index_cast %scan3A_366 : i32 to index
      %get3A_380 = arith.constant 16 : index
      %get3A_381 = tpu.vector_load %arg5[%get3A_379, %get3A_380] {strides = array<i32>} : memref<384x128xf32, #tpu.memory_space<vmem>>, vector<1x16xf32>,
      %get3A_382 = vector.shape_cast %get3A_381 : vector<1x16xf32> to vector<16xf32>
      %add3A_383 = arith.addf %scan3A_368, %get3A_382 : vector<16xf32>
      %get3A_384 = arith.index_cast %scan3A_366 : i32 to index
      %get3A_385 = arith.constant 32 : index
      %get3A_386 = tpu.vector_load %arg5[%get3A_384, %get3A_385] {strides = array<i32>} : memref<384x128xf32, #tpu.memory_space<vmem>>, vector<1x16xf32>,
      %get3A_387 = vector.shape_cast %get3A_386 : vector<1x16xf32> to vector<16xf32>
      %add3A_388 = arith.addf %scan3A_369, %get3A_387 : vector<16xf32>
      %get3A_389 = arith.index_cast %scan3A_366 : i32 to index
      %get3A_390 = arith.constant 48 : index
      %get3A_391 = tpu.vector_load %arg5[%get3A_389, %get3A_390] {strides = array<i32>} : memref<384x128xf32, #tpu.memory_space<vmem>>, vector<1x16xf32>,
      %get3A_392 = vector.shape_cast %get3A_391 : vector<1x16xf32> to vector<16xf32>
      %add3A_393 = arith.addf %scan3A_370, %get3A_392 : vector<16xf32>
      %get3A_394 = arith.index_cast %scan3A_366 : i32 to index
      %get3A_395 = arith.constant 64 : index
      %get3A_396 = tpu.vector_load %arg5[%get3A_394, %get3A_395] {strides = array<i32>} : memref<384x128xf32, #tpu.memory_space<vmem>>, vector<1x16xf32>,
      %get3A_397 = vector.shape_cast %get3A_396 : vector<1x16xf32> to vector<16xf32>
      %add3A_398 = arith.addf %scan3A_371, %get3A_397 : vector<16xf32>
      %get3A_399 = arith.index_cast %scan3A_366 : i32 to index
      %get3A_400 = arith.constant 80 : index
      %get3A_401 = tpu.vector_load %arg5[%get3A_399, %get3A_400] {strides = array<i32>} : memref<384x128xf32, #tpu.memory_space<vmem>>, vector<1x16xf32>,
      %get3A_402 = vector.shape_cast %get3A_401 : vector<1x16xf32> to vector<16xf32>
      %add3A_403 = arith.addf %scan3A_372, %get3A_402 : vector<16xf32>
      %get3A_404 = arith.index_cast %scan3A_366 : i32 to index
      %get3A_405 = arith.constant 96 : index
      %get3A_406 = tpu.vector_load %arg5[%get3A_404, %get3A_405] {strides = array<i32>} : memref<384x128xf32, #tpu.memory_space<vmem>>, vector<1x16xf32>,
      %get3A_407 = vector.shape_cast %get3A_406 : vector<1x16xf32> to vector<16xf32>
      %add3A_408 = arith.addf %scan3A_373, %get3A_407 : vector<16xf32>
      %get3A_409 = arith.index_cast %scan3A_366 : i32 to index
      %get3A_410 = arith.constant 112 : index
      %get3A_411 = tpu.vector_load %arg5[%get3A_409, %get3A_410] {strides = array<i32>} : memref<384x128xf32, #tpu.memory_space<vmem>>, vector<1x16xf32>,
      %get3A_412 = vector.shape_cast %get3A_411 : vector<1x16xf32> to vector<16xf32>
      %add3A_413 = arith.addf %scan3A_374, %get3A_412 : vector<16xf32>
      %scan3A_414 = arith.constant 1 : i32
      %scan3A_415 = arith.addi %scan3A_366, %scan3A_414 : i32
      %get3A_416 = arith.index_cast %scan3A_415 : i32 to index
      %get3A_417 = arith.constant 0 : index
      %get3A_418 = tpu.vector_load %arg5[%get3A_416, %get3A_417] {strides = array<i32>} : memref<384x128xf32, #tpu.memory_space<vmem>>, vector<1x16xf32>,
      %get3A_419 = vector.shape_cast %get3A_418 : vector<1x16xf32> to vector<16xf32>
      %add3A_420 = arith.addf %add3A_378, %get3A_419 : vector<16xf32>
      %get3A_421 = arith.index_cast %scan3A_415 : i32 to index
      %get3A_422 = arith.constant 16 : index
      %get3A_423 = tpu.vector_load %arg5[%get3A_421, %get3A_422] {strides = array<i32>} : memref<384x128xf32, #tpu.memory_space<vmem>>, vector<1x16xf32>,
      %get3A_424 = vector.shape_cast %get3A_423 : vector<1x16xf32> to vector<16xf32>
      %add3A_425 = arith.addf %add3A_383, %get3A_424 : vector<16xf32>
      %get3A_426 = arith.index_cast %scan3A_415 : i32 to index
      %get3A_427 = arith.constant 32 : index
      %get3A_428 = tpu.vector_load %arg5[%get3A_426, %get3A_427] {strides = array<i32>} : memref<384x128xf32, #tpu.memory_space<vmem>>, vector<1x16xf32>,
      %get3A_429 = vector.shape_cast %get3A_428 : vector<1x16xf32> to vector<16xf32>
      %add3A_430 = arith.addf %add3A_388, %get3A_429 : vector<16xf32>
      %get3A_431 = arith.index_cast %scan3A_415 : i32 to index
      %get3A_432 = arith.constant 48 : index
      %get3A_433 = tpu.vector_load %arg5[%get3A_431, %get3A_432] {strides = array<i32>} : memref<384x128xf32, #tpu.memory_space<vmem>>, vector<1x16xf32>,
      %get3A_434 = vector.shape_cast %get3A_433 : vector<1x16xf32> to vector<16xf32>
      %add3A_435 = arith.addf %add3A_393, %get3A_434 : vector<16xf32>
      %get3A_436 = arith.index_cast %scan3A_415 : i32 to index
      %get3A_437 = arith.constant 64 : index
      %get3A_438 = tpu.vector_load %arg5[%get3A_436, %get3A_437] {strides = array<i32>} : memref<384x128xf32, #tpu.memory_space<vmem>>, vector<1x16xf32>,
      %get3A_439 = vector.shape_cast %get3A_438 : vector<1x16xf32> to vector<16xf32>
      %add3A_440 = arith.addf %add3A_398, %get3A_439 : vector<16xf32>
      %get3A_441 = arith.index_cast %scan3A_415 : i32 to index
      %get3A_442 = arith.constant 80 : index
      %get3A_443 = tpu.vector_load %arg5[%get3A_441, %get3A_442] {strides = array<i32>} : memref<384x128xf32, #tpu.memory_space<vmem>>, vector<1x16xf32>,
      %get3A_444 = vector.shape_cast %get3A_443 : vector<1x16xf32> to vector<16xf32>
      %add3A_445 = arith.addf %add3A_403, %get3A_444 : vector<16xf32>
      %get3A_446 = arith.index_cast %scan3A_415 : i32 to index
      %get3A_447 = arith.constant 96 : index
      %get3A_448 = tpu.vector_load %arg5[%get3A_446, %get3A_447] {strides = array<i32>} : memref<384x128xf32, #tpu.memory_space<vmem>>, vector<1x16xf32>,
      %get3A_449 = vector.shape_cast %get3A_448 : vector<1x16xf32> to vector<16xf32>
      %add3A_450 = arith.addf %add3A_408, %get3A_449 : vector<16xf32>
      %get3A_451 = arith.index_cast %scan3A_415 : i32 to index
      %get3A_452 = arith.constant 112 : index
      %get3A_453 = tpu.vector_load %arg5[%get3A_451, %get3A_452] {strides = array<i32>} : memref<384x128xf32, #tpu.memory_space<vmem>>, vector<1x16xf32>,
      %get3A_454 = vector.shape_cast %get3A_453 : vector<1x16xf32> to vector<16xf32>
      %add3A_455 = arith.addf %add3A_413, %get3A_454 : vector<16xf32>
      %scan3A_456 = arith.constant 2 : i32
      %scan3A_457 = arith.addi %scan3A_366, %scan3A_456 : i32
      %get3A_458 = arith.index_cast %scan3A_457 : i32 to index
      %get3A_459 = arith.constant 0 : index
      %get3A_460 = tpu.vector_load %arg5[%get3A_458, %get3A_459] {strides = array<i32>} : memref<384x128xf32, #tpu.memory_space<vmem>>, vector<1x16xf32>,
      %get3A_461 = vector.shape_cast %get3A_460 : vector<1x16xf32> to vector<16xf32>
      %add3A_462 = arith.addf %add3A_420, %get3A_461 : vector<16xf32>
      %get3A_463 = arith.index_cast %scan3A_457 : i32 to index
      %get3A_464 = arith.constant 16 : index
      %get3A_465 = tpu.vector_load %arg5[%get3A_463, %get3A_464] {strides = array<i32>} : memref<384x128xf32, #tpu.memory_space<vmem>>, vector<1x16xf32>,
      %get3A_466 = vector.shape_cast %get3A_465 : vector<1x16xf32> to vector<16xf32>
      %add3A_467 = arith.addf %add3A_425, %get3A_466 : vector<16xf32>
      %get3A_468 = arith.index_cast %scan3A_457 : i32 to index
      %get3A_469 = arith.constant 32 : index
      %get3A_470 = tpu.vector_load %arg5[%get3A_468, %get3A_469] {strides = array<i32>} : memref<384x128xf32, #tpu.memory_space<vmem>>, vector<1x16xf32>,
      %get3A_471 = vector.shape_cast %get3A_470 : vector<1x16xf32> to vector<16xf32>
      %add3A_472 = arith.addf %add3A_430, %get3A_471 : vector<16xf32>
      %get3A_473 = arith.index_cast %scan3A_457 : i32 to index
      %get3A_474 = arith.constant 48 : index
      %get3A_475 = tpu.vector_load %arg5[%get3A_473, %get3A_474] {strides = array<i32>} : memref<384x128xf32, #tpu.memory_space<vmem>>, vector<1x16xf32>,
      %get3A_476 = vector.shape_cast %get3A_475 : vector<1x16xf32> to vector<16xf32>
      %add3A_477 = arith.addf %add3A_435, %get3A_476 : vector<16xf32>
      %get3A_478 = arith.index_cast %scan3A_457 : i32 to index
      %get3A_479 = arith.constant 64 : index
      %get3A_480 = tpu.vector_load %arg5[%get3A_478, %get3A_479] {strides = array<i32>} : memref<384x128xf32, #tpu.memory_space<vmem>>, vector<1x16xf32>,
      %get3A_481 = vector.shape_cast %get3A_480 : vector<1x16xf32> to vector<16xf32>
      %add3A_482 = arith.addf %add3A_440, %get3A_481 : vector<16xf32>
      %get3A_483 = arith.index_cast %scan3A_457 : i32 to index
      %get3A_484 = arith.constant 80 : index
      %get3A_485 = tpu.vector_load %arg5[%get3A_483, %get3A_484] {strides = array<i32>} : memref<384x128xf32, #tpu.memory_space<vmem>>, vector<1x16xf32>,
      %get3A_486 = vector.shape_cast %get3A_485 : vector<1x16xf32> to vector<16xf32>
      %add3A_487 = arith.addf %add3A_445, %get3A_486 : vector<16xf32>
      %get3A_488 = arith.index_cast %scan3A_457 : i32 to index
      %get3A_489 = arith.constant 96 : index
      %get3A_490 = tpu.vector_load %arg5[%get3A_488, %get3A_489] {strides = array<i32>} : memref<384x128xf32, #tpu.memory_space<vmem>>, vector<1x16xf32>,
      %get3A_491 = vector.shape_cast %get3A_490 : vector<1x16xf32> to vector<16xf32>
      %add3A_492 = arith.addf %add3A_450, %get3A_491 : vector<16xf32>
      %get3A_493 = arith.index_cast %scan3A_457 : i32 to index
      %get3A_494 = arith.constant 112 : index
      %get3A_495 = tpu.vector_load %arg5[%get3A_493, %get3A_494] {strides = array<i32>} : memref<384x128xf32, #tpu.memory_space<vmem>>, vector<1x16xf32>,
      %get3A_496 = vector.shape_cast %get3A_495 : vector<1x16xf32> to vector<16xf32>
      %add3A_497 = arith.addf %add3A_455, %get3A_496 : vector<16xf32>
      %scan3A_498 = arith.constant 3 : i32
      %scan3A_499 = arith.addi %scan3A_366, %scan3A_498 : i32
      %get3A_500 = arith.index_cast %scan3A_499 : i32 to index
      %get3A_501 = arith.constant 0 : index
      %get3A_502 = tpu.vector_load %arg5[%get3A_500, %get3A_501] {strides = array<i32>} : memref<384x128xf32, #tpu.memory_space<vmem>>, vector<1x16xf32>,
      %get3A_503 = vector.shape_cast %get3A_502 : vector<1x16xf32> to vector<16xf32>
      %add3A_504 = arith.addf %add3A_462, %get3A_503 : vector<16xf32>
      %get3A_505 = arith.index_cast %scan3A_499 : i32 to index
      %get3A_506 = arith.constant 16 : index
      %get3A_507 = tpu.vector_load %arg5[%get3A_505, %get3A_506] {strides = array<i32>} : memref<384x128xf32, #tpu.memory_space<vmem>>, vector<1x16xf32>,
      %get3A_508 = vector.shape_cast %get3A_507 : vector<1x16xf32> to vector<16xf32>
      %add3A_509 = arith.addf %add3A_467, %get3A_508 : vector<16xf32>
      %get3A_510 = arith.index_cast %scan3A_499 : i32 to index
      %get3A_511 = arith.constant 32 : index
      %get3A_512 = tpu.vector_load %arg5[%get3A_510, %get3A_511] {strides = array<i32>} : memref<384x128xf32, #tpu.memory_space<vmem>>, vector<1x16xf32>,
      %get3A_513 = vector.shape_cast %get3A_512 : vector<1x16xf32> to vector<16xf32>
      %add3A_514 = arith.addf %add3A_472, %get3A_513 : vector<16xf32>
      %get3A_515 = arith.index_cast %scan3A_499 : i32 to index
      %get3A_516 = arith.constant 48 : index
      %get3A_517 = tpu.vector_load %arg5[%get3A_515, %get3A_516] {strides = array<i32>} : memref<384x128xf32, #tpu.memory_space<vmem>>, vector<1x16xf32>,
      %get3A_518 = vector.shape_cast %get3A_517 : vector<1x16xf32> to vector<16xf32>
      %add3A_519 = arith.addf %add3A_477, %get3A_518 : vector<16xf32>
      %get3A_520 = arith.index_cast %scan3A_499 : i32 to index
      %get3A_521 = arith.constant 64 : index
      %get3A_522 = tpu.vector_load %arg5[%get3A_520, %get3A_521] {strides = array<i32>} : memref<384x128xf32, #tpu.memory_space<vmem>>, vector<1x16xf32>,
      %get3A_523 = vector.shape_cast %get3A_522 : vector<1x16xf32> to vector<16xf32>
      %add3A_524 = arith.addf %add3A_482, %get3A_523 : vector<16xf32>
      %get3A_525 = arith.index_cast %scan3A_499 : i32 to index
      %get3A_526 = arith.constant 80 : index
      %get3A_527 = tpu.vector_load %arg5[%get3A_525, %get3A_526] {strides = array<i32>} : memref<384x128xf32, #tpu.memory_space<vmem>>, vector<1x16xf32>,
      %get3A_528 = vector.shape_cast %get3A_527 : vector<1x16xf32> to vector<16xf32>
      %add3A_529 = arith.addf %add3A_487, %get3A_528 : vector<16xf32>
      %get3A_530 = arith.index_cast %scan3A_499 : i32 to index
      %get3A_531 = arith.constant 96 : index
      %get3A_532 = tpu.vector_load %arg5[%get3A_530, %get3A_531] {strides = array<i32>} : memref<384x128xf32, #tpu.memory_space<vmem>>, vector<1x16xf32>,
      %get3A_533 = vector.shape_cast %get3A_532 : vector<1x16xf32> to vector<16xf32>
      %add3A_534 = arith.addf %add3A_492, %get3A_533 : vector<16xf32>
      %get3A_535 = arith.index_cast %scan3A_499 : i32 to index
      %get3A_536 = arith.constant 112 : index
      %get3A_537 = tpu.vector_load %arg5[%get3A_535, %get3A_536] {strides = array<i32>} : memref<384x128xf32, #tpu.memory_space<vmem>>, vector<1x16xf32>,
      %get3A_538 = vector.shape_cast %get3A_537 : vector<1x16xf32> to vector<16xf32>
      %add3A_539 = arith.addf %add3A_497, %get3A_538 : vector<16xf32>
      scf.yield %add3A_504, %add3A_509, %add3A_514, %add3A_519, %add3A_524, %add3A_529, %add3A_534, %add3A_539 : vector<16xf32>, vector<16xf32>, vector<16xf32>, vector<16xf32>, vector<16xf32>, vector<16xf32>, vector<16xf32>, vector<16xf32>
    }
    %scan3A_269 = arith.constant 384 : i32
    %add3A_270 = arith.constant 1 : i32
    %add3A_271 = arith.addi %mul3A_2, %add3A_270 : i32
    %mul3A_272 = arith.constant 4096 : i32
    %mul3A_273 = arith.muli %add3A_271, %mul3A_272 : i32
    %add3A_274 = arith.constant 2560 : i32
    %add3A_275 = arith.addi %mul3A_273, %add3A_274 : i32
    %add3A_276 = arith.constant 1152 : i32
    %add3A_277 = arith.addi %add3A_275, %add3A_276 : i32
    %dma_start3A_278 = arith.constant 0 : i32
    %dma_start3A_279 = tpu.memref_slice %arg2[%add3A_277, %dma_start3A_278] : memref<262144x128xf32, #tpu.memory_space<hbm>> -> memref<384x128xf32, #tpu.memory_space<hbm>>
    %dma_start3A_280 = arith.constant 0 : i32
    %dma_start3A_281 = tpu.memref_slice %arg2[%add3A_277, %dma_start3A_280] : memref<262144x128xf32, #tpu.memory_space<hbm>> -> memref<384x128xf32, #tpu.memory_space<hbm>>
    tpu.enqueue_dma source(%dma_start3A_281 : memref<384x128xf32, #tpu.memory_space<hbm>>) target(%arg5 : memref<384x128xf32, #tpu.memory_space<vmem>>) target_semaphore(%arg8 : memref<!tpu.dma_semaphore, #tpu.memory_space<semaphore_mem>>)
    %add3A_282 = arith.constant 1 : i32
    %add3A_283 = arith.addi %mul3A_2, %add3A_282 : i32
    %mul3A_284 = arith.constant 4096 : i32
    %mul3A_285 = arith.muli %add3A_283, %mul3A_284 : i32
    %add3A_286 = arith.constant 2560 : i32
    %add3A_287 = arith.addi %mul3A_285, %add3A_286 : i32
    %add3A_288 = arith.constant 768 : i32
    %add3A_289 = arith.addi %add3A_287, %add3A_288 : i32
    %dma_wait3A_290 = arith.constant 0 : i32
    %dma_wait3A_291 = tpu.memref_slice %arg2[%add3A_289, %dma_wait3A_290] : memref<262144x128xf32, #tpu.memory_space<hbm>> -> memref<384x128xf32, #tpu.memory_space<hbm>>
    %dma_wait3A_292 = arith.constant 0 : i32
    %dma_wait3A_293 = tpu.memref_slice %arg2[%add3A_289, %dma_wait3A_292] : memref<262144x128xf32, #tpu.memory_space<hbm>> -> memref<384x128xf32, #tpu.memory_space<hbm>>
    tpu.wait_dma2 semaphore(%arg7 : memref<!tpu.dma_semaphore, #tpu.memory_space<semaphore_mem>>) src(%dma_wait3A_293 : memref<384x128xf32, #tpu.memory_space<hbm>>) dst(%arg4 : memref<384x128xf32, #tpu.memory_space<vmem>>)
    %scan3A_294 = arith.constant 0 : i32
    %scan3A_295 = arith.constant 384 : i32
    %scan3A_296 = arith.addi %scan3A_294, %scan3A_295 : i32
    %scan3A_297 = arith.constant 4 : i32
    %scan3A_298:8 = scf.for %scan3A_366 = %scan3A_294 to %scan3A_296 step %scan3A_297 iter_args(%scan3A_367 = %scan3A_268#0, %scan3A_368 = %scan3A_268#1, %scan3A_369 = %scan3A_268#2, %scan3A_370 = %scan3A_268#3, %scan3A_371 = %scan3A_268#4, %scan3A_372 = %scan3A_268#5, %scan3A_373 = %scan3A_268#6, %scan3A_374 = %scan3A_268#7) -> (vector<16xf32>, vector<16xf32>, vector<16xf32>, vector<16xf32>, vector<16xf32>, vector<16xf32>, vector<16xf32>, vector<16xf32>)  : i32 {
      %get3A = arith.index_cast %scan3A_366 : i32 to index
      %get3A_375 = arith.constant 0 : index
      %get3A_376 = tpu.vector_load %arg4[%get3A, %get3A_375] {strides = array<i32>} : memref<384x128xf32, #tpu.memory_space<vmem>>, vector<1x16xf32>,
      %get3A_377 = vector.shape_cast %get3A_376 : vector<1x16xf32> to vector<16xf32>
      %add3A_378 = arith.addf %scan3A_367, %get3A_377 : vector<16xf32>
      %get3A_379 = arith.index_cast %scan3A_366 : i32 to index
      %get3A_380 = arith.constant 16 : index
      %get3A_381 = tpu.vector_load %arg4[%get3A_379, %get3A_380] {strides = array<i32>} : memref<384x128xf32, #tpu.memory_space<vmem>>, vector<1x16xf32>,
      %get3A_382 = vector.shape_cast %get3A_381 : vector<1x16xf32> to vector<16xf32>
      %add3A_383 = arith.addf %scan3A_368, %get3A_382 : vector<16xf32>
      %get3A_384 = arith.index_cast %scan3A_366 : i32 to index
      %get3A_385 = arith.constant 32 : index
      %get3A_386 = tpu.vector_load %arg4[%get3A_384, %get3A_385] {strides = array<i32>} : memref<384x128xf32, #tpu.memory_space<vmem>>, vector<1x16xf32>,
      %get3A_387 = vector.shape_cast %get3A_386 : vector<1x16xf32> to vector<16xf32>
      %add3A_388 = arith.addf %scan3A_369, %get3A_387 : vector<16xf32>
      %get3A_389 = arith.index_cast %scan3A_366 : i32 to index
      %get3A_390 = arith.constant 48 : index
      %get3A_391 = tpu.vector_load %arg4[%get3A_389, %get3A_390] {strides = array<i32>} : memref<384x128xf32, #tpu.memory_space<vmem>>, vector<1x16xf32>,
      %get3A_392 = vector.shape_cast %get3A_391 : vector<1x16xf32> to vector<16xf32>
      %add3A_393 = arith.addf %scan3A_370, %get3A_392 : vector<16xf32>
      %get3A_394 = arith.index_cast %scan3A_366 : i32 to index
      %get3A_395 = arith.constant 64 : index
      %get3A_396 = tpu.vector_load %arg4[%get3A_394, %get3A_395] {strides = array<i32>} : memref<384x128xf32, #tpu.memory_space<vmem>>, vector<1x16xf32>,
      %get3A_397 = vector.shape_cast %get3A_396 : vector<1x16xf32> to vector<16xf32>
      %add3A_398 = arith.addf %scan3A_371, %get3A_397 : vector<16xf32>
      %get3A_399 = arith.index_cast %scan3A_366 : i32 to index
      %get3A_400 = arith.constant 80 : index
      %get3A_401 = tpu.vector_load %arg4[%get3A_399, %get3A_400] {strides = array<i32>} : memref<384x128xf32, #tpu.memory_space<vmem>>, vector<1x16xf32>,
      %get3A_402 = vector.shape_cast %get3A_401 : vector<1x16xf32> to vector<16xf32>
      %add3A_403 = arith.addf %scan3A_372, %get3A_402 : vector<16xf32>
      %get3A_404 = arith.index_cast %scan3A_366 : i32 to index
      %get3A_405 = arith.constant 96 : index
      %get3A_406 = tpu.vector_load %arg4[%get3A_404, %get3A_405] {strides = array<i32>} : memref<384x128xf32, #tpu.memory_space<vmem>>, vector<1x16xf32>,
      %get3A_407 = vector.shape_cast %get3A_406 : vector<1x16xf32> to vector<16xf32>
      %add3A_408 = arith.addf %scan3A_373, %get3A_407 : vector<16xf32>
      %get3A_409 = arith.index_cast %scan3A_366 : i32 to index
      %get3A_410 = arith.constant 112 : index
      %get3A_411 = tpu.vector_load %arg4[%get3A_409, %get3A_410] {strides = array<i32>} : memref<384x128xf32, #tpu.memory_space<vmem>>, vector<1x16xf32>,
      %get3A_412 = vector.shape_cast %get3A_411 : vector<1x16xf32> to vector<16xf32>
      %add3A_413 = arith.addf %scan3A_374, %get3A_412 : vector<16xf32>
      %scan3A_414 = arith.constant 1 : i32
      %scan3A_415 = arith.addi %scan3A_366, %scan3A_414 : i32
      %get3A_416 = arith.index_cast %scan3A_415 : i32 to index
      %get3A_417 = arith.constant 0 : index
      %get3A_418 = tpu.vector_load %arg4[%get3A_416, %get3A_417] {strides = array<i32>} : memref<384x128xf32, #tpu.memory_space<vmem>>, vector<1x16xf32>,
      %get3A_419 = vector.shape_cast %get3A_418 : vector<1x16xf32> to vector<16xf32>
      %add3A_420 = arith.addf %add3A_378, %get3A_419 : vector<16xf32>
      %get3A_421 = arith.index_cast %scan3A_415 : i32 to index
      %get3A_422 = arith.constant 16 : index
      %get3A_423 = tpu.vector_load %arg4[%get3A_421, %get3A_422] {strides = array<i32>} : memref<384x128xf32, #tpu.memory_space<vmem>>, vector<1x16xf32>,
      %get3A_424 = vector.shape_cast %get3A_423 : vector<1x16xf32> to vector<16xf32>
      %add3A_425 = arith.addf %add3A_383, %get3A_424 : vector<16xf32>
      %get3A_426 = arith.index_cast %scan3A_415 : i32 to index
      %get3A_427 = arith.constant 32 : index
      %get3A_428 = tpu.vector_load %arg4[%get3A_426, %get3A_427] {strides = array<i32>} : memref<384x128xf32, #tpu.memory_space<vmem>>, vector<1x16xf32>,
      %get3A_429 = vector.shape_cast %get3A_428 : vector<1x16xf32> to vector<16xf32>
      %add3A_430 = arith.addf %add3A_388, %get3A_429 : vector<16xf32>
      %get3A_431 = arith.index_cast %scan3A_415 : i32 to index
      %get3A_432 = arith.constant 48 : index
      %get3A_433 = tpu.vector_load %arg4[%get3A_431, %get3A_432] {strides = array<i32>} : memref<384x128xf32, #tpu.memory_space<vmem>>, vector<1x16xf32>,
      %get3A_434 = vector.shape_cast %get3A_433 : vector<1x16xf32> to vector<16xf32>
      %add3A_435 = arith.addf %add3A_393, %get3A_434 : vector<16xf32>
      %get3A_436 = arith.index_cast %scan3A_415 : i32 to index
      %get3A_437 = arith.constant 64 : index
      %get3A_438 = tpu.vector_load %arg4[%get3A_436, %get3A_437] {strides = array<i32>} : memref<384x128xf32, #tpu.memory_space<vmem>>, vector<1x16xf32>,
      %get3A_439 = vector.shape_cast %get3A_438 : vector<1x16xf32> to vector<16xf32>
      %add3A_440 = arith.addf %add3A_398, %get3A_439 : vector<16xf32>
      %get3A_441 = arith.index_cast %scan3A_415 : i32 to index
      %get3A_442 = arith.constant 80 : index
      %get3A_443 = tpu.vector_load %arg4[%get3A_441, %get3A_442] {strides = array<i32>} : memref<384x128xf32, #tpu.memory_space<vmem>>, vector<1x16xf32>,
      %get3A_444 = vector.shape_cast %get3A_443 : vector<1x16xf32> to vector<16xf32>
      %add3A_445 = arith.addf %add3A_403, %get3A_444 : vector<16xf32>
      %get3A_446 = arith.index_cast %scan3A_415 : i32 to index
      %get3A_447 = arith.constant 96 : index
      %get3A_448 = tpu.vector_load %arg4[%get3A_446, %get3A_447] {strides = array<i32>} : memref<384x128xf32, #tpu.memory_space<vmem>>, vector<1x16xf32>,
      %get3A_449 = vector.shape_cast %get3A_448 : vector<1x16xf32> to vector<16xf32>
      %add3A_450 = arith.addf %add3A_408, %get3A_449 : vector<16xf32>
      %get3A_451 = arith.index_cast %scan3A_415 : i32 to index
      %get3A_452 = arith.constant 112 : index
      %get3A_453 = tpu.vector_load %arg4[%get3A_451, %get3A_452] {strides = array<i32>} : memref<384x128xf32, #tpu.memory_space<vmem>>, vector<1x16xf32>,
      %get3A_454 = vector.shape_cast %get3A_453 : vector<1x16xf32> to vector<16xf32>
      %add3A_455 = arith.addf %add3A_413, %get3A_454 : vector<16xf32>
      %scan3A_456 = arith.constant 2 : i32
      %scan3A_457 = arith.addi %scan3A_366, %scan3A_456 : i32
      %get3A_458 = arith.index_cast %scan3A_457 : i32 to index
      %get3A_459 = arith.constant 0 : index
      %get3A_460 = tpu.vector_load %arg4[%get3A_458, %get3A_459] {strides = array<i32>} : memref<384x128xf32, #tpu.memory_space<vmem>>, vector<1x16xf32>,
      %get3A_461 = vector.shape_cast %get3A_460 : vector<1x16xf32> to vector<16xf32>
      %add3A_462 = arith.addf %add3A_420, %get3A_461 : vector<16xf32>
      %get3A_463 = arith.index_cast %scan3A_457 : i32 to index
      %get3A_464 = arith.constant 16 : index
      %get3A_465 = tpu.vector_load %arg4[%get3A_463, %get3A_464] {strides = array<i32>} : memref<384x128xf32, #tpu.memory_space<vmem>>, vector<1x16xf32>,
      %get3A_466 = vector.shape_cast %get3A_465 : vector<1x16xf32> to vector<16xf32>
      %add3A_467 = arith.addf %add3A_425, %get3A_466 : vector<16xf32>
      %get3A_468 = arith.index_cast %scan3A_457 : i32 to index
      %get3A_469 = arith.constant 32 : index
      %get3A_470 = tpu.vector_load %arg4[%get3A_468, %get3A_469] {strides = array<i32>} : memref<384x128xf32, #tpu.memory_space<vmem>>, vector<1x16xf32>,
      %get3A_471 = vector.shape_cast %get3A_470 : vector<1x16xf32> to vector<16xf32>
      %add3A_472 = arith.addf %add3A_430, %get3A_471 : vector<16xf32>
      %get3A_473 = arith.index_cast %scan3A_457 : i32 to index
      %get3A_474 = arith.constant 48 : index
      %get3A_475 = tpu.vector_load %arg4[%get3A_473, %get3A_474] {strides = array<i32>} : memref<384x128xf32, #tpu.memory_space<vmem>>, vector<1x16xf32>,
      %get3A_476 = vector.shape_cast %get3A_475 : vector<1x16xf32> to vector<16xf32>
      %add3A_477 = arith.addf %add3A_435, %get3A_476 : vector<16xf32>
      %get3A_478 = arith.index_cast %scan3A_457 : i32 to index
      %get3A_479 = arith.constant 64 : index
      %get3A_480 = tpu.vector_load %arg4[%get3A_478, %get3A_479] {strides = array<i32>} : memref<384x128xf32, #tpu.memory_space<vmem>>, vector<1x16xf32>,
      %get3A_481 = vector.shape_cast %get3A_480 : vector<1x16xf32> to vector<16xf32>
      %add3A_482 = arith.addf %add3A_440, %get3A_481 : vector<16xf32>
      %get3A_483 = arith.index_cast %scan3A_457 : i32 to index
      %get3A_484 = arith.constant 80 : index
      %get3A_485 = tpu.vector_load %arg4[%get3A_483, %get3A_484] {strides = array<i32>} : memref<384x128xf32, #tpu.memory_space<vmem>>, vector<1x16xf32>,
      %get3A_486 = vector.shape_cast %get3A_485 : vector<1x16xf32> to vector<16xf32>
      %add3A_487 = arith.addf %add3A_445, %get3A_486 : vector<16xf32>
      %get3A_488 = arith.index_cast %scan3A_457 : i32 to index
      %get3A_489 = arith.constant 96 : index
      %get3A_490 = tpu.vector_load %arg4[%get3A_488, %get3A_489] {strides = array<i32>} : memref<384x128xf32, #tpu.memory_space<vmem>>, vector<1x16xf32>,
      %get3A_491 = vector.shape_cast %get3A_490 : vector<1x16xf32> to vector<16xf32>
      %add3A_492 = arith.addf %add3A_450, %get3A_491 : vector<16xf32>
      %get3A_493 = arith.index_cast %scan3A_457 : i32 to index
      %get3A_494 = arith.constant 112 : index
      %get3A_495 = tpu.vector_load %arg4[%get3A_493, %get3A_494] {strides = array<i32>} : memref<384x128xf32, #tpu.memory_space<vmem>>, vector<1x16xf32>,
      %get3A_496 = vector.shape_cast %get3A_495 : vector<1x16xf32> to vector<16xf32>
      %add3A_497 = arith.addf %add3A_455, %get3A_496 : vector<16xf32>
      %scan3A_498 = arith.constant 3 : i32
      %scan3A_499 = arith.addi %scan3A_366, %scan3A_498 : i32
      %get3A_500 = arith.index_cast %scan3A_499 : i32 to index
      %get3A_501 = arith.constant 0 : index
      %get3A_502 = tpu.vector_load %arg4[%get3A_500, %get3A_501] {strides = array<i32>} : memref<384x128xf32, #tpu.memory_space<vmem>>, vector<1x16xf32>,
      %get3A_503 = vector.shape_cast %get3A_502 : vector<1x16xf32> to vector<16xf32>
      %add3A_504 = arith.addf %add3A_462, %get3A_503 : vector<16xf32>
      %get3A_505 = arith.index_cast %scan3A_499 : i32 to index
      %get3A_506 = arith.constant 16 : index
      %get3A_507 = tpu.vector_load %arg4[%get3A_505, %get3A_506] {strides = array<i32>} : memref<384x128xf32, #tpu.memory_space<vmem>>, vector<1x16xf32>,
      %get3A_508 = vector.shape_cast %get3A_507 : vector<1x16xf32> to vector<16xf32>
      %add3A_509 = arith.addf %add3A_467, %get3A_508 : vector<16xf32>
      %get3A_510 = arith.index_cast %scan3A_499 : i32 to index
      %get3A_511 = arith.constant 32 : index
      %get3A_512 = tpu.vector_load %arg4[%get3A_510, %get3A_511] {strides = array<i32>} : memref<384x128xf32, #tpu.memory_space<vmem>>, vector<1x16xf32>,
      %get3A_513 = vector.shape_cast %get3A_512 : vector<1x16xf32> to vector<16xf32>
      %add3A_514 = arith.addf %add3A_472, %get3A_513 : vector<16xf32>
      %get3A_515 = arith.index_cast %scan3A_499 : i32 to index
      %get3A_516 = arith.constant 48 : index
      %get3A_517 = tpu.vector_load %arg4[%get3A_515, %get3A_516] {strides = array<i32>} : memref<384x128xf32, #tpu.memory_space<vmem>>, vector<1x16xf32>,
      %get3A_518 = vector.shape_cast %get3A_517 : vector<1x16xf32> to vector<16xf32>
      %add3A_519 = arith.addf %add3A_477, %get3A_518 : vector<16xf32>
      %get3A_520 = arith.index_cast %scan3A_499 : i32 to index
      %get3A_521 = arith.constant 64 : index
      %get3A_522 = tpu.vector_load %arg4[%get3A_520, %get3A_521] {strides = array<i32>} : memref<384x128xf32, #tpu.memory_space<vmem>>, vector<1x16xf32>,
      %get3A_523 = vector.shape_cast %get3A_522 : vector<1x16xf32> to vector<16xf32>
      %add3A_524 = arith.addf %add3A_482, %get3A_523 : vector<16xf32>
      %get3A_525 = arith.index_cast %scan3A_499 : i32 to index
      %get3A_526 = arith.constant 80 : index
      %get3A_527 = tpu.vector_load %arg4[%get3A_525, %get3A_526] {strides = array<i32>} : memref<384x128xf32, #tpu.memory_space<vmem>>, vector<1x16xf32>,
      %get3A_528 = vector.shape_cast %get3A_527 : vector<1x16xf32> to vector<16xf32>
      %add3A_529 = arith.addf %add3A_487, %get3A_528 : vector<16xf32>
      %get3A_530 = arith.index_cast %scan3A_499 : i32 to index
      %get3A_531 = arith.constant 96 : index
      %get3A_532 = tpu.vector_load %arg4[%get3A_530, %get3A_531] {strides = array<i32>} : memref<384x128xf32, #tpu.memory_space<vmem>>, vector<1x16xf32>,
      %get3A_533 = vector.shape_cast %get3A_532 : vector<1x16xf32> to vector<16xf32>
      %add3A_534 = arith.addf %add3A_492, %get3A_533 : vector<16xf32>
      %get3A_535 = arith.index_cast %scan3A_499 : i32 to index
      %get3A_536 = arith.constant 112 : index
      %get3A_537 = tpu.vector_load %arg4[%get3A_535, %get3A_536] {strides = array<i32>} : memref<384x128xf32, #tpu.memory_space<vmem>>, vector<1x16xf32>,
      %get3A_538 = vector.shape_cast %get3A_537 : vector<1x16xf32> to vector<16xf32>
      %add3A_539 = arith.addf %add3A_497, %get3A_538 : vector<16xf32>
      scf.yield %add3A_504, %add3A_509, %add3A_514, %add3A_519, %add3A_524, %add3A_529, %add3A_534, %add3A_539 : vector<16xf32>, vector<16xf32>, vector<16xf32>, vector<16xf32>, vector<16xf32>, vector<16xf32>, vector<16xf32>, vector<16xf32>
    }
    %scan3A_299 = arith.constant 384 : i32
    %add3A_300 = arith.constant 1 : i32
    %add3A_301 = arith.addi %mul3A_2, %add3A_300 : i32
    %mul3A_302 = arith.constant 4096 : i32
    %mul3A_303 = arith.muli %add3A_301, %mul3A_302 : i32
    %add3A_304 = arith.constant 2560 : i32
    %add3A_305 = arith.addi %mul3A_303, %add3A_304 : i32
    %add3A_306 = arith.constant 1152 : i32
    %add3A_307 = arith.addi %add3A_305, %add3A_306 : i32
    %dma_wait3A_308 = arith.constant 0 : i32
    %dma_wait3A_309 = tpu.memref_slice %arg2[%add3A_307, %dma_wait3A_308] : memref<262144x128xf32, #tpu.memory_space<hbm>> -> memref<384x128xf32, #tpu.memory_space<hbm>>
    %dma_wait3A_310 = arith.constant 0 : i32
    %dma_wait3A_311 = tpu.memref_slice %arg2[%add3A_307, %dma_wait3A_310] : memref<262144x128xf32, #tpu.memory_space<hbm>> -> memref<384x128xf32, #tpu.memory_space<hbm>>
    tpu.wait_dma2 semaphore(%arg8 : memref<!tpu.dma_semaphore, #tpu.memory_space<semaphore_mem>>) src(%dma_wait3A_311 : memref<384x128xf32, #tpu.memory_space<hbm>>) dst(%arg5 : memref<384x128xf32, #tpu.memory_space<vmem>>)
    %scan3A_312 = arith.constant 0 : i32
    %scan3A_313 = arith.constant 384 : i32
    %scan3A_314 = arith.addi %scan3A_312, %scan3A_313 : i32
    %scan3A_315 = arith.constant 4 : i32
    %scan3A_316:8 = scf.for %scan3A_366 = %scan3A_312 to %scan3A_314 step %scan3A_315 iter_args(%scan3A_367 = %scan3A_298#0, %scan3A_368 = %scan3A_298#1, %scan3A_369 = %scan3A_298#2, %scan3A_370 = %scan3A_298#3, %scan3A_371 = %scan3A_298#4, %scan3A_372 = %scan3A_298#5, %scan3A_373 = %scan3A_298#6, %scan3A_374 = %scan3A_298#7) -> (vector<16xf32>, vector<16xf32>, vector<16xf32>, vector<16xf32>, vector<16xf32>, vector<16xf32>, vector<16xf32>, vector<16xf32>)  : i32 {
      %get3A = arith.index_cast %scan3A_366 : i32 to index
      %get3A_375 = arith.constant 0 : index
      %get3A_376 = tpu.vector_load %arg5[%get3A, %get3A_375] {strides = array<i32>} : memref<384x128xf32, #tpu.memory_space<vmem>>, vector<1x16xf32>,
      %get3A_377 = vector.shape_cast %get3A_376 : vector<1x16xf32> to vector<16xf32>
      %add3A_378 = arith.addf %scan3A_367, %get3A_377 : vector<16xf32>
      %get3A_379 = arith.index_cast %scan3A_366 : i32 to index
      %get3A_380 = arith.constant 16 : index
      %get3A_381 = tpu.vector_load %arg5[%get3A_379, %get3A_380] {strides = array<i32>} : memref<384x128xf32, #tpu.memory_space<vmem>>, vector<1x16xf32>,
      %get3A_382 = vector.shape_cast %get3A_381 : vector<1x16xf32> to vector<16xf32>
      %add3A_383 = arith.addf %scan3A_368, %get3A_382 : vector<16xf32>
      %get3A_384 = arith.index_cast %scan3A_366 : i32 to index
      %get3A_385 = arith.constant 32 : index
      %get3A_386 = tpu.vector_load %arg5[%get3A_384, %get3A_385] {strides = array<i32>} : memref<384x128xf32, #tpu.memory_space<vmem>>, vector<1x16xf32>,
      %get3A_387 = vector.shape_cast %get3A_386 : vector<1x16xf32> to vector<16xf32>
      %add3A_388 = arith.addf %scan3A_369, %get3A_387 : vector<16xf32>
      %get3A_389 = arith.index_cast %scan3A_366 : i32 to index
      %get3A_390 = arith.constant 48 : index
      %get3A_391 = tpu.vector_load %arg5[%get3A_389, %get3A_390] {strides = array<i32>} : memref<384x128xf32, #tpu.memory_space<vmem>>, vector<1x16xf32>,
      %get3A_392 = vector.shape_cast %get3A_391 : vector<1x16xf32> to vector<16xf32>
      %add3A_393 = arith.addf %scan3A_370, %get3A_392 : vector<16xf32>
      %get3A_394 = arith.index_cast %scan3A_366 : i32 to index
      %get3A_395 = arith.constant 64 : index
      %get3A_396 = tpu.vector_load %arg5[%get3A_394, %get3A_395] {strides = array<i32>} : memref<384x128xf32, #tpu.memory_space<vmem>>, vector<1x16xf32>,
      %get3A_397 = vector.shape_cast %get3A_396 : vector<1x16xf32> to vector<16xf32>
      %add3A_398 = arith.addf %scan3A_371, %get3A_397 : vector<16xf32>
      %get3A_399 = arith.index_cast %scan3A_366 : i32 to index
      %get3A_400 = arith.constant 80 : index
      %get3A_401 = tpu.vector_load %arg5[%get3A_399, %get3A_400] {strides = array<i32>} : memref<384x128xf32, #tpu.memory_space<vmem>>, vector<1x16xf32>,
      %get3A_402 = vector.shape_cast %get3A_401 : vector<1x16xf32> to vector<16xf32>
      %add3A_403 = arith.addf %scan3A_372, %get3A_402 : vector<16xf32>
      %get3A_404 = arith.index_cast %scan3A_366 : i32 to index
      %get3A_405 = arith.constant 96 : index
      %get3A_406 = tpu.vector_load %arg5[%get3A_404, %get3A_405] {strides = array<i32>} : memref<384x128xf32, #tpu.memory_space<vmem>>, vector<1x16xf32>,
      %get3A_407 = vector.shape_cast %get3A_406 : vector<1x16xf32> to vector<16xf32>
      %add3A_408 = arith.addf %scan3A_373, %get3A_407 : vector<16xf32>
      %get3A_409 = arith.index_cast %scan3A_366 : i32 to index
      %get3A_410 = arith.constant 112 : index
      %get3A_411 = tpu.vector_load %arg5[%get3A_409, %get3A_410] {strides = array<i32>} : memref<384x128xf32, #tpu.memory_space<vmem>>, vector<1x16xf32>,
      %get3A_412 = vector.shape_cast %get3A_411 : vector<1x16xf32> to vector<16xf32>
      %add3A_413 = arith.addf %scan3A_374, %get3A_412 : vector<16xf32>
      %scan3A_414 = arith.constant 1 : i32
      %scan3A_415 = arith.addi %scan3A_366, %scan3A_414 : i32
      %get3A_416 = arith.index_cast %scan3A_415 : i32 to index
      %get3A_417 = arith.constant 0 : index
      %get3A_418 = tpu.vector_load %arg5[%get3A_416, %get3A_417] {strides = array<i32>} : memref<384x128xf32, #tpu.memory_space<vmem>>, vector<1x16xf32>,
      %get3A_419 = vector.shape_cast %get3A_418 : vector<1x16xf32> to vector<16xf32>
      %add3A_420 = arith.addf %add3A_378, %get3A_419 : vector<16xf32>
      %get3A_421 = arith.index_cast %scan3A_415 : i32 to index
      %get3A_422 = arith.constant 16 : index
      %get3A_423 = tpu.vector_load %arg5[%get3A_421, %get3A_422] {strides = array<i32>} : memref<384x128xf32, #tpu.memory_space<vmem>>, vector<1x16xf32>,
      %get3A_424 = vector.shape_cast %get3A_423 : vector<1x16xf32> to vector<16xf32>
      %add3A_425 = arith.addf %add3A_383, %get3A_424 : vector<16xf32>
      %get3A_426 = arith.index_cast %scan3A_415 : i32 to index
      %get3A_427 = arith.constant 32 : index
      %get3A_428 = tpu.vector_load %arg5[%get3A_426, %get3A_427] {strides = array<i32>} : memref<384x128xf32, #tpu.memory_space<vmem>>, vector<1x16xf32>,
      %get3A_429 = vector.shape_cast %get3A_428 : vector<1x16xf32> to vector<16xf32>
      %add3A_430 = arith.addf %add3A_388, %get3A_429 : vector<16xf32>
      %get3A_431 = arith.index_cast %scan3A_415 : i32 to index
      %get3A_432 = arith.constant 48 : index
      %get3A_433 = tpu.vector_load %arg5[%get3A_431, %get3A_432] {strides = array<i32>} : memref<384x128xf32, #tpu.memory_space<vmem>>, vector<1x16xf32>,
      %get3A_434 = vector.shape_cast %get3A_433 : vector<1x16xf32> to vector<16xf32>
      %add3A_435 = arith.addf %add3A_393, %get3A_434 : vector<16xf32>
      %get3A_436 = arith.index_cast %scan3A_415 : i32 to index
      %get3A_437 = arith.constant 64 : index
      %get3A_438 = tpu.vector_load %arg5[%get3A_436, %get3A_437] {strides = array<i32>} : memref<384x128xf32, #tpu.memory_space<vmem>>, vector<1x16xf32>,
      %get3A_439 = vector.shape_cast %get3A_438 : vector<1x16xf32> to vector<16xf32>
      %add3A_440 = arith.addf %add3A_398, %get3A_439 : vector<16xf32>
      %get3A_441 = arith.index_cast %scan3A_415 : i32 to index
      %get3A_442 = arith.constant 80 : index
      %get3A_443 = tpu.vector_load %arg5[%get3A_441, %get3A_442] {strides = array<i32>} : memref<384x128xf32, #tpu.memory_space<vmem>>, vector<1x16xf32>,
      %get3A_444 = vector.shape_cast %get3A_443 : vector<1x16xf32> to vector<16xf32>
      %add3A_445 = arith.addf %add3A_403, %get3A_444 : vector<16xf32>
      %get3A_446 = arith.index_cast %scan3A_415 : i32 to index
      %get3A_447 = arith.constant 96 : index
      %get3A_448 = tpu.vector_load %arg5[%get3A_446, %get3A_447] {strides = array<i32>} : memref<384x128xf32, #tpu.memory_space<vmem>>, vector<1x16xf32>,
      %get3A_449 = vector.shape_cast %get3A_448 : vector<1x16xf32> to vector<16xf32>
      %add3A_450 = arith.addf %add3A_408, %get3A_449 : vector<16xf32>
      %get3A_451 = arith.index_cast %scan3A_415 : i32 to index
      %get3A_452 = arith.constant 112 : index
      %get3A_453 = tpu.vector_load %arg5[%get3A_451, %get3A_452] {strides = array<i32>} : memref<384x128xf32, #tpu.memory_space<vmem>>, vector<1x16xf32>,
      %get3A_454 = vector.shape_cast %get3A_453 : vector<1x16xf32> to vector<16xf32>
      %add3A_455 = arith.addf %add3A_413, %get3A_454 : vector<16xf32>
      %scan3A_456 = arith.constant 2 : i32
      %scan3A_457 = arith.addi %scan3A_366, %scan3A_456 : i32
      %get3A_458 = arith.index_cast %scan3A_457 : i32 to index
      %get3A_459 = arith.constant 0 : index
      %get3A_460 = tpu.vector_load %arg5[%get3A_458, %get3A_459] {strides = array<i32>} : memref<384x128xf32, #tpu.memory_space<vmem>>, vector<1x16xf32>,
      %get3A_461 = vector.shape_cast %get3A_460 : vector<1x16xf32> to vector<16xf32>
      %add3A_462 = arith.addf %add3A_420, %get3A_461 : vector<16xf32>
      %get3A_463 = arith.index_cast %scan3A_457 : i32 to index
      %get3A_464 = arith.constant 16 : index
      %get3A_465 = tpu.vector_load %arg5[%get3A_463, %get3A_464] {strides = array<i32>} : memref<384x128xf32, #tpu.memory_space<vmem>>, vector<1x16xf32>,
      %get3A_466 = vector.shape_cast %get3A_465 : vector<1x16xf32> to vector<16xf32>
      %add3A_467 = arith.addf %add3A_425, %get3A_466 : vector<16xf32>
      %get3A_468 = arith.index_cast %scan3A_457 : i32 to index
      %get3A_469 = arith.constant 32 : index
      %get3A_470 = tpu.vector_load %arg5[%get3A_468, %get3A_469] {strides = array<i32>} : memref<384x128xf32, #tpu.memory_space<vmem>>, vector<1x16xf32>,
      %get3A_471 = vector.shape_cast %get3A_470 : vector<1x16xf32> to vector<16xf32>
      %add3A_472 = arith.addf %add3A_430, %get3A_471 : vector<16xf32>
      %get3A_473 = arith.index_cast %scan3A_457 : i32 to index
      %get3A_474 = arith.constant 48 : index
      %get3A_475 = tpu.vector_load %arg5[%get3A_473, %get3A_474] {strides = array<i32>} : memref<384x128xf32, #tpu.memory_space<vmem>>, vector<1x16xf32>,
      %get3A_476 = vector.shape_cast %get3A_475 : vector<1x16xf32> to vector<16xf32>
      %add3A_477 = arith.addf %add3A_435, %get3A_476 : vector<16xf32>
      %get3A_478 = arith.index_cast %scan3A_457 : i32 to index
      %get3A_479 = arith.constant 64 : index
      %get3A_480 = tpu.vector_load %arg5[%get3A_478, %get3A_479] {strides = array<i32>} : memref<384x128xf32, #tpu.memory_space<vmem>>, vector<1x16xf32>,
      %get3A_481 = vector.shape_cast %get3A_480 : vector<1x16xf32> to vector<16xf32>
      %add3A_482 = arith.addf %add3A_440, %get3A_481 : vector<16xf32>
      %get3A_483 = arith.index_cast %scan3A_457 : i32 to index
      %get3A_484 = arith.constant 80 : index
      %get3A_485 = tpu.vector_load %arg5[%get3A_483, %get3A_484] {strides = array<i32>} : memref<384x128xf32, #tpu.memory_space<vmem>>, vector<1x16xf32>,
      %get3A_486 = vector.shape_cast %get3A_485 : vector<1x16xf32> to vector<16xf32>
      %add3A_487 = arith.addf %add3A_445, %get3A_486 : vector<16xf32>
      %get3A_488 = arith.index_cast %scan3A_457 : i32 to index
      %get3A_489 = arith.constant 96 : index
      %get3A_490 = tpu.vector_load %arg5[%get3A_488, %get3A_489] {strides = array<i32>} : memref<384x128xf32, #tpu.memory_space<vmem>>, vector<1x16xf32>,
      %get3A_491 = vector.shape_cast %get3A_490 : vector<1x16xf32> to vector<16xf32>
      %add3A_492 = arith.addf %add3A_450, %get3A_491 : vector<16xf32>
      %get3A_493 = arith.index_cast %scan3A_457 : i32 to index
      %get3A_494 = arith.constant 112 : index
      %get3A_495 = tpu.vector_load %arg5[%get3A_493, %get3A_494] {strides = array<i32>} : memref<384x128xf32, #tpu.memory_space<vmem>>, vector<1x16xf32>,
      %get3A_496 = vector.shape_cast %get3A_495 : vector<1x16xf32> to vector<16xf32>
      %add3A_497 = arith.addf %add3A_455, %get3A_496 : vector<16xf32>
      %scan3A_498 = arith.constant 3 : i32
      %scan3A_499 = arith.addi %scan3A_366, %scan3A_498 : i32
      %get3A_500 = arith.index_cast %scan3A_499 : i32 to index
      %get3A_501 = arith.constant 0 : index
      %get3A_502 = tpu.vector_load %arg5[%get3A_500, %get3A_501] {strides = array<i32>} : memref<384x128xf32, #tpu.memory_space<vmem>>, vector<1x16xf32>,
      %get3A_503 = vector.shape_cast %get3A_502 : vector<1x16xf32> to vector<16xf32>
      %add3A_504 = arith.addf %add3A_462, %get3A_503 : vector<16xf32>
      %get3A_505 = arith.index_cast %scan3A_499 : i32 to index
      %get3A_506 = arith.constant 16 : index
      %get3A_507 = tpu.vector_load %arg5[%get3A_505, %get3A_506] {strides = array<i32>} : memref<384x128xf32, #tpu.memory_space<vmem>>, vector<1x16xf32>,
      %get3A_508 = vector.shape_cast %get3A_507 : vector<1x16xf32> to vector<16xf32>
      %add3A_509 = arith.addf %add3A_467, %get3A_508 : vector<16xf32>
      %get3A_510 = arith.index_cast %scan3A_499 : i32 to index
      %get3A_511 = arith.constant 32 : index
      %get3A_512 = tpu.vector_load %arg5[%get3A_510, %get3A_511] {strides = array<i32>} : memref<384x128xf32, #tpu.memory_space<vmem>>, vector<1x16xf32>,
      %get3A_513 = vector.shape_cast %get3A_512 : vector<1x16xf32> to vector<16xf32>
      %add3A_514 = arith.addf %add3A_472, %get3A_513 : vector<16xf32>
      %get3A_515 = arith.index_cast %scan3A_499 : i32 to index
      %get3A_516 = arith.constant 48 : index
      %get3A_517 = tpu.vector_load %arg5[%get3A_515, %get3A_516] {strides = array<i32>} : memref<384x128xf32, #tpu.memory_space<vmem>>, vector<1x16xf32>,
      %get3A_518 = vector.shape_cast %get3A_517 : vector<1x16xf32> to vector<16xf32>
      %add3A_519 = arith.addf %add3A_477, %get3A_518 : vector<16xf32>
      %get3A_520 = arith.index_cast %scan3A_499 : i32 to index
      %get3A_521 = arith.constant 64 : index
      %get3A_522 = tpu.vector_load %arg5[%get3A_520, %get3A_521] {strides = array<i32>} : memref<384x128xf32, #tpu.memory_space<vmem>>, vector<1x16xf32>,
      %get3A_523 = vector.shape_cast %get3A_522 : vector<1x16xf32> to vector<16xf32>
      %add3A_524 = arith.addf %add3A_482, %get3A_523 : vector<16xf32>
      %get3A_525 = arith.index_cast %scan3A_499 : i32 to index
      %get3A_526 = arith.constant 80 : index
      %get3A_527 = tpu.vector_load %arg5[%get3A_525, %get3A_526] {strides = array<i32>} : memref<384x128xf32, #tpu.memory_space<vmem>>, vector<1x16xf32>,
      %get3A_528 = vector.shape_cast %get3A_527 : vector<1x16xf32> to vector<16xf32>
      %add3A_529 = arith.addf %add3A_487, %get3A_528 : vector<16xf32>
      %get3A_530 = arith.index_cast %scan3A_499 : i32 to index
      %get3A_531 = arith.constant 96 : index
      %get3A_532 = tpu.vector_load %arg5[%get3A_530, %get3A_531] {strides = array<i32>} : memref<384x128xf32, #tpu.memory_space<vmem>>, vector<1x16xf32>,
      %get3A_533 = vector.shape_cast %get3A_532 : vector<1x16xf32> to vector<16xf32>
      %add3A_534 = arith.addf %add3A_492, %get3A_533 : vector<16xf32>
      %get3A_535 = arith.index_cast %scan3A_499 : i32 to index
      %get3A_536 = arith.constant 112 : index
      %get3A_537 = tpu.vector_load %arg5[%get3A_535, %get3A_536] {strides = array<i32>} : memref<384x128xf32, #tpu.memory_space<vmem>>, vector<1x16xf32>,
      %get3A_538 = vector.shape_cast %get3A_537 : vector<1x16xf32> to vector<16xf32>
      %add3A_539 = arith.addf %add3A_497, %get3A_538 : vector<16xf32>
      scf.yield %add3A_504, %add3A_509, %add3A_514, %add3A_519, %add3A_524, %add3A_529, %add3A_534, %add3A_539 : vector<16xf32>, vector<16xf32>, vector<16xf32>, vector<16xf32>, vector<16xf32>, vector<16xf32>, vector<16xf32>, vector<16xf32>
    }
    %scan3A_317 = arith.constant 384 : i32
    %swap3A_318 = arith.constant 1 : i32
    %swap3A_319 = arith.index_cast %swap3A_318 : i32 to index
    %swap3A_320 = arith.constant 0 : index
    %swap3A_321 = tpu.vector_load %arg6[%swap3A_319, %swap3A_320] {strides = array<i32>} : memref<2x128xf32, #tpu.memory_space<vmem>>, vector<1x16xf32>,
    %swap3A_322 = vector.shape_cast %swap3A_321 : vector<1x16xf32> to vector<16xf32>
    %swap3A_323 = vector.shape_cast %scan3A_316#0 : vector<16xf32> to vector<1x16xf32>
    tpu.vector_store %arg6[%swap3A_319, %swap3A_320], %swap3A_323 {strides = array<i32>} : memref<2x128xf32, #tpu.memory_space<vmem>>, vector<1x16xf32>,
    %swap3A_324 = arith.constant 1 : i32
    %swap3A_325 = arith.index_cast %swap3A_324 : i32 to index
    %swap3A_326 = arith.constant 16 : index
    %swap3A_327 = tpu.vector_load %arg6[%swap3A_325, %swap3A_326] {strides = array<i32>} : memref<2x128xf32, #tpu.memory_space<vmem>>, vector<1x16xf32>,
    %swap3A_328 = vector.shape_cast %swap3A_327 : vector<1x16xf32> to vector<16xf32>
    %swap3A_329 = vector.shape_cast %scan3A_316#1 : vector<16xf32> to vector<1x16xf32>
    tpu.vector_store %arg6[%swap3A_325, %swap3A_326], %swap3A_329 {strides = array<i32>} : memref<2x128xf32, #tpu.memory_space<vmem>>, vector<1x16xf32>,
    %swap3A_330 = arith.constant 1 : i32
    %swap3A_331 = arith.index_cast %swap3A_330 : i32 to index
    %swap3A_332 = arith.constant 32 : index
    %swap3A_333 = tpu.vector_load %arg6[%swap3A_331, %swap3A_332] {strides = array<i32>} : memref<2x128xf32, #tpu.memory_space<vmem>>, vector<1x16xf32>,
    %swap3A_334 = vector.shape_cast %swap3A_333 : vector<1x16xf32> to vector<16xf32>
    %swap3A_335 = vector.shape_cast %scan3A_316#2 : vector<16xf32> to vector<1x16xf32>
    tpu.vector_store %arg6[%swap3A_331, %swap3A_332], %swap3A_335 {strides = array<i32>} : memref<2x128xf32, #tpu.memory_space<vmem>>, vector<1x16xf32>,
    %swap3A_336 = arith.constant 1 : i32
    %swap3A_337 = arith.index_cast %swap3A_336 : i32 to index
    %swap3A_338 = arith.constant 48 : index
    %swap3A_339 = tpu.vector_load %arg6[%swap3A_337, %swap3A_338] {strides = array<i32>} : memref<2x128xf32, #tpu.memory_space<vmem>>, vector<1x16xf32>,
    %swap3A_340 = vector.shape_cast %swap3A_339 : vector<1x16xf32> to vector<16xf32>
    %swap3A_341 = vector.shape_cast %scan3A_316#3 : vector<16xf32> to vector<1x16xf32>
    tpu.vector_store %arg6[%swap3A_337, %swap3A_338], %swap3A_341 {strides = array<i32>} : memref<2x128xf32, #tpu.memory_space<vmem>>, vector<1x16xf32>,
    %swap3A_342 = arith.constant 1 : i32
    %swap3A_343 = arith.index_cast %swap3A_342 : i32 to index
    %swap3A_344 = arith.constant 64 : index
    %swap3A_345 = tpu.vector_load %arg6[%swap3A_343, %swap3A_344] {strides = array<i32>} : memref<2x128xf32, #tpu.memory_space<vmem>>, vector<1x16xf32>,
    %swap3A_346 = vector.shape_cast %swap3A_345 : vector<1x16xf32> to vector<16xf32>
    %swap3A_347 = vector.shape_cast %scan3A_316#4 : vector<16xf32> to vector<1x16xf32>
    tpu.vector_store %arg6[%swap3A_343, %swap3A_344], %swap3A_347 {strides = array<i32>} : memref<2x128xf32, #tpu.memory_space<vmem>>, vector<1x16xf32>,
    %swap3A_348 = arith.constant 1 : i32
    %swap3A_349 = arith.index_cast %swap3A_348 : i32 to index
    %swap3A_350 = arith.constant 80 : index
    %swap3A_351 = tpu.vector_load %arg6[%swap3A_349, %swap3A_350] {strides = array<i32>} : memref<2x128xf32, #tpu.memory_space<vmem>>, vector<1x16xf32>,
    %swap3A_352 = vector.shape_cast %swap3A_351 : vector<1x16xf32> to vector<16xf32>
    %swap3A_353 = vector.shape_cast %scan3A_316#5 : vector<16xf32> to vector<1x16xf32>
    tpu.vector_store %arg6[%swap3A_349, %swap3A_350], %swap3A_353 {strides = array<i32>} : memref<2x128xf32, #tpu.memory_space<vmem>>, vector<1x16xf32>,
    %swap3A_354 = arith.constant 1 : i32
    %swap3A_355 = arith.index_cast %swap3A_354 : i32 to index
    %swap3A_356 = arith.constant 96 : index
    %swap3A_357 = tpu.vector_load %arg6[%swap3A_355, %swap3A_356] {strides = array<i32>} : memref<2x128xf32, #tpu.memory_space<vmem>>, vector<1x16xf32>,
    %swap3A_358 = vector.shape_cast %swap3A_357 : vector<1x16xf32> to vector<16xf32>
    %swap3A_359 = vector.shape_cast %scan3A_316#6 : vector<16xf32> to vector<1x16xf32>
    tpu.vector_store %arg6[%swap3A_355, %swap3A_356], %swap3A_359 {strides = array<i32>} : memref<2x128xf32, #tpu.memory_space<vmem>>, vector<1x16xf32>,
    %swap3A_360 = arith.constant 1 : i32
    %swap3A_361 = arith.index_cast %swap3A_360 : i32 to index
    %swap3A_362 = arith.constant 112 : index
    %swap3A_363 = tpu.vector_load %arg6[%swap3A_361, %swap3A_362] {strides = array<i32>} : memref<2x128xf32, #tpu.memory_space<vmem>>, vector<1x16xf32>,
    %swap3A_364 = vector.shape_cast %swap3A_363 : vector<1x16xf32> to vector<16xf32>
    %swap3A_365 = vector.shape_cast %scan3A_316#7 : vector<16xf32> to vector<1x16xf32>
    tpu.vector_store %arg6[%swap3A_361, %swap3A_362], %swap3A_365 {strides = array<i32>} : memref<2x128xf32, #tpu.memory_space<vmem>>, vector<1x16xf32>,
    "tpu.region"() ({
      %run_scoped3A = tpu.sem_alloc : memref<!tpu.dma_semaphore, #tpu.memory_space<semaphore_mem>>
      %dma_start3A_366 = arith.constant 0 : i32
      %dma_start3A_367 = arith.constant 0 : i32
      %dma_start3A_368 = tpu.memref_slice %arg3[%add3A, %dma_start3A_366, %dma_start3A_367] : memref<32x2x128xf32, #tpu.memory_space<hbm>> -> memref<1x2x128xf32, #tpu.memory_space<hbm>>
      %dma_start3A_369 = tpu.memref_squeeze %dma_start3A_368 : memref<1x2x128xf32, #tpu.memory_space<hbm>> -> memref<2x128xf32, #tpu.memory_space<hbm>>
      %dma_start3A_370 = arith.constant 0 : i32
      %dma_start3A_371 = arith.constant 0 : i32
      %dma_start3A_372 = tpu.memref_slice %arg3[%add3A, %dma_start3A_370, %dma_start3A_371] : memref<32x2x128xf32, #tpu.memory_space<hbm>> -> memref<1x2x128xf32, #tpu.memory_space<hbm>>
      %dma_start3A_373 = tpu.memref_squeeze %dma_start3A_372 : memref<1x2x128xf32, #tpu.memory_space<hbm>> -> memref<2x128xf32, #tpu.memory_space<hbm>>
      tpu.enqueue_dma source(%arg6 : memref<2x128xf32, #tpu.memory_space<vmem>>) target(%dma_start3A_373 : memref<2x128xf32, #tpu.memory_space<hbm>>) target_semaphore(%run_scoped3A : memref<!tpu.dma_semaphore, #tpu.memory_space<semaphore_mem>>)
      %dma_wait3A_374 = arith.constant 0 : i32
      %dma_wait3A_375 = arith.constant 0 : i32
      %dma_wait3A_376 = tpu.memref_slice %arg3[%add3A, %dma_wait3A_374, %dma_wait3A_375] : memref<32x2x128xf32, #tpu.memory_space<hbm>> -> memref<1x2x128xf32, #tpu.memory_space<hbm>>
      %dma_wait3A_377 = tpu.memref_squeeze %dma_wait3A_376 : memref<1x2x128xf32, #tpu.memory_space<hbm>> -> memref<2x128xf32, #tpu.memory_space<hbm>>
      %dma_wait3A_378 = arith.constant 0 : i32
      %dma_wait3A_379 = arith.constant 0 : i32
      %dma_wait3A_380 = tpu.memref_slice %arg3[%add3A, %dma_wait3A_378, %dma_wait3A_379] : memref<32x2x128xf32, #tpu.memory_space<hbm>> -> memref<1x2x128xf32, #tpu.memory_space<hbm>>
      %dma_wait3A_381 = tpu.memref_squeeze %dma_wait3A_380 : memref<1x2x128xf32, #tpu.memory_space<hbm>> -> memref<2x128xf32, #tpu.memory_space<hbm>>
      tpu.wait_dma2 semaphore(%run_scoped3A : memref<!tpu.dma_semaphore, #tpu.memory_space<semaphore_mem>>) src(%arg6 : memref<2x128xf32, #tpu.memory_space<vmem>>) dst(%dma_wait3A_381 : memref<2x128xf32, #tpu.memory_space<hbm>>)
      tpu.yield
    }) : () -> ()
    return
  }
}

module attributes {stable_mosaic.version = 14 : i64} {
  func.func @_combine_kernel(%arg0: memref<64x128xf32, #tpu.memory_space<vmem>>, %arg1: memref<64x128xf32, #tpu.memory_space<vmem>>, %arg2: memref<64x128xf32, #tpu.memory_space<vmem>>, %arg3: memref<64x2xf32, #tpu.memory_space<vmem>>, %arg4: memref<64x2xi32, #tpu.memory_space<vmem>>) attributes {dimension_semantics = [], scalar_prefetch = 0 : i64, scratch_operands = 0 : i64, tpu.core_type = #tpu.core_type<tc>} {
    %get3A = arith.constant 0 : index
    %get3A_0 = arith.constant 0 : index
    %get3A_1 = vector.load %arg0[%get3A, %get3A_0] : memref<64x128xf32, #tpu.memory_space<vmem>>, vector<64x128xf32>
    %get3A_2 = arith.constant 0 : index
    %get3A_3 = arith.constant 0 : index
    %get3A_4 = vector.load %arg1[%get3A_2, %get3A_3] : memref<64x128xf32, #tpu.memory_space<vmem>>, vector<64x128xf32>
    %add3A = arith.addf %get3A_1, %get3A_4 : vector<64x128xf32>
    %mul3A = arith.constant 2.44140625E-4 : f32
    %mul3A_5 = vector.broadcast %mul3A : f32 to vector<64x128xf32>
    %mul3A_6 = arith.mulf %add3A, %mul3A_5 : vector<64x128xf32>
    %mul3A_7 = arith.mulf %mul3A_6, %mul3A_6 : vector<64x128xf32>
    %reduce_sum3A = arith.constant dense<0.000000e+00> : vector<64xf32>
    %reduce_sum3A_8 = vector.multi_reduction <add>, %mul3A_7, %reduce_sum3A [1] : vector<64x128xf32> to vector<64xf32>
    %broadcast_in_dim3A = vector.shape_cast %reduce_sum3A_8 : vector<64xf32> to vector<64x1xf32>
    %sqrt3A = math.sqrt %broadcast_in_dim3A : vector<64x1xf32>
    %max3A = arith.constant 9.99999996E-13 : f32
    %max3A_9 = vector.broadcast %max3A : f32 to vector<64x1xf32>
    %max3A_10 = arith.maximumf %sqrt3A, %max3A_9 : vector<64x1xf32>
    %div3A = vector.broadcast %max3A_10 : vector<64x1xf32> to vector<64x128xf32>
    %div3A_11 = arith.divf %mul3A_6, %div3A : vector<64x128xf32>
    %get3A_12 = arith.constant 0 : index
    %get3A_13 = arith.constant 0 : index
    %get3A_14 = vector.load %arg2[%get3A_12, %get3A_13] : memref<64x128xf32, #tpu.memory_space<vmem>>, vector<64x128xf32>
    %mul3A_15 = arith.mulf %get3A_14, %get3A_14 : vector<64x128xf32>
    %reduce_sum3A_16 = arith.constant dense<0.000000e+00> : vector<64xf32>
    %reduce_sum3A_17 = vector.multi_reduction <add>, %mul3A_15, %reduce_sum3A_16 [1] : vector<64x128xf32> to vector<64xf32>
    %broadcast_in_dim3A_18 = vector.shape_cast %reduce_sum3A_17 : vector<64xf32> to vector<64x1xf32>
    %sqrt3A_19 = math.sqrt %broadcast_in_dim3A_18 : vector<64x1xf32>
    %max3A_20 = arith.constant 9.99999996E-13 : f32
    %max3A_21 = vector.broadcast %max3A_20 : f32 to vector<64x1xf32>
    %max3A_22 = arith.maximumf %sqrt3A_19, %max3A_21 : vector<64x1xf32>
    %div3A_23 = vector.broadcast %max3A_22 : vector<64x1xf32> to vector<64x128xf32>
    %div3A_24 = arith.divf %get3A_14, %div3A_23 : vector<64x128xf32>
    %dot_general3A = arith.constant dense<0.000000e+00> : vector<64x64xf32>
    %dot_general3A_25 = tpu.matmul %div3A_11, %div3A_24, %dot_general3A {dimension_numbers = #tpu.dot_dimension_numbers<[1], [1], [0], [0], [0, 0, 1, 0], [], []>, transpose_lhs_hint = false} : vector<64x128xf32>, vector<64x128xf32>, vector<64x64xf32> -> vector<64x64xf32>
    %iota3A = tpu.iota {dimensions = array<i32: 1>} : vector<64x64xi32>
    %reduce_max3A = arith.constant dense<0xFF800000> : vector<64xf32>
    %reduce_max3A_26 = vector.multi_reduction <maximumf>, %dot_general3A_25, %reduce_max3A [1] : vector<64x64xf32> to vector<64xf32>
    %broadcast_in_dim3A_27 = vector.shape_cast %reduce_max3A_26 : vector<64xf32> to vector<64x1xf32>
    %eq3A = vector.broadcast %broadcast_in_dim3A_27 : vector<64x1xf32> to vector<64x64xf32>
    %eq3A_28 = arith.cmpf oeq, %dot_general3A_25, %eq3A : vector<64x64xf32>
    %jit3A = arith.constant 1073741824 : i32
    %broadcast_in_dim3A_29 = vector.broadcast %jit3A : i32 to vector<64x64xi32>
    %select_n3A = arith.select %eq3A_28, %iota3A, %broadcast_in_dim3A_29 : vector<64x64xi1>, vector<64x64xi32>
    %reduce_min3A = arith.constant dense<2147483647> : vector<64xi32>
    %reduce_min3A_30 = vector.multi_reduction <minsi>, %select_n3A, %reduce_min3A [1] : vector<64x64xi32> to vector<64xi32>
    %broadcast_in_dim3A_31 = vector.shape_cast %reduce_min3A_30 : vector<64xi32> to vector<64x1xi32>
    %eq3A_32 = vector.broadcast %broadcast_in_dim3A_31 : vector<64x1xi32> to vector<64x64xi32>
    %eq3A_33 = arith.cmpi eq, %iota3A, %eq3A_32 : vector<64x64xi32>
    %jit3A_34 = arith.constant 0xFF800000 : f32
    %broadcast_in_dim3A_35 = vector.broadcast %jit3A_34 : f32 to vector<64x64xf32>
    %select_n3A_36 = arith.select %eq3A_33, %broadcast_in_dim3A_35, %dot_general3A_25 : vector<64x64xi1>, vector<64x64xf32>
    %reduce_max3A_37 = arith.constant dense<0xFF800000> : vector<64xf32>
    %reduce_max3A_38 = vector.multi_reduction <maximumf>, %select_n3A_36, %reduce_max3A_37 [1] : vector<64x64xf32> to vector<64xf32>
    %broadcast_in_dim3A_39 = vector.shape_cast %reduce_max3A_38 : vector<64xf32> to vector<64x1xf32>
    %eq3A_40 = vector.broadcast %broadcast_in_dim3A_39 : vector<64x1xf32> to vector<64x64xf32>
    %eq3A_41 = arith.cmpf oeq, %select_n3A_36, %eq3A_40 : vector<64x64xf32>
    %jit3A_42 = arith.constant 1073741824 : i32
    %broadcast_in_dim3A_43 = vector.broadcast %jit3A_42 : i32 to vector<64x64xi32>
    %select_n3A_44 = arith.select %eq3A_41, %iota3A, %broadcast_in_dim3A_43 : vector<64x64xi1>, vector<64x64xi32>
    %reduce_min3A_45 = arith.constant dense<2147483647> : vector<64xi32>
    %reduce_min3A_46 = vector.multi_reduction <minsi>, %select_n3A_44, %reduce_min3A_45 [1] : vector<64x64xi32> to vector<64xi32>
    %broadcast_in_dim3A_47 = vector.shape_cast %reduce_min3A_46 : vector<64xi32> to vector<64x1xi32>
    %swap3A = arith.constant 0 : index
    %swap3A_48 = arith.constant 0 : index
    %swap3A_49 = vector.load %arg3[%swap3A, %swap3A_48] : memref<64x2xf32, #tpu.memory_space<vmem>>, vector<64x1xf32>
    tpu.vector_store %arg3[%swap3A, %swap3A_48], %broadcast_in_dim3A_27 {strides = array<i32>} : memref<64x2xf32, #tpu.memory_space<vmem>>, vector<64x1xf32>,
    %swap3A_50 = arith.constant 0 : index
    %swap3A_51 = arith.constant 1 : index
    %swap3A_52 = vector.load %arg3[%swap3A_50, %swap3A_51] : memref<64x2xf32, #tpu.memory_space<vmem>>, vector<64x1xf32>
    tpu.vector_store %arg3[%swap3A_50, %swap3A_51], %broadcast_in_dim3A_39 {strides = array<i32>} : memref<64x2xf32, #tpu.memory_space<vmem>>, vector<64x1xf32>,
    %swap3A_53 = arith.constant 0 : index
    %swap3A_54 = arith.constant 0 : index
    %swap3A_55 = vector.load %arg4[%swap3A_53, %swap3A_54] : memref<64x2xi32, #tpu.memory_space<vmem>>, vector<64x1xi32>
    tpu.vector_store %arg4[%swap3A_53, %swap3A_54], %broadcast_in_dim3A_31 {strides = array<i32>} : memref<64x2xi32, #tpu.memory_space<vmem>>, vector<64x1xi32>,
    %swap3A_56 = arith.constant 0 : index
    %swap3A_57 = arith.constant 1 : index
    %swap3A_58 = vector.load %arg4[%swap3A_56, %swap3A_57] : memref<64x2xi32, #tpu.memory_space<vmem>>, vector<64x1xi32>
    tpu.vector_store %arg4[%swap3A_56, %swap3A_57], %broadcast_in_dim3A_47 {strides = array<i32>} : memref<64x2xi32, #tpu.memory_space<vmem>>, vector<64x1xi32>,
    return
  }
}

module attributes {stable_mosaic.version = 14 : i64} {
  func.func @_tc_sum_kernel(%arg0: i32, %arg1: memref<8x2560x128xf32, #tpu.memory_space<vmem>>, %arg2: memref<8x128xf32, #tpu.memory_space<vmem>>) attributes {dimension_semantics = [#tpu.dimension_semantics<arbitrary>], iteration_bounds = array<i64: 8>, scalar_prefetch = 0 : i64, scratch_operands = 0 : i64, tpu.core_type = #tpu.core_type<tc>, window_params = [{transform_indices = @transform_0, window_bounds = array<i64: 8, 2560, 128>}, {transform_indices = @transform_1, window_bounds = array<i64: 8, 128>}]} {
    %get3A = arith.constant 0 : index
    %get3A_0 = arith.constant 0 : index
    %get3A_1 = arith.constant 0 : index
    %get3A_2 = vector.load %arg1[%get3A, %get3A_0, %get3A_1] : memref<8x2560x128xf32, #tpu.memory_space<vmem>>, vector<8x2560x128xf32>
    %reduce_sum3A = arith.constant dense<0.000000e+00> : vector<8x128xf32>
    %reduce_sum3A_3 = vector.multi_reduction <add>, %get3A_2, %reduce_sum3A [1] : vector<8x2560x128xf32> to vector<8x128xf32>
    %swap3A = arith.constant 0 : index
    %swap3A_4 = arith.constant 0 : index
    %swap3A_5 = vector.load %arg2[%swap3A, %swap3A_4] : memref<8x128xf32, #tpu.memory_space<vmem>>, vector<8x128xf32>
    tpu.vector_store %arg2[%swap3A, %swap3A_4], %reduce_sum3A_3 {strides = array<i32>} : memref<8x128xf32, #tpu.memory_space<vmem>>, vector<8x128xf32>,
    return
  }
  func.func @transform_0(%arg0: i32) -> (i32, i32, i32) {
    %c0_i32 = arith.constant 0 : i32
    %c0_i32_0 = arith.constant 0 : i32
    %c0_i32_1 = arith.constant 0 : i32
    return %arg0, %c0_i32, %c0_i32_0 : i32, i32, i32
  }
  func.func @transform_1(%arg0: i32) -> (i32, i32) {
    %c0_i32 = arith.constant 0 : i32
    %c0_i32_0 = arith.constant 0 : i32
    return %arg0, %c0_i32 : i32, i32
  }
}

</mosaic_0001>

<sc_bundles>
// kernel: kernel.5.cloned.1.call-start
scs
__scs_entry_jumppad:
0x0: {  	(pc) =	sbr.rel $0x88, $3  }
0x1: {  	(tag) =	ssettag $0x0;
	lr =	simm.s32 $0x1  }
0x2: {  	[smem:$0x3F9F] =	sst lr;
	_ =	strace $0xD0000000  }
0x3: {  	_ = 	snop  }
0x4: {  	_ = 	snop  }
0x5: {  	_ = 	snop  }
0x6: {  	_ = 	snop  }
0x7: {  	_ = 	snop  }
__scs_overlays_trampoline_lowered:
0x8: {  	[smem:$0x3FAE] =	sst s0  }
0x9: {  	[smem:$0x3FAF] =	sst s1  }
0xa: {  	[smem:$0x3FB0] =	sst s2  }
0xb: {  	[smem:$0x3FB1] =	sst s3  }
0xc: {  	[smem:$0x3FB2] =	sst s4  }
0xd: {  	[smem:$0x3FB3] =	sst s5  }
0xe: {  	[smem:$0x3FB4] =	sst s6  }
0xf: {  	[smem:$0x3FB5] =	sst s7  }
0x10: {  	[smem:$0x3FB6] =	sst s8  }
0x11: {  	[smem:$0x3FB7] =	sst s9;
	s0 =	simm.s32 @!p0 $0x0  }
0x12: {  	s1 =	sld [smem:$0x3F9D];
	s0 =	simm.s32 @p0 $0x1  }
0x13: {  	[smem:$0x3FB8] =	sst s0;
	s0 =	simm.s32 @!p1 $0x0  }
0x14: {  	s2 =	sld [smem:$0x3F9C];
	s0 =	simm.s32 @p1 $0x1  }
0x15: {  	[smem:$0x3FB9] =	sst s0;
	s0 =	simm.s32 @!p2 $0x0  }
0x16: {  	s3 =	sld [smem:$0x3FDB];
	s0 =	simm.s32 @p2 $0x1  }
0x17: {  	s4 =	simm.s32 $0x1BF5;
	[smem:$0x3FBB] =	sst s0  }
0x18: {  	s0 =	sld [smem:$0x3F9E];
	_ =	swait.ge [sflag:s4], $0x0  }
0x19: {  	s7 =	sld [smem:$0x3F9F]  }
0x1a: {  	s8 =	sadd.s32 $0xFFFFE003, lr  }
0x1b: {  	s9 =	sadd.s32 $0xFFFFFEF7, lr;
	s5 =	simm.s32 $0xFFFFFFFF;
	p2 =	slt.u32 s8, $0xFFFFF086  }
0x1c: {  	p1 =	slt.u32 s9, $0xF7A;
	s5 =	simm.s32 @!p2 $0x0  }
0x1d: {  	s5 =	simm.s32 @p1 $0x1;
	p0 =	seq.s32 s7, s2  }
0x1e: {  	s7 =	smul.u32 @!p0 $0xF7A, s2;
	p2 =	seq.s32 @!p0 s5, $0x0  }
0x1f: {  	s9 =	smul.u32 $0xF7A, s1;
	s8 =	simm.s32 @!p0 $0x1BF5;
	p2 =	por !p2, p0  }
0x20: {  	[sflag:s8] =	ssyncset.s32 @!p0 $0xFFFFF086;
	s6 =	sadd.s32 @!p0 s3, s7;
	s7 =	simm.s32 @!p0 $0x108  }
0x21: {  	s3 =	sadd.s32 s3, s9;
	s6 =	sadd.s32 @!p0 $0x88, s6;
	s7 =	simm.s32 @p2 $0x1082  }
0x22: {  	[simem:s7], [sflag:s8] =	dma.local @!p0 [hbm:s6], $0xF7A  }
0x23: {  	s9 =	sor.u32 $0xD0000000, s2;
	s6 =	simm.s32 $0x108;
	_ =	swait.ge @!p0 [sflag:s8], $0x0  }
0x24: {  	s3 =	sadd.s32 $0x88, s3;
	s6 =	simm.s32 @!p1 $0x1082;
	[sflag:s4] =	ssyncset.s32 $0xFFFFF086  }
0x25: {  	[simem:s6], [sflag:s4] =	dma.local [hbm:s3], $0xF7A  }
0x26: {  	[smem:$0x3F9F] =	sst s1;
	(tag) =	ssettag s2;
	_ =	strace s9  }
0x27: {  	s1 =	sld [smem:$0x3FAF]  }
0x28: {  	s2 =	sld [smem:$0x3FB0]  }
0x29: {  	s4 =	sld [smem:$0x3FB2]  }
0x2a: {  	p0 =	seq.s32 s5, $0x0;
	s5 =	sld [smem:$0x3FB3]  }
0x2b: {  	s6 =	sld [smem:$0x3FB4]  }
0x2c: {  	s7 =	sld [smem:$0x3FB5]  }
0x2d: {  	s3 =	simm.s32 $0x108;
	s8 =	sld [smem:$0x3FB6]  }
0x2e: {  	s3 =	simm.s32 @!p0 $0x1082;
	s9 =	sld [smem:$0x3FB7]  }
0x2f: {  	lr =	sadd.s32 s0, s3;
	s0 =	sld [smem:$0x3FAE]  }
0x30: {  	s3 =	sld [smem:$0x3FB1]  }
0x31: {  	[smem:$0x3FBA] =	sst s10  }
0x32: {  	s10 =	sld [smem:$0x3FB8];
	_ =	sdelay $0x3  }
0x33: {  	p0 =	seq.s32 s10, $0x1;
	s10 =	sld [smem:$0x3FBA];
	_ =	sdelay $0x3  }
0x34: {  	[smem:$0x3FBA] =	sst s10  }
0x35: {  	s10 =	sld [smem:$0x3FB9];
	_ =	sdelay $0x3  }
0x36: {  	p1 =	seq.s32 s10, $0x1;
	s10 =	sld [smem:$0x3FBA];
	_ =	sdelay $0x3  }
0x37: {  	[smem:$0x3FBA] =	sst s10  }
0x38: {  	s10 =	sld [smem:$0x3FBB]  }
0x39: {  	_ = 	snop;
	(pc) =	sbr.ind lr, $3  }
0x3a: {  	_ = 	snop  }
0x3b: {  	_ = 	snop  }
0x3c: {  	p2 =	seq.s32 s10, $0x1;
	s10 =	sld [smem:$0x3FBA]  }
0x3d: {  	_ =	shalt  }
0x3e: {  	_ =	shalt  }
0x3f: {  	_ =	shalt  }
0x40: {  	_ =	shalt  }
0x41: {  	_ =	shalt  }
0x42: {  	_ =	shalt  }
0x43: {  	_ =	shalt  }
0x44: {  	_ =	shalt  }
0x45: {  	_ =	shalt  }
0x46: {  	_ =	shalt  }
0x47: {  	_ =	shalt  }
0x48: {  	_ =	shalt  }
0x49: {  	_ =	shalt  }
0x4a: {  	_ =	shalt  }
0x4b: {  	_ =	shalt  }
0x4c: {  	_ =	shalt  }
0x4d: {  	_ =	shalt  }
0x4e: {  	_ =	shalt  }
0x4f: {  	_ =	shalt  }
0x50: {  	_ =	shalt  }
0x51: {  	_ =	shalt  }
0x52: {  	_ =	shalt  }
0x53: {  	_ =	shalt  }
0x54: {  	_ =	shalt  }
0x55: {  	_ =	shalt  }
0x56: {  	_ =	shalt  }
0x57: {  	_ =	shalt  }
0x58: {  	_ =	shalt  }
0x59: {  	_ =	shalt  }
0x5a: {  	_ =	shalt  }
0x5b: {  	_ =	shalt  }
0x5c: {  	_ =	shalt  }
0x5d: {  	_ =	shalt  }
0x5e: {  	_ =	shalt  }
0x5f: {  	_ =	shalt  }
0x60: {  	_ =	shalt  }
0x61: {  	_ =	shalt  }
0x62: {  	_ =	shalt  }
0x63: {  	_ =	shalt  }
0x64: {  	_ =	shalt  }
0x65: {  	_ =	shalt  }
0x66: {  	_ =	shalt  }
0x67: {  	_ =	shalt  }
0x68: {  	_ =	shalt  }
0x69: {  	_ =	shalt  }
0x6a: {  	_ =	shalt  }
0x6b: {  	_ =	shalt  }
0x6c: {  	_ =	shalt  }
0x6d: {  	_ =	shalt  }
0x6e: {  	_ =	shalt  }
0x6f: {  	_ =	shalt  }
0x70: {  	_ =	shalt  }
0x71: {  	_ =	shalt  }
0x72: {  	_ =	shalt  }
0x73: {  	_ =	shalt  }
0x74: {  	_ =	shalt  }
0x75: {  	_ =	shalt  }
0x76: {  	_ =	shalt  }
0x77: {  	_ =	shalt  }
0x78: {  	_ =	shalt  }
0x79: {  	_ =	shalt  }
0x7a: {  	_ =	shalt  }
0x7b: {  	_ =	shalt  }
0x7c: {  	_ =	shalt  }
0x7d: {  	_ =	shalt  }
0x7e: {  	_ =	shalt  }
0x7f: {  	_ =	shalt  }
0x80: {  	_ =	shalt  }
0x81: {  	_ =	shalt  }
0x82: {  	_ =	shalt  }
0x83: {  	_ =	shalt  }
0x84: {  	_ =	shalt  }
0x85: {  	_ =	shalt  }
0x86: {  	_ =	shalt  }
0x87: {  	_ =	shalt  }
.Lfunc_end0:
.L_simem_size_0:
called_computation_lowered:
.L_overlay_start_0:
0x88: {  	s2 =	sld [smem:$0x3FD9]  }
0x89: {  	s3 =	sld [smem:$0x3FFE];
	_ =	sdelay $0x1  }
0x8a: {  	s1 =	srdreg.scid  }
0x8b: {  	s0 =	sand.u32 $0x1, s1  }
0x8c: {  	s17 =	sshll.u32 s0, $0xA;
	s2 =	sadd.s32 s3, s2  }
0x8d: {  	s2 =	sadd.s32 s2, s17  }
0x8e: {  	[smem:$0x3FC6] =	sst s2  }
0x8f: {  	_ = 	snop  }
0x90: {  	s2 =	sld [smem:$0x3FC9];
	(tm) =	ssettm $0x1  }
0x91: {  	s18 =	sld [smem:$0x3FFB];
	_ =	sdelay $0x3  }
0x92: {  	_ =	strace s18  }
0x93: {  	s3 =	sld [smem:$0x3FFC];
	_ =	sdelay $0x3  }
0x94: {  	_ =	strace s3  }
0x95: {  	s3 =	sld [smem:$0x3FFD];
	_ =	sdelay $0x3  }
0x96: {  	_ =	strace s3  }
0x97: {  	_ =	strace $0x8FFFFFFF  }
0x98: {  	s19 =	sld [smem:$0x3FDB];
	_ =	sdelay $0x1  }
0x99: {  	s4 =	simm.s32 $_scs_section_size  }
0x9a: {  	s5 =	simm.s32 $_size__tile_overlayer_lowered;
	s6 =	simm.s32 $_tile_overlayer_lowered  }
0x9b: {  	s22 =	simm.s32 $0x1BFF;
	s21 =	sshll.u32 s6, $0x1;
	s3 =	sadd.s32 s4, s19  }
0x9c: {  	s7 =	simm.s32 $0x0;
	s20 =	sshll.u32 s5, $0x1;
	s5 =	sadd.s32 s21, s3  }
0x9d: {  	[timem:s7], [sflag:s22] =	dma.local [hbm:s5], s20  }
0x9e: {  	_ =	swait.ge [sflag:s22], s20  }
0x9f: {  	s4 =	ssub.s32 $0x0, s20;
	[sflag:s22] =	ssyncset.done $0x0  }
0xa0: {  	[sflag:s22] =	ssyncadd.s32 s4;
	_ =	sdelay $0x1  }
0xa1: {  	s23 =	simm.s32 $0x1B8B  }
0xa2: {  	_ =	swait.ge [sflag:s23], $0x1  }
0xa3: {  	[sflag:s23] =	ssyncset.done $0x0  }
0xa4: {  	s25 =	simm.s32 $0x1B8E;
	s24 =	sld [smem:$0x3FFE];
	[sflag:s23] =	ssyncadd.s32 $0xFFFFFFFF  }
0xa5: {  	s26 =	simm.s32 $execute0_lowered;
	[smem:$0x3FD2] =	sst s25  }
0xa6: {  	s5 =	sshll.u32 s26, $0x1;
	_ =	strace $0x80000046;
	[dreg:$0x1] =	wrdreg $0xFFFFFFFF  }
0xa7: {  	s28 =	simm.s32 $_size_execute0_lowered;
	s3 =	sadd.s32 s3, s5;
	[dreg:$0x0] =	wrdreg $0x0  }
0xa8: {  	s5 =	sshll.u32 s28, $0x1;
	[dreg:$0x2] =	wrdreg s3  }
0xa9: {  	[dreg:$0x3] =	wrdreg s5  }
0xaa: {  	[dreg:$0x4] =	wrdreg $0xC0  }
0xab: {  	_ =	task [dreg:s7], $0x5FFFF  }
0xac: {  	[dreg:$0x1] =	wrdreg $0xFFFFFFFF  }
0xad: {  	[dreg:$0x0] =	wrdreg $0x60  }
0xae: {  	[dreg:$0x2] =	wrdreg s2  }
0xaf: {  	[dreg:$0x3] =	wrdreg s24  }
0xb0: {  	[dreg:$0x4] =	wrdreg $0x9  }
0xb1: {  	_ =	task.clear_ibuf [dreg:s7], $0x5FFFF;
	_ =	strace $0x90000046  }
0xb2: {  	s29 =	simm.s32 $0x9;
	_ =	strace $0x80000048  }
0xb3: {  	_ =	swait.ge [sflag:s29], $0x1  }
0xb4: {  	[sflag:s29] =	ssyncadd.s32 $0xFFFFFFFF  }
0xb5: {  	_ =	strace $0x90000048  }
0xb6: {  	_ =	sfence  }
0xb7: {  	s30 =	sld [smem:$0x0];
	_ =	sdelay $0x2  }
0xb8: {  	s31 =	sshll.u32 s1, $0xD;
	s1 =	sshrl.u32 s1, $0x2  }
0xb9: {  	s3 =	sand.u32 $0x4000, s31;
	s1 =	sadd.s32 s1, s30  }
0xba: {  	s0 =	sor.u32 s3, s0;
	s1 =	sshll.u32 s1, $0x11  }
0xbb: {  	s0 =	sor.u32 s1, s0  }
0xbc: {  	s0 =	sadd.s32 $0x8F2B, s0  }
0xbd: {  	[sflag:s0] =	ssyncadd.remote.s32 $0x1  }
0xbe: {  	_ =	sfence.sel $0xFFFF  }
0xbf: {  	[dreg:$0x0] =	wrdreg $0xFFFFFFFF;
	(pc) =	sbr.abs _section_cstart, $3  }
0xc0: {  	[dreg:$0x1] =	wrdreg $0xFFFFFFFF  }
0xc1: {  	_ =	task.clear_ibuf [dreg:s7], $0x2FFFF;
	_ =	strace $0x9FFFFFFF  }
0xc2: {  	(tm) =	ssettm $0x7FFFFFFF  }
0xc3: {  	_ =	shalt  }
tec
execute0_lowered:
.L_overlay_start_1:
0x0: {  	(tag) =	ssettag $0x1  }
0x1: {  	s3 =	rddreg [dreg:$0x0]  }
0x2: {  	s4 =	rddreg [dreg:$0x1]  }
0x3: {  	s0 =	rddreg [dreg:$0x2];
	s5 =	srdreg.scid  }
0x4: {  	s1 =	stileid.u32;
	s2 =	simm.s32 $0x0;
	s13 =	simm.s32 $0xC000  }
0x5: {  	s14 =	simm.s32 $0x1;
	s15 =	simm.s32 $0x2;
	s16 =	simm.s32 $0x18000  }
0x6: {  	s17 =	simm.s32 $0x3;
	s5 =	sand.u32 $0x1, s5;
	s6 =	sshll.u32 s1, $0x1  }
0x7: {  	s18 =	simm.s32 $0x0;
	[smem:$0x7FF] =	sst s2;
	s6 =	sor.u32 s5, s6  }
0x8: {  	_ =	strace $0x80000047;
	s5 =	ssub.s32 $0x2, s5;
	s7 =	sshll.u32 s6, $0x11  }
0x9: {  	s6 =	sshll.u32 s6, $0x5;
	s8 =	sshrl.u32 s5, $0x1;
	s10 =	sadd.s32 s7, s3  }
0xa: {  	s11 =	sadd.s32 s6, s4;
	s12 =	ssub.s32 s5, s8;
	s3 =	sadd.s32 $0xA000, s10  }
0xb: {  	s4 =	sadd.s32 $0xB800, s10;
	s5 =	sadd.s32 $0xD000, s10;
	s6 =	sadd.s32 $0xE800, s10  }
0xc: {  	s7 =	sadd.s32 $0x1A000, s10;
	s8 =	sadd.s32 $0x1B800, s10;
	s9 =	sadd.s32 $0x1D000, s10  }
0xd: {  	s10 =	sadd.s32 $0x1E800, s10;
	s11 =	sadd.s32 $0xA00, s11;
	s12 =	smax.u32 s12, $0x1  }
.LBB2_1:
0xe: {  	[tilespmem:s2], [sflag:$0x1] =	stream.linear.gather [hbm4b:s3+s2], $0xC000, $0x38;
	[tilespmem:$0x18100] =	vst v63  }
0xf: {  	_ = 	snop  }
0x10: {  	[tilespmem:s13], [sflag:$0x2] =	stream.linear.gather [hbm4b:s4+s2], $0xC000, $0x38;
	[tilespmem:$0x18100] =	vst v63  }
0x11: {  	_ =	swait.ge [sflag:s14], $0xC000  }
0x12: {  	[sflag:s14] =	ssyncset.done $0x0  }
0x13: {  	s20 =	simm.s32 $0x100;
	[sflag:s14] =	ssyncadd.s32 $0xFFFF4000  }
0x14: {  	v0 =	vld [tilespmem:s20+$0x80]  }
0x15: {  	v2 =	vld [tilespmem:s20+$0x90]  }
0x16: {  	v4 =	vld [tilespmem:s20+$0xA0]  }
0x17: {  	v6 =	vld [tilespmem:s20+$0xB0]  }
0x18: {  	v1 =	vld [tilespmem:s20+$0xC0]  }
0x19: {  	v3 =	vld [tilespmem:s20+$0xD0]  }
0x1a: {  	v8 =	vld [tilespmem:s20+$0x0]  }
0x1b: {  	v9 =	vld [tilespmem:s20+$0x10]  }
0x1c: {  	v10 =	vld [tilespmem:s20+$0x20]  }
0x1d: {  	v11 =	vld [tilespmem:s20+$0x30]  }
0x1e: {  	v5 =	vld [tilespmem:s20+$0x40]  }
0x1f: {  	v7 =	vld [tilespmem:s20+$0x50]  }
0x20: {  	v12 =	vld [tilespmem:s20+$0xFFFFFF80]  }
0x21: {  	v13 =	vld [tilespmem:s20+$0xFFFFFF90]  }
0x22: {  	v14 =	vld [tilespmem:s20+$0xFFFFFF00]  }
0x23: {  	v15 =	vld [tilespmem:s20+$0xFFFFFF10]  }
0x24: {  	v16 =	vld [tilespmem:s20+$0xFFFFFF20]  }
0x25: {  	v17 =	vld [tilespmem:s20+$0xFFFFFF30]  }
0x26: {  	v18 =	vld [tilespmem:s20+$0xFFFFFFA0]  }
0x27: {  	v19 =	vld [tilespmem:s20+$0xFFFFFFB0]  }
0x28: {  	v20 =	vimm.f32 $0.0e+00;
	v21 =	vld [tilespmem:s20+$0xFFFFFFC0]  }
0x29: {  	v22 =	vld [tilespmem:s20+$0xFFFFFFD0];
	v14 =	vadd.f32 v14, v20;
	v15 =	vadd.f32 v15, v20  }
0x2a: {  	v23 =	vld [tilespmem:s20+$0xFFFFFF40];
	v16 =	vadd.f32 v16, v20;
	v17 =	vadd.f32 v17, v20  }
0x2b: {  	v24 =	vld [tilespmem:s20+$0xFFFFFF50];
	v12 =	vadd.f32 v12, v14;
	v13 =	vadd.f32 v13, v15  }
0x2c: {  	v14 =	vld [tilespmem:s20+$0xFFFFFF60];
	v15 =	vadd.f32 v18, v16;
	v16 =	vadd.f32 v19, v17  }
0x2d: {  	v17 =	vld [tilespmem:s20+$0xFFFFFF70];
	v8 =	vadd.f32 v8, v12;
	v9 =	vadd.f32 v9, v13  }
0x2e: {  	v12 =	vld [tilespmem:s20+$0xFFFFFFE0];
	v10 =	vadd.f32 v10, v15;
	v11 =	vadd.f32 v11, v16  }
0x2f: {  	v15 =	vld [tilespmem:s20+$0xFFFFFFF0];
	v8 =	vadd.f32 v0, v8;
	v9 =	vadd.f32 v2, v9  }
0x30: {  	v13 =	vld [tilespmem:s20+$0x60];
	v10 =	vadd.f32 v4, v10;
	v11 =	vadd.f32 v6, v11  }
0x31: {  	v16 =	vld [tilespmem:s20+$0x70];
	v0 =	vadd.f32 v23, v20;
	v2 =	vadd.f32 v24, v20  }
0x32: {  	v18 =	vadd.f32 v14, v20;
	v19 =	vadd.f32 v17, v20;
	v14 =	vld [tilespmem:s20+$0xE0]  }
0x33: {  	s19 =	simm.s32 $0x0;
	v17 =	vld [tilespmem:s20+$0xF0];
	s20 =	simm.s32 $0x300;
	v20 =	vadd.f32 v21, v0;
	v21 =	vadd.f32 v22, v2  }
.LBB2_2:
0x34: {  	v0 =	vld [tilespmem:s20+$0x80];
	v2 =	vadd.f32 v12, v18;
	v4 =	vadd.f32 v15, v19  }
0x35: {  	v6 =	vld [tilespmem:s20+$0x90];
	v5 =	vadd.f32 v5, v20;
	v7 =	vadd.f32 v7, v21  }
0x36: {  	v18 =	vld [tilespmem:s20+$0xA0];
	v2 =	vadd.f32 v13, v2;
	v4 =	vadd.f32 v16, v4  }
0x37: {  	v16 =	vld [tilespmem:s20+$0xB0];
	v19 =	vadd.f32 v1, v5;
	v20 =	vadd.f32 v3, v7  }
0x38: {  	v1 =	vld [tilespmem:s20+$0xC0];
	v2 =	vadd.f32 v14, v2;
	v4 =	vadd.f32 v17, v4  }
0x39: {  	v3 =	vld [tilespmem:s20+$0xD0]  }
0x3a: {  	v12 =	vld [tilespmem:s20+$0x0]  }
0x3b: {  	v13 =	vld [tilespmem:s20+$0x10]  }
0x3c: {  	v14 =	vld [tilespmem:s20+$0x20]  }
0x3d: {  	v15 =	vld [tilespmem:s20+$0x30]  }
0x3e: {  	v5 =	vld [tilespmem:s20+$0x40]  }
0x3f: {  	v7 =	vld [tilespmem:s20+$0x50]  }
0x40: {  	v17 =	vld [tilespmem:s20+$0xFFFFFF80]  }
0x41: {  	v21 =	vld [tilespmem:s20+$0xFFFFFF90]  }
0x42: {  	v22 =	vld [tilespmem:s20+$0xFFFFFF00]  }
0x43: {  	v23 =	vld [tilespmem:s20+$0xFFFFFF10]  }
0x44: {  	v24 =	vld [tilespmem:s20+$0xFFFFFF20]  }
0x45: {  	v25 =	vld [tilespmem:s20+$0xFFFFFF30]  }
0x46: {  	v26 =	vld [tilespmem:s20+$0xFFFFFFA0]  }
0x47: {  	v27 =	vld [tilespmem:s20+$0xFFFFFFB0]  }
0x48: {  	v28 =	vld [tilespmem:s20+$0xFFFFFFC0]  }
0x49: {  	v8 =	vadd.f32 v22, v8;
	v9 =	vadd.f32 v23, v9;
	v22 =	vld [tilespmem:s20+$0xFFFFFFD0]  }
0x4a: {  	v10 =	vadd.f32 v24, v10;
	v11 =	vadd.f32 v25, v11;
	v23 =	vld [tilespmem:s20+$0xFFFFFF40]  }
0x4b: {  	v8 =	vadd.f32 v17, v8;
	v9 =	vadd.f32 v21, v9;
	v24 =	vld [tilespmem:s20+$0xFFFFFF50]  }
0x4c: {  	v10 =	vadd.f32 v26, v10;
	v17 =	vld [tilespmem:s20+$0xFFFFFF60];
	v11 =	vadd.f32 v27, v11  }
0x4d: {  	s19 =	sadd.s32 $0x4, s19;
	v8 =	vadd.f32 v12, v8;
	v9 =	vadd.f32 v13, v9;
	v21 =	vld [tilespmem:s20+$0xFFFFFF70]  }
0x4e: {  	p0 =	slt.u32 s19, $0x17C;
	v10 =	vadd.f32 v14, v10;
	v12 =	vld [tilespmem:s20+$0xFFFFFFE0];
	v11 =	vadd.f32 v15, v11  }
.Ltmp0:
0x4f: {  	v8 =	vadd.f32 v0, v8;
	v9 =	vadd.f32 v6, v9;
	v15 =	vld [tilespmem:s20+$0xFFFFFFF0];
	(pc) =	sbr.rel @p0 .LBB2_2-.Ltmp0, $4  }
0x50: {  	v10 =	vadd.f32 v18, v10;
	v13 =	vld [tilespmem:s20+$0x60];
	v11 =	vadd.f32 v16, v11  }
0x51: {  	v0 =	vadd.f32 v23, v19;
	v6 =	vadd.f32 v24, v20;
	v16 =	vld [tilespmem:s20+$0x70]  }
0x52: {  	v18 =	vadd.f32 v17, v2;
	v19 =	vadd.f32 v21, v4;
	v14 =	vld [tilespmem:s20+$0xE0]  }
0x53: {  	v20 =	vadd.f32 v28, v0;
	v21 =	vadd.f32 v22, v6;
	v17 =	vld [tilespmem:s20+$0xF0];
	s20 =	sadd.s32 $0x200, s20  }
0x54: {  	[tilespmem:s2], [sflag:$0x1] =	stream.linear.gather [hbm4b:s5+s2], $0xC000, $0x38;
	[tilespmem:$0x18100] =	vst v63  }
0x55: {  	_ =	swait.ge [sflag:s15], $0xC000  }
0x56: {  	[sflag:s15] =	ssyncset.done $0x0  }
0x57: {  	s20 =	simm.s32 $0xC100;
	[sflag:s15] =	ssyncadd.s32 $0xFFFF4000  }
0x58: {  	v22 =	vld [tilespmem:s20+$0x80]  }
0x59: {  	v23 =	vld [tilespmem:s20+$0x90]  }
0x5a: {  	v24 =	vld [tilespmem:s20+$0xA0]  }
0x5b: {  	v25 =	vld [tilespmem:s20+$0xB0]  }
0x5c: {  	v0 =	vld [tilespmem:s20+$0xC0]  }
0x5d: {  	v2 =	vld [tilespmem:s20+$0xD0]  }
0x5e: {  	v26 =	vld [tilespmem:s20+$0x0]  }
0x5f: {  	v27 =	vld [tilespmem:s20+$0x10]  }
0x60: {  	v28 =	vld [tilespmem:s20+$0x20]  }
0x61: {  	v29 =	vld [tilespmem:s20+$0x30]  }
0x62: {  	v4 =	vld [tilespmem:s20+$0x40]  }
0x63: {  	v6 =	vld [tilespmem:s20+$0x50]  }
0x64: {  	v30 =	vld [tilespmem:s20+$0xFFFFFF80]  }
0x65: {  	v31 =	vld [tilespmem:s20+$0xFFFFFF90]  }
0x66: {  	v32 =	vld [tilespmem:s20+$0xFFFFFF00]  }
0x67: {  	v33 =	vld [tilespmem:s20+$0xFFFFFF10]  }
0x68: {  	v12 =	vadd.f32 v12, v18;
	v15 =	vadd.f32 v15, v19;
	v18 =	vld [tilespmem:s20+$0xFFFFFF20]  }
0x69: {  	v5 =	vadd.f32 v5, v20;
	v7 =	vadd.f32 v7, v21;
	v19 =	vld [tilespmem:s20+$0xFFFFFF30]  }
0x6a: {  	v12 =	vadd.f32 v13, v12;
	v13 =	vadd.f32 v16, v15;
	v16 =	vld [tilespmem:s20+$0xFFFFFF40]  }
0x6b: {  	v1 =	vadd.f32 v1, v5;
	v3 =	vadd.f32 v3, v7;
	v15 =	vld [tilespmem:s20+$0xFFFFFFA0]  }
0x6c: {  	v5 =	vld [tilespmem:s20+$0xFFFFFFB0];
	v7 =	vadd.f32 v14, v12;
	v14 =	vadd.f32 v17, v13  }
0x6d: {  	v20 =	vld [tilespmem:s20+$0xFFFFFF70];
	v8 =	vadd.f32 v32, v8;
	v9 =	vadd.f32 v33, v9  }
0x6e: {  	v10 =	vadd.f32 v18, v10;
	v11 =	vadd.f32 v19, v11;
	v18 =	vld [tilespmem:s20+$0xFFFFFF50]  }
0x6f: {  	v19 =	vld [tilespmem:s20+$0xFFFFFF60];
	v1 =	vadd.f32 v16, v1;
	v8 =	vadd.f32 v30, v8  }
0x70: {  	v17 =	vld [tilespmem:s20+$0xFFFFFFC0];
	v9 =	vadd.f32 v31, v9;
	v10 =	vadd.f32 v15, v10  }
0x71: {  	v21 =	vld [tilespmem:s20+$0xFFFFFFD0];
	v5 =	vadd.f32 v5, v11;
	v8 =	vadd.f32 v26, v8  }
0x72: {  	v12 =	vld [tilespmem:s20+$0xFFFFFFE0];
	v9 =	vadd.f32 v27, v9;
	v10 =	vadd.f32 v28, v10  }
0x73: {  	v15 =	vld [tilespmem:s20+$0xFFFFFFF0];
	v5 =	vadd.f32 v29, v5;
	v3 =	vadd.f32 v18, v3  }
0x74: {  	v13 =	vld [tilespmem:s20+$0x60];
	v18 =	vadd.f32 v19, v7;
	v19 =	vadd.f32 v20, v14  }
0x75: {  	v16 =	vld [tilespmem:s20+$0x70];
	v20 =	vadd.f32 v17, v1;
	v8 =	vadd.f32 v22, v8  }
0x76: {  	v14 =	vld [tilespmem:s20+$0xE0];
	v9 =	vadd.f32 v23, v9;
	v10 =	vadd.f32 v24, v10  }
0x77: {  	s19 =	simm.s32 $0x0;
	v17 =	vld [tilespmem:s20+$0xF0];
	s20 =	simm.s32 $0xC300;
	v11 =	vadd.f32 v25, v5;
	v21 =	vadd.f32 v21, v3  }
.LBB2_4:
0x78: {  	v1 =	vld [tilespmem:s20+$0x80];
	v3 =	vadd.f32 v12, v18;
	v5 =	vadd.f32 v15, v19  }
0x79: {  	v7 =	vld [tilespmem:s20+$0x90];
	v4 =	vadd.f32 v4, v20;
	v6 =	vadd.f32 v6, v21  }
0x7a: {  	v18 =	vld [tilespmem:s20+$0xA0];
	v3 =	vadd.f32 v13, v3;
	v5 =	vadd.f32 v16, v5  }
0x7b: {  	v16 =	vld [tilespmem:s20+$0xB0];
	v19 =	vadd.f32 v0, v4;
	v20 =	vadd.f32 v2, v6  }
0x7c: {  	v0 =	vld [tilespmem:s20+$0xC0];
	v3 =	vadd.f32 v14, v3;
	v5 =	vadd.f32 v17, v5  }
0x7d: {  	v2 =	vld [tilespmem:s20+$0xD0]  }
0x7e: {  	v12 =	vld [tilespmem:s20+$0x0]  }
0x7f: {  	v13 =	vld [tilespmem:s20+$0x10]  }
0x80: {  	v14 =	vld [tilespmem:s20+$0x20]  }
0x81: {  	v15 =	vld [tilespmem:s20+$0x30]  }
0x82: {  	v4 =	vld [tilespmem:s20+$0x40]  }
0x83: {  	v6 =	vld [tilespmem:s20+$0x50]  }
0x84: {  	v17 =	vld [tilespmem:s20+$0xFFFFFF80]  }
0x85: {  	v21 =	vld [tilespmem:s20+$0xFFFFFF90]  }
0x86: {  	v22 =	vld [tilespmem:s20+$0xFFFFFF00]  }
0x87: {  	v23 =	vld [tilespmem:s20+$0xFFFFFF10]  }
0x88: {  	v24 =	vld [tilespmem:s20+$0xFFFFFF20]  }
0x89: {  	v25 =	vld [tilespmem:s20+$0xFFFFFF30]  }
0x8a: {  	v26 =	vld [tilespmem:s20+$0xFFFFFFA0]  }
0x8b: {  	v27 =	vld [tilespmem:s20+$0xFFFFFFB0]  }
0x8c: {  	v28 =	vld [tilespmem:s20+$0xFFFFFFC0]  }
0x8d: {  	v8 =	vadd.f32 v22, v8;
	v9 =	vadd.f32 v23, v9;
	v22 =	vld [tilespmem:s20+$0xFFFFFFD0]  }
0x8e: {  	v10 =	vadd.f32 v24, v10;
	v11 =	vadd.f32 v25, v11;
	v23 =	vld [tilespmem:s20+$0xFFFFFF40]  }
0x8f: {  	v8 =	vadd.f32 v17, v8;
	v9 =	vadd.f32 v21, v9;
	v24 =	vld [tilespmem:s20+$0xFFFFFF50]  }
0x90: {  	v10 =	vadd.f32 v26, v10;
	v17 =	vld [tilespmem:s20+$0xFFFFFF60];
	v11 =	vadd.f32 v27, v11  }
0x91: {  	s19 =	sadd.s32 $0x4, s19;
	v8 =	vadd.f32 v12, v8;
	v9 =	vadd.f32 v13, v9;
	v21 =	vld [tilespmem:s20+$0xFFFFFF70]  }
0x92: {  	p0 =	slt.u32 s19, $0x17C;
	v10 =	vadd.f32 v14, v10;
	v12 =	vld [tilespmem:s20+$0xFFFFFFE0];
	v11 =	vadd.f32 v15, v11  }
.Ltmp1:
0x93: {  	v8 =	vadd.f32 v1, v8;
	v9 =	vadd.f32 v7, v9;
	v15 =	vld [tilespmem:s20+$0xFFFFFFF0];
	(pc) =	sbr.rel @p0 .LBB2_4-.Ltmp1, $4  }
0x94: {  	v10 =	vadd.f32 v18, v10;
	v13 =	vld [tilespmem:s20+$0x60];
	v11 =	vadd.f32 v16, v11  }
0x95: {  	v1 =	vadd.f32 v23, v19;
	v7 =	vadd.f32 v24, v20;
	v16 =	vld [tilespmem:s20+$0x70]  }
0x96: {  	v18 =	vadd.f32 v17, v3;
	v19 =	vadd.f32 v21, v5;
	v14 =	vld [tilespmem:s20+$0xE0]  }
0x97: {  	v20 =	vadd.f32 v28, v1;
	v21 =	vadd.f32 v22, v7;
	v17 =	vld [tilespmem:s20+$0xF0];
	s20 =	sadd.s32 $0x200, s20  }
0x98: {  	[tilespmem:s13], [sflag:$0x2] =	stream.linear.gather [hbm4b:s6+s2], $0xC000, $0x38;
	[tilespmem:$0x18100] =	vst v63  }
0x99: {  	_ =	swait.ge [sflag:s14], $0xC000  }
0x9a: {  	[sflag:s14] =	ssyncset.done $0x0  }
0x9b: {  	s20 =	simm.s32 $0x100;
	[sflag:s14] =	ssyncadd.s32 $0xFFFF4000  }
0x9c: {  	v22 =	vld [tilespmem:s20+$0x80]  }
0x9d: {  	v23 =	vld [tilespmem:s20+$0x90]  }
0x9e: {  	v24 =	vld [tilespmem:s20+$0xA0]  }
0x9f: {  	v25 =	vld [tilespmem:s20+$0xB0]  }
0xa0: {  	v1 =	vld [tilespmem:s20+$0xC0]  }
0xa1: {  	v3 =	vld [tilespmem:s20+$0xD0]  }
0xa2: {  	v26 =	vld [tilespmem:s20+$0x0]  }
0xa3: {  	v27 =	vld [tilespmem:s20+$0x10]  }
0xa4: {  	v28 =	vld [tilespmem:s20+$0x20]  }
0xa5: {  	v29 =	vld [tilespmem:s20+$0x30]  }
0xa6: {  	v5 =	vld [tilespmem:s20+$0x40]  }
0xa7: {  	v7 =	vld [tilespmem:s20+$0x50]  }
0xa8: {  	v30 =	vld [tilespmem:s20+$0xFFFFFF80]  }
0xa9: {  	v31 =	vld [tilespmem:s20+$0xFFFFFF90]  }
0xaa: {  	v32 =	vld [tilespmem:s20+$0xFFFFFF00]  }
0xab: {  	v33 =	vld [tilespmem:s20+$0xFFFFFF10]  }
0xac: {  	v12 =	vadd.f32 v12, v18;
	v15 =	vadd.f32 v15, v19;
	v18 =	vld [tilespmem:s20+$0xFFFFFF20]  }
0xad: {  	v4 =	vadd.f32 v4, v20;
	v6 =	vadd.f32 v6, v21;
	v19 =	vld [tilespmem:s20+$0xFFFFFF30]  }
0xae: {  	v12 =	vadd.f32 v13, v12;
	v13 =	vadd.f32 v16, v15;
	v16 =	vld [tilespmem:s20+$0xFFFFFF40]  }
0xaf: {  	v0 =	vadd.f32 v0, v4;
	v2 =	vadd.f32 v2, v6;
	v15 =	vld [tilespmem:s20+$0xFFFFFFA0]  }
0xb0: {  	v4 =	vld [tilespmem:s20+$0xFFFFFFB0];
	v6 =	vadd.f32 v14, v12;
	v14 =	vadd.f32 v17, v13  }
0xb1: {  	v20 =	vld [tilespmem:s20+$0xFFFFFF70];
	v8 =	vadd.f32 v32, v8;
	v9 =	vadd.f32 v33, v9  }
0xb2: {  	v10 =	vadd.f32 v18, v10;
	v11 =	vadd.f32 v19, v11;
	v18 =	vld [tilespmem:s20+$0xFFFFFF50]  }
0xb3: {  	v19 =	vld [tilespmem:s20+$0xFFFFFF60];
	v0 =	vadd.f32 v16, v0;
	v8 =	vadd.f32 v30, v8  }
0xb4: {  	v17 =	vld [tilespmem:s20+$0xFFFFFFC0];
	v9 =	vadd.f32 v31, v9;
	v10 =	vadd.f32 v15, v10  }
0xb5: {  	v21 =	vld [tilespmem:s20+$0xFFFFFFD0];
	v4 =	vadd.f32 v4, v11;
	v8 =	vadd.f32 v26, v8  }
0xb6: {  	v12 =	vld [tilespmem:s20+$0xFFFFFFE0];
	v9 =	vadd.f32 v27, v9;
	v10 =	vadd.f32 v28, v10  }
0xb7: {  	v15 =	vld [tilespmem:s20+$0xFFFFFFF0];
	v4 =	vadd.f32 v29, v4;
	v2 =	vadd.f32 v18, v2  }
0xb8: {  	v13 =	vld [tilespmem:s20+$0x60];
	v18 =	vadd.f32 v19, v6;
	v19 =	vadd.f32 v20, v14  }
0xb9: {  	v16 =	vld [tilespmem:s20+$0x70];
	v20 =	vadd.f32 v17, v0;
	v8 =	vadd.f32 v22, v8  }
0xba: {  	v14 =	vld [tilespmem:s20+$0xE0];
	v9 =	vadd.f32 v23, v9;
	v10 =	vadd.f32 v24, v10  }
0xbb: {  	s19 =	simm.s32 $0x0;
	v17 =	vld [tilespmem:s20+$0xF0];
	s20 =	simm.s32 $0x300;
	v11 =	vadd.f32 v25, v4;
	v21 =	vadd.f32 v21, v2  }
.LBB2_6:
0xbc: {  	v0 =	vld [tilespmem:s20+$0x80];
	v2 =	vadd.f32 v12, v18;
	v4 =	vadd.f32 v15, v19  }
0xbd: {  	v6 =	vld [tilespmem:s20+$0x90];
	v5 =	vadd.f32 v5, v20;
	v7 =	vadd.f32 v7, v21  }
0xbe: {  	v18 =	vld [tilespmem:s20+$0xA0];
	v2 =	vadd.f32 v13, v2;
	v4 =	vadd.f32 v16, v4  }
0xbf: {  	v16 =	vld [tilespmem:s20+$0xB0];
	v19 =	vadd.f32 v1, v5;
	v20 =	vadd.f32 v3, v7  }
0xc0: {  	v1 =	vld [tilespmem:s20+$0xC0];
	v2 =	vadd.f32 v14, v2;
	v4 =	vadd.f32 v17, v4  }
0xc1: {  	v3 =	vld [tilespmem:s20+$0xD0]  }
0xc2: {  	v12 =	vld [tilespmem:s20+$0x0]  }
0xc3: {  	v13 =	vld [tilespmem:s20+$0x10]  }
0xc4: {  	v14 =	vld [tilespmem:s20+$0x20]  }
0xc5: {  	v15 =	vld [tilespmem:s20+$0x30]  }
0xc6: {  	v5 =	vld [tilespmem:s20+$0x40]  }
0xc7: {  	v7 =	vld [tilespmem:s20+$0x50]  }
0xc8: {  	v17 =	vld [tilespmem:s20+$0xFFFFFF80]  }
0xc9: {  	v21 =	vld [tilespmem:s20+$0xFFFFFF90]  }
0xca: {  	v22 =	vld [tilespmem:s20+$0xFFFFFF00]  }
0xcb: {  	v23 =	vld [tilespmem:s20+$0xFFFFFF10]  }
0xcc: {  	v24 =	vld [tilespmem:s20+$0xFFFFFF20]  }
0xcd: {  	v25 =	vld [tilespmem:s20+$0xFFFFFF30]  }
0xce: {  	v26 =	vld [tilespmem:s20+$0xFFFFFFA0]  }
0xcf: {  	v27 =	vld [tilespmem:s20+$0xFFFFFFB0]  }
0xd0: {  	v28 =	vld [tilespmem:s20+$0xFFFFFFC0]  }
0xd1: {  	v8 =	vadd.f32 v22, v8;
	v9 =	vadd.f32 v23, v9;
	v22 =	vld [tilespmem:s20+$0xFFFFFFD0]  }
0xd2: {  	v10 =	vadd.f32 v24, v10;
	v11 =	vadd.f32 v25, v11;
	v23 =	vld [tilespmem:s20+$0xFFFFFF40]  }
0xd3: {  	v8 =	vadd.f32 v17, v8;
	v9 =	vadd.f32 v21, v9;
	v24 =	vld [tilespmem:s20+$0xFFFFFF50]  }
0xd4: {  	v10 =	vadd.f32 v26, v10;
	v17 =	vld [tilespmem:s20+$0xFFFFFF60];
	v11 =	vadd.f32 v27, v11  }
0xd5: {  	s19 =	sadd.s32 $0x4, s19;
	v8 =	vadd.f32 v12, v8;
	v9 =	vadd.f32 v13, v9;
	v21 =	vld [tilespmem:s20+$0xFFFFFF70]  }
0xd6: {  	p0 =	slt.u32 s19, $0x17C;
	v10 =	vadd.f32 v14, v10;
	v12 =	vld [tilespmem:s20+$0xFFFFFFE0];
	v11 =	vadd.f32 v15, v11  }
.Ltmp2:
0xd7: {  	v8 =	vadd.f32 v0, v8;
	v9 =	vadd.f32 v6, v9;
	v15 =	vld [tilespmem:s20+$0xFFFFFFF0];
	(pc) =	sbr.rel @p0 .LBB2_6-.Ltmp2, $4  }
0xd8: {  	v10 =	vadd.f32 v18, v10;
	v13 =	vld [tilespmem:s20+$0x60];
	v11 =	vadd.f32 v16, v11  }
0xd9: {  	v0 =	vadd.f32 v23, v19;
	v6 =	vadd.f32 v24, v20;
	v16 =	vld [tilespmem:s20+$0x70]  }
0xda: {  	v18 =	vadd.f32 v17, v2;
	v19 =	vadd.f32 v21, v4;
	v14 =	vld [tilespmem:s20+$0xE0]  }
0xdb: {  	v20 =	vadd.f32 v28, v0;
	v21 =	vadd.f32 v22, v6;
	v17 =	vld [tilespmem:s20+$0xF0];
	s20 =	sadd.s32 $0x200, s20  }
0xdc: {  	[tilespmem:s2], [sflag:$0x1] =	stream.linear.gather [hbm4b:s7+s2], $0xC000, $0x38;
	[tilespmem:$0x18100] =	vst v63  }
0xdd: {  	_ =	swait.ge [sflag:s15], $0xC000  }
0xde: {  	[sflag:s15] =	ssyncset.done $0x0  }
0xdf: {  	s20 =	simm.s32 $0xC100;
	[sflag:s15] =	ssyncadd.s32 $0xFFFF4000  }
0xe0: {  	v22 =	vld [tilespmem:s20+$0x80]  }
0xe1: {  	v23 =	vld [tilespmem:s20+$0x90]  }
0xe2: {  	v24 =	vld [tilespmem:s20+$0xA0]  }
0xe3: {  	v25 =	vld [tilespmem:s20+$0xB0]  }
0xe4: {  	v0 =	vld [tilespmem:s20+$0xC0]  }
0xe5: {  	v2 =	vld [tilespmem:s20+$0xD0]  }
0xe6: {  	v26 =	vld [tilespmem:s20+$0x0]  }
0xe7: {  	v27 =	vld [tilespmem:s20+$0x10]  }
0xe8: {  	v28 =	vld [tilespmem:s20+$0x20]  }
0xe9: {  	v29 =	vld [tilespmem:s20+$0x30]  }
0xea: {  	v6 =	vld [tilespmem:s20+$0x40]  }
0xeb: {  	v4 =	vld [tilespmem:s20+$0x50]  }
0xec: {  	v30 =	vld [tilespmem:s20+$0xFFFFFF80]  }
0xed: {  	v31 =	vld [tilespmem:s20+$0xFFFFFF90]  }
0xee: {  	v12 =	vadd.f32 v12, v18;
	v32 =	vld [tilespmem:s20+$0xFFFFFF00]  }
0xef: {  	v33 =	vld [tilespmem:s20+$0xFFFFFF10]  }
0xf0: {  	v15 =	vadd.f32 v15, v19;
	v12 =	vadd.f32 v13, v12;
	v18 =	vld [tilespmem:s20+$0xFFFFFF20]  }
0xf1: {  	v5 =	vadd.f32 v5, v20;
	v7 =	vadd.f32 v7, v21;
	v19 =	vld [tilespmem:s20+$0xFFFFFF30]  }
0xf2: {  	v13 =	vadd.f32 v16, v15;
	v14 =	vadd.f32 v14, v12;
	v12 =	vld [tilespmem:s20+$0xFFFFFF50]  }
0xf3: {  	v16 =	vadd.f32 v1, v5;
	v15 =	vld [tilespmem:s20+$0xFFFFFFA0]  }
0xf4: {  	v62 =	vadd.f32 v3, v7;
	v1 =	vld [tilespmem:s20+$0xFFFFFFB0];
	v13 =	vadd.f32 v17, v13  }
0xf5: {  	v17 =	vld [tilespmem:s20+$0xFFFFFFC0];
	v3 =	vadd.f32 v32, v8;
	v5 =	vadd.f32 v33, v9  }
0xf6: {  	v7 =	vadd.f32 v18, v10;
	v8 =	vadd.f32 v19, v11;
	v11 =	vld [tilespmem:s20+$0xFFFFFF40]  }
0xf7: {  	v63 =	vld [tilespmem:s20+$0xFFFFFFD0];
	v20 =	vadd.f32 v12, v62;
	v3 =	vadd.f32 v30, v3  }
0xf8: {  	v18 =	vld [tilespmem:s20+$0xFFFFFF60];
	v5 =	vadd.f32 v31, v5;
	v7 =	vadd.f32 v15, v7  }
0xf9: {  	v19 =	vld [tilespmem:s20+$0xFFFFFF70];
	v1 =	vadd.f32 v1, v8;
	v3 =	vadd.f32 v26, v3  }
0xfa: {  	v10 =	vld [tilespmem:s20+$0xFFFFFFF0];
	v5 =	vadd.f32 v27, v5;
	v15 =	vadd.f32 v28, v7  }
0xfb: {  	v8 =	vld [tilespmem:s20+$0xFFFFFFE0];
	v1 =	vadd.f32 v29, v1;
	v16 =	vadd.f32 v11, v16  }
0xfc: {  	v9 =	vld [tilespmem:s20+$0x60];
	v7 =	vadd.f32 v22, v3;
	v5 =	vadd.f32 v23, v5  }
0xfd: {  	v12 =	vld [tilespmem:s20+$0x70];
	v3 =	vadd.f32 v24, v15;
	v1 =	vadd.f32 v25, v1  }
0xfe: {  	v11 =	vld [tilespmem:s20+$0xE0];
	v15 =	vadd.f32 v18, v14;
	v14 =	vadd.f32 v19, v13  }
0xff: {  	s19 =	simm.s32 $0x0;
	v13 =	vld [tilespmem:s20+$0xF0];
	s20 =	simm.s32 $0xC300;
	v17 =	vadd.f32 v17, v16;
	v16 =	vadd.f32 v63, v20  }
.LBB2_8:
0x100: {  	v18 =	vld [tilespmem:s20+$0x80];
	v8 =	vadd.f32 v8, v15;
	v10 =	vadd.f32 v10, v14  }
0x101: {  	v14 =	vld [tilespmem:s20+$0x90];
	v6 =	vadd.f32 v6, v17;
	v4 =	vadd.f32 v4, v16  }
0x102: {  	v15 =	vld [tilespmem:s20+$0xA0];
	v8 =	vadd.f32 v9, v8;
	v9 =	vadd.f32 v12, v10  }
0x103: {  	v12 =	vld [tilespmem:s20+$0xB0];
	v16 =	vadd.f32 v0, v6;
	v17 =	vadd.f32 v2, v4  }
0x104: {  	v0 =	vld [tilespmem:s20+$0xC0];
	v11 =	vadd.f32 v11, v8;
	v13 =	vadd.f32 v13, v9  }
0x105: {  	v2 =	vld [tilespmem:s20+$0xD0]  }
0x106: {  	v8 =	vld [tilespmem:s20+$0x0]  }
0x107: {  	v9 =	vld [tilespmem:s20+$0x10]  }
0x108: {  	v10 =	vld [tilespmem:s20+$0x20]  }
0x109: {  	v19 =	vld [tilespmem:s20+$0x30]  }
0x10a: {  	v6 =	vld [tilespmem:s20+$0x40]  }
0x10b: {  	v4 =	vld [tilespmem:s20+$0x50]  }
0x10c: {  	v20 =	vld [tilespmem:s20+$0xFFFFFF80]  }
0x10d: {  	v21 =	vld [tilespmem:s20+$0xFFFFFF90]  }
0x10e: {  	v22 =	vld [tilespmem:s20+$0xFFFFFF00]  }
0x10f: {  	v23 =	vld [tilespmem:s20+$0xFFFFFF10]  }
0x110: {  	v24 =	vld [tilespmem:s20+$0xFFFFFF20]  }
0x111: {  	v25 =	vld [tilespmem:s20+$0xFFFFFF30]  }
0x112: {  	v26 =	vld [tilespmem:s20+$0xFFFFFFA0]  }
0x113: {  	v27 =	vld [tilespmem:s20+$0xFFFFFFB0]  }
0x114: {  	v28 =	vld [tilespmem:s20+$0xFFFFFFC0]  }
0x115: {  	v7 =	vadd.f32 v22, v7;
	v5 =	vadd.f32 v23, v5;
	v22 =	vld [tilespmem:s20+$0xFFFFFFD0]  }
0x116: {  	v3 =	vadd.f32 v24, v3;
	v1 =	vadd.f32 v25, v1;
	v23 =	vld [tilespmem:s20+$0xFFFFFF40]  }
0x117: {  	v7 =	vadd.f32 v20, v7;
	v5 =	vadd.f32 v21, v5;
	v24 =	vld [tilespmem:s20+$0xFFFFFF50]  }
0x118: {  	v3 =	vadd.f32 v26, v3;
	v20 =	vld [tilespmem:s20+$0xFFFFFF60];
	v1 =	vadd.f32 v27, v1  }
0x119: {  	s19 =	sadd.s32 $0x4, s19;
	v7 =	vadd.f32 v8, v7;
	v5 =	vadd.f32 v9, v5;
	v21 =	vld [tilespmem:s20+$0xFFFFFF70]  }
0x11a: {  	p0 =	slt.u32 s19, $0x17C;
	v3 =	vadd.f32 v10, v3;
	v8 =	vld [tilespmem:s20+$0xFFFFFFE0];
	v1 =	vadd.f32 v19, v1  }
.Ltmp3:
0x11b: {  	v7 =	vadd.f32 v18, v7;
	v5 =	vadd.f32 v14, v5;
	v10 =	vld [tilespmem:s20+$0xFFFFFFF0];
	(pc) =	sbr.rel @p0 .LBB2_8-.Ltmp3, $4  }
0x11c: {  	v3 =	vadd.f32 v15, v3;
	v9 =	vld [tilespmem:s20+$0x60];
	v1 =	vadd.f32 v12, v1  }
0x11d: {  	v16 =	vadd.f32 v23, v16;
	v18 =	vadd.f32 v24, v17;
	v12 =	vld [tilespmem:s20+$0x70]  }
0x11e: {  	v15 =	vadd.f32 v20, v11;
	v14 =	vadd.f32 v21, v13;
	v11 =	vld [tilespmem:s20+$0xE0]  }
0x11f: {  	v17 =	vadd.f32 v28, v16;
	v16 =	vadd.f32 v22, v18;
	v13 =	vld [tilespmem:s20+$0xF0];
	s20 =	sadd.s32 $0x200, s20  }
0x120: {  	_ = 	snop  }
0x121: {  	v8 =	vadd.f32 v8, v15;
	[tilespmem:$0x18000] =	vst v7;
	v6 =	vadd.f32 v6, v17  }
0x122: {  	v7 =	vadd.f32 v10, v14;
	[tilespmem:$0x18010] =	vst v5;
	v4 =	vadd.f32 v4, v16  }
0x123: {  	[tilespmem:$0x18020] =	vst v3;
	v5 =	vadd.f32 v9, v8;
	v0 =	vadd.f32 v0, v6  }
0x124: {  	[tilespmem:$0x18030] =	vst v1;
	v3 =	vadd.f32 v12, v7;
	v2 =	vadd.f32 v2, v4  }
0x125: {  	v1 =	vadd.f32 v11, v5;
	[tilespmem:$0x18040] =	vst v0  }
0x126: {  	v0 =	vadd.f32 v13, v3;
	[tilespmem:$0x18050] =	vst v2  }
0x127: {  	[tilespmem:$0x18060] =	vst v1  }
0x128: {  	[tilespmem:$0x18070] =	vst v0  }
0x129: {  	[tilespmem:s13], [sflag:$0x2] =	stream.linear.gather [hbm4b:s8+s2], $0xC000, $0x38;
	[tilespmem:$0x18100] =	vst v63  }
0x12a: {  	_ =	swait.ge [sflag:s14], $0xC000  }
0x12b: {  	[sflag:s14] =	ssyncset.done $0x0  }
0x12c: {  	s20 =	simm.s32 $0x100;
	[sflag:s14] =	ssyncadd.s32 $0xFFFF4000  }
0x12d: {  	v0 =	vld [tilespmem:s20+$0x80]  }
0x12e: {  	v2 =	vld [tilespmem:s20+$0x90]  }
0x12f: {  	v4 =	vld [tilespmem:s20+$0xA0]  }
0x130: {  	v5 =	vld [tilespmem:s20+$0xB0]  }
0x131: {  	v1 =	vld [tilespmem:s20+$0xC0]  }
0x132: {  	v3 =	vld [tilespmem:s20+$0xD0]  }
0x133: {  	v8 =	vld [tilespmem:s20+$0x0]  }
0x134: {  	v9 =	vld [tilespmem:s20+$0x10]  }
0x135: {  	v10 =	vld [tilespmem:s20+$0x20]  }
0x136: {  	v11 =	vld [tilespmem:s20+$0x30]  }
0x137: {  	v6 =	vld [tilespmem:s20+$0x40]  }
0x138: {  	v7 =	vld [tilespmem:s20+$0x50]  }
0x139: {  	v12 =	vld [tilespmem:s20+$0xFFFFFF80]  }
0x13a: {  	v13 =	vld [tilespmem:s20+$0xFFFFFF90]  }
0x13b: {  	v14 =	vld [tilespmem:s20+$0xFFFFFF00]  }
0x13c: {  	v15 =	vld [tilespmem:s20+$0xFFFFFF10]  }
0x13d: {  	v16 =	vld [tilespmem:s20+$0xFFFFFF20]  }
0x13e: {  	v17 =	vld [tilespmem:s20+$0xFFFFFF30]  }
0x13f: {  	v18 =	vld [tilespmem:s20+$0xFFFFFFA0]  }
0x140: {  	v19 =	vld [tilespmem:s20+$0xFFFFFFB0]  }
0x141: {  	v20 =	vimm.f32 $0.0e+00;
	v21 =	vld [tilespmem:s20+$0xFFFFFFC0]  }
0x142: {  	v22 =	vld [tilespmem:s20+$0xFFFFFFD0];
	v14 =	vadd.f32 v14, v20;
	v15 =	vadd.f32 v15, v20  }
0x143: {  	v23 =	vld [tilespmem:s20+$0xFFFFFF40];
	v16 =	vadd.f32 v16, v20;
	v17 =	vadd.f32 v17, v20  }
0x144: {  	v24 =	vld [tilespmem:s20+$0xFFFFFF50];
	v12 =	vadd.f32 v12, v14;
	v13 =	vadd.f32 v13, v15  }
0x145: {  	v14 =	vld [tilespmem:s20+$0xFFFFFF60];
	v15 =	vadd.f32 v18, v16;
	v16 =	vadd.f32 v19, v17  }
0x146: {  	v17 =	vld [tilespmem:s20+$0xFFFFFF70];
	v8 =	vadd.f32 v8, v12;
	v9 =	vadd.f32 v9, v13  }
0x147: {  	v12 =	vld [tilespmem:s20+$0xFFFFFFE0];
	v10 =	vadd.f32 v10, v15;
	v11 =	vadd.f32 v11, v16  }
0x148: {  	v15 =	vld [tilespmem:s20+$0xFFFFFFF0];
	v8 =	vadd.f32 v0, v8;
	v9 =	vadd.f32 v2, v9  }
0x149: {  	v13 =	vld [tilespmem:s20+$0x60];
	v10 =	vadd.f32 v4, v10;
	v11 =	vadd.f32 v5, v11  }
0x14a: {  	v16 =	vld [tilespmem:s20+$0x70];
	v0 =	vadd.f32 v23, v20;
	v2 =	vadd.f32 v24, v20  }
0x14b: {  	v18 =	vadd.f32 v14, v20;
	v19 =	vadd.f32 v17, v20;
	v14 =	vld [tilespmem:s20+$0xE0]  }
0x14c: {  	s19 =	simm.s32 $0x0;
	v17 =	vld [tilespmem:s20+$0xF0];
	s20 =	simm.s32 $0x300;
	v20 =	vadd.f32 v21, v0;
	v21 =	vadd.f32 v22, v2  }
.LBB2_10:
0x14d: {  	v0 =	vld [tilespmem:s20+$0x80];
	v2 =	vadd.f32 v12, v18;
	v4 =	vadd.f32 v15, v19  }
0x14e: {  	v5 =	vld [tilespmem:s20+$0x90];
	v6 =	vadd.f32 v6, v20;
	v7 =	vadd.f32 v7, v21  }
0x14f: {  	v18 =	vld [tilespmem:s20+$0xA0];
	v2 =	vadd.f32 v13, v2;
	v4 =	vadd.f32 v16, v4  }
0x150: {  	v16 =	vld [tilespmem:s20+$0xB0];
	v19 =	vadd.f32 v1, v6;
	v20 =	vadd.f32 v3, v7  }
0x151: {  	v1 =	vld [tilespmem:s20+$0xC0];
	v2 =	vadd.f32 v14, v2;
	v4 =	vadd.f32 v17, v4  }
0x152: {  	v3 =	vld [tilespmem:s20+$0xD0]  }
0x153: {  	v12 =	vld [tilespmem:s20+$0x0]  }
0x154: {  	v13 =	vld [tilespmem:s20+$0x10]  }
0x155: {  	v14 =	vld [tilespmem:s20+$0x20]  }
0x156: {  	v15 =	vld [tilespmem:s20+$0x30]  }
0x157: {  	v6 =	vld [tilespmem:s20+$0x40]  }
0x158: {  	v7 =	vld [tilespmem:s20+$0x50]  }
0x159: {  	v17 =	vld [tilespmem:s20+$0xFFFFFF80]  }
0x15a: {  	v21 =	vld [tilespmem:s20+$0xFFFFFF90]  }
0x15b: {  	v22 =	vld [tilespmem:s20+$0xFFFFFF00]  }
0x15c: {  	v23 =	vld [tilespmem:s20+$0xFFFFFF10]  }
0x15d: {  	v24 =	vld [tilespmem:s20+$0xFFFFFF20]  }
0x15e: {  	v25 =	vld [tilespmem:s20+$0xFFFFFF30]  }
0x15f: {  	v26 =	vld [tilespmem:s20+$0xFFFFFFA0]  }
0x160: {  	v27 =	vld [tilespmem:s20+$0xFFFFFFB0]  }
0x161: {  	v28 =	vld [tilespmem:s20+$0xFFFFFFC0]  }
0x162: {  	v8 =	vadd.f32 v22, v8;
	v9 =	vadd.f32 v23, v9;
	v22 =	vld [tilespmem:s20+$0xFFFFFFD0]  }
0x163: {  	v10 =	vadd.f32 v24, v10;
	v11 =	vadd.f32 v25, v11;
	v23 =	vld [tilespmem:s20+$0xFFFFFF40]  }
0x164: {  	v8 =	vadd.f32 v17, v8;
	v9 =	vadd.f32 v21, v9;
	v24 =	vld [tilespmem:s20+$0xFFFFFF50]  }
0x165: {  	v10 =	vadd.f32 v26, v10;
	v17 =	vld [tilespmem:s20+$0xFFFFFF60];
	v11 =	vadd.f32 v27, v11  }
0x166: {  	s19 =	sadd.s32 $0x4, s19;
	v8 =	vadd.f32 v12, v8;
	v9 =	vadd.f32 v13, v9;
	v21 =	vld [tilespmem:s20+$0xFFFFFF70]  }
0x167: {  	p0 =	slt.u32 s19, $0x17C;
	v10 =	vadd.f32 v14, v10;
	v12 =	vld [tilespmem:s20+$0xFFFFFFE0];
	v11 =	vadd.f32 v15, v11  }
.Ltmp4:
0x168: {  	v8 =	vadd.f32 v0, v8;
	v9 =	vadd.f32 v5, v9;
	v15 =	vld [tilespmem:s20+$0xFFFFFFF0];
	(pc) =	sbr.rel @p0 .LBB2_10-.Ltmp4, $4  }
0x169: {  	v10 =	vadd.f32 v18, v10;
	v13 =	vld [tilespmem:s20+$0x60];
	v11 =	vadd.f32 v16, v11  }
0x16a: {  	v0 =	vadd.f32 v23, v19;
	v5 =	vadd.f32 v24, v20;
	v16 =	vld [tilespmem:s20+$0x70]  }
0x16b: {  	v18 =	vadd.f32 v17, v2;
	v19 =	vadd.f32 v21, v4;
	v14 =	vld [tilespmem:s20+$0xE0]  }
0x16c: {  	v20 =	vadd.f32 v28, v0;
	v21 =	vadd.f32 v22, v5;
	v17 =	vld [tilespmem:s20+$0xF0];
	s20 =	sadd.s32 $0x200, s20  }
0x16d: {  	[tilespmem:s2], [sflag:$0x1] =	stream.linear.gather [hbm4b:s9+s2], $0xC000, $0x38;
	[tilespmem:$0x18100] =	vst v63  }
0x16e: {  	_ =	swait.ge [sflag:s15], $0xC000  }
0x16f: {  	[sflag:s15] =	ssyncset.done $0x0  }
0x170: {  	s20 =	simm.s32 $0xC100;
	[sflag:s15] =	ssyncadd.s32 $0xFFFF4000  }
0x171: {  	v22 =	vld [tilespmem:s20+$0x80]  }
0x172: {  	v23 =	vld [tilespmem:s20+$0x90]  }
0x173: {  	v24 =	vld [tilespmem:s20+$0xA0]  }
0x174: {  	v25 =	vld [tilespmem:s20+$0xB0]  }
0x175: {  	v0 =	vld [tilespmem:s20+$0xC0]  }
0x176: {  	v2 =	vld [tilespmem:s20+$0xD0]  }
0x177: {  	v26 =	vld [tilespmem:s20+$0x0]  }
0x178: {  	v27 =	vld [tilespmem:s20+$0x10]  }
0x179: {  	v28 =	vld [tilespmem:s20+$0x20]  }
0x17a: {  	v29 =	vld [tilespmem:s20+$0x30]  }
0x17b: {  	v4 =	vld [tilespmem:s20+$0x40]  }
0x17c: {  	v5 =	vld [tilespmem:s20+$0x50]  }
0x17d: {  	v30 =	vld [tilespmem:s20+$0xFFFFFF80]  }
0x17e: {  	v31 =	vld [tilespmem:s20+$0xFFFFFF90]  }
0x17f: {  	v32 =	vld [tilespmem:s20+$0xFFFFFF00]  }
0x180: {  	v33 =	vld [tilespmem:s20+$0xFFFFFF10]  }
0x181: {  	v12 =	vadd.f32 v12, v18;
	v15 =	vadd.f32 v15, v19;
	v18 =	vld [tilespmem:s20+$0xFFFFFF20]  }
0x182: {  	v6 =	vadd.f32 v6, v20;
	v7 =	vadd.f32 v7, v21;
	v19 =	vld [tilespmem:s20+$0xFFFFFF30]  }
0x183: {  	v12 =	vadd.f32 v13, v12;
	v13 =	vadd.f32 v16, v15;
	v16 =	vld [tilespmem:s20+$0xFFFFFF40]  }
0x184: {  	v1 =	vadd.f32 v1, v6;
	v3 =	vadd.f32 v3, v7;
	v15 =	vld [tilespmem:s20+$0xFFFFFFA0]  }
0x185: {  	v6 =	vld [tilespmem:s20+$0xFFFFFFB0];
	v7 =	vadd.f32 v14, v12;
	v14 =	vadd.f32 v17, v13  }
0x186: {  	v20 =	vld [tilespmem:s20+$0xFFFFFF70];
	v8 =	vadd.f32 v32, v8;
	v9 =	vadd.f32 v33, v9  }
0x187: {  	v10 =	vadd.f32 v18, v10;
	v11 =	vadd.f32 v19, v11;
	v18 =	vld [tilespmem:s20+$0xFFFFFF50]  }
0x188: {  	v19 =	vld [tilespmem:s20+$0xFFFFFF60];
	v1 =	vadd.f32 v16, v1;
	v8 =	vadd.f32 v30, v8  }
0x189: {  	v17 =	vld [tilespmem:s20+$0xFFFFFFC0];
	v9 =	vadd.f32 v31, v9;
	v10 =	vadd.f32 v15, v10  }
0x18a: {  	v21 =	vld [tilespmem:s20+$0xFFFFFFD0];
	v6 =	vadd.f32 v6, v11;
	v8 =	vadd.f32 v26, v8  }
0x18b: {  	v12 =	vld [tilespmem:s20+$0xFFFFFFE0];
	v9 =	vadd.f32 v27, v9;
	v10 =	vadd.f32 v28, v10  }
0x18c: {  	v15 =	vld [tilespmem:s20+$0xFFFFFFF0];
	v6 =	vadd.f32 v29, v6;
	v3 =	vadd.f32 v18, v3  }
0x18d: {  	v13 =	vld [tilespmem:s20+$0x60];
	v18 =	vadd.f32 v19, v7;
	v19 =	vadd.f32 v20, v14  }
0x18e: {  	v16 =	vld [tilespmem:s20+$0x70];
	v20 =	vadd.f32 v17, v1;
	v8 =	vadd.f32 v22, v8  }
0x18f: {  	v14 =	vld [tilespmem:s20+$0xE0];
	v9 =	vadd.f32 v23, v9;
	v10 =	vadd.f32 v24, v10  }
0x190: {  	s19 =	simm.s32 $0x0;
	v17 =	vld [tilespmem:s20+$0xF0];
	s20 =	simm.s32 $0xC300;
	v11 =	vadd.f32 v25, v6;
	v21 =	vadd.f32 v21, v3  }
.LBB2_12:
0x191: {  	v1 =	vld [tilespmem:s20+$0x80];
	v3 =	vadd.f32 v12, v18;
	v6 =	vadd.f32 v15, v19  }
0x192: {  	v7 =	vld [tilespmem:s20+$0x90];
	v4 =	vadd.f32 v4, v20;
	v5 =	vadd.f32 v5, v21  }
0x193: {  	v18 =	vld [tilespmem:s20+$0xA0];
	v3 =	vadd.f32 v13, v3;
	v6 =	vadd.f32 v16, v6  }
0x194: {  	v16 =	vld [tilespmem:s20+$0xB0];
	v19 =	vadd.f32 v0, v4;
	v20 =	vadd.f32 v2, v5  }
0x195: {  	v0 =	vld [tilespmem:s20+$0xC0];
	v3 =	vadd.f32 v14, v3;
	v6 =	vadd.f32 v17, v6  }
0x196: {  	v2 =	vld [tilespmem:s20+$0xD0]  }
0x197: {  	v12 =	vld [tilespmem:s20+$0x0]  }
0x198: {  	v13 =	vld [tilespmem:s20+$0x10]  }
0x199: {  	v14 =	vld [tilespmem:s20+$0x20]  }
0x19a: {  	v15 =	vld [tilespmem:s20+$0x30]  }
0x19b: {  	v4 =	vld [tilespmem:s20+$0x40]  }
0x19c: {  	v5 =	vld [tilespmem:s20+$0x50]  }
0x19d: {  	v17 =	vld [tilespmem:s20+$0xFFFFFF80]  }
0x19e: {  	v21 =	vld [tilespmem:s20+$0xFFFFFF90]  }
0x19f: {  	v22 =	vld [tilespmem:s20+$0xFFFFFF00]  }
0x1a0: {  	v23 =	vld [tilespmem:s20+$0xFFFFFF10]  }
0x1a1: {  	v24 =	vld [tilespmem:s20+$0xFFFFFF20]  }
0x1a2: {  	v25 =	vld [tilespmem:s20+$0xFFFFFF30]  }
0x1a3: {  	v26 =	vld [tilespmem:s20+$0xFFFFFFA0]  }
0x1a4: {  	v27 =	vld [tilespmem:s20+$0xFFFFFFB0]  }
0x1a5: {  	v28 =	vld [tilespmem:s20+$0xFFFFFFC0]  }
0x1a6: {  	v8 =	vadd.f32 v22, v8;
	v9 =	vadd.f32 v23, v9;
	v22 =	vld [tilespmem:s20+$0xFFFFFFD0]  }
0x1a7: {  	v10 =	vadd.f32 v24, v10;
	v11 =	vadd.f32 v25, v11;
	v23 =	vld [tilespmem:s20+$0xFFFFFF40]  }
0x1a8: {  	v8 =	vadd.f32 v17, v8;
	v9 =	vadd.f32 v21, v9;
	v24 =	vld [tilespmem:s20+$0xFFFFFF50]  }
0x1a9: {  	v10 =	vadd.f32 v26, v10;
	v17 =	vld [tilespmem:s20+$0xFFFFFF60];
	v11 =	vadd.f32 v27, v11  }
0x1aa: {  	s19 =	sadd.s32 $0x4, s19;
	v8 =	vadd.f32 v12, v8;
	v9 =	vadd.f32 v13, v9;
	v21 =	vld [tilespmem:s20+$0xFFFFFF70]  }
0x1ab: {  	p0 =	slt.u32 s19, $0x17C;
	v10 =	vadd.f32 v14, v10;
	v12 =	vld [tilespmem:s20+$0xFFFFFFE0];
	v11 =	vadd.f32 v15, v11  }
.Ltmp5:
0x1ac: {  	v8 =	vadd.f32 v1, v8;
	v9 =	vadd.f32 v7, v9;
	v15 =	vld [tilespmem:s20+$0xFFFFFFF0];
	(pc) =	sbr.rel @p0 .LBB2_12-.Ltmp5, $4  }
0x1ad: {  	v10 =	vadd.f32 v18, v10;
	v13 =	vld [tilespmem:s20+$0x60];
	v11 =	vadd.f32 v16, v11  }
0x1ae: {  	v1 =	vadd.f32 v23, v19;
	v7 =	vadd.f32 v24, v20;
	v16 =	vld [tilespmem:s20+$0x70]  }
0x1af: {  	v18 =	vadd.f32 v17, v3;
	v19 =	vadd.f32 v21, v6;
	v14 =	vld [tilespmem:s20+$0xE0]  }
0x1b0: {  	v20 =	vadd.f32 v28, v1;
	v21 =	vadd.f32 v22, v7;
	v17 =	vld [tilespmem:s20+$0xF0];
	s20 =	sadd.s32 $0x200, s20  }
0x1b1: {  	[tilespmem:s13], [sflag:$0x2] =	stream.linear.gather [hbm4b:s10+s2], $0xC000, $0x38;
	[tilespmem:$0x18100] =	vst v63  }
0x1b2: {  	_ =	swait.ge [sflag:s14], $0xC000  }
0x1b3: {  	[sflag:s14] =	ssyncset.done $0x0  }
0x1b4: {  	s20 =	simm.s32 $0x100;
	[sflag:s14] =	ssyncadd.s32 $0xFFFF4000  }
0x1b5: {  	v22 =	vld [tilespmem:s20+$0x80]  }
0x1b6: {  	v23 =	vld [tilespmem:s20+$0x90]  }
0x1b7: {  	v24 =	vld [tilespmem:s20+$0xA0]  }
0x1b8: {  	v25 =	vld [tilespmem:s20+$0xB0]  }
0x1b9: {  	v1 =	vld [tilespmem:s20+$0xC0]  }
0x1ba: {  	v3 =	vld [tilespmem:s20+$0xD0]  }
0x1bb: {  	v26 =	vld [tilespmem:s20+$0x0]  }
0x1bc: {  	v27 =	vld [tilespmem:s20+$0x10]  }
0x1bd: {  	v28 =	vld [tilespmem:s20+$0x20]  }
0x1be: {  	v29 =	vld [tilespmem:s20+$0x30]  }
0x1bf: {  	v6 =	vld [tilespmem:s20+$0x40]  }
0x1c0: {  	v7 =	vld [tilespmem:s20+$0x50]  }
0x1c1: {  	v30 =	vld [tilespmem:s20+$0xFFFFFF80]  }
0x1c2: {  	v31 =	vld [tilespmem:s20+$0xFFFFFF90]  }
0x1c3: {  	v32 =	vld [tilespmem:s20+$0xFFFFFF00]  }
0x1c4: {  	v33 =	vld [tilespmem:s20+$0xFFFFFF10]  }
0x1c5: {  	v12 =	vadd.f32 v12, v18;
	v15 =	vadd.f32 v15, v19;
	v18 =	vld [tilespmem:s20+$0xFFFFFF20]  }
0x1c6: {  	v4 =	vadd.f32 v4, v20;
	v5 =	vadd.f32 v5, v21;
	v19 =	vld [tilespmem:s20+$0xFFFFFF30]  }
0x1c7: {  	v12 =	vadd.f32 v13, v12;
	v13 =	vadd.f32 v16, v15;
	v16 =	vld [tilespmem:s20+$0xFFFFFF40]  }
0x1c8: {  	v0 =	vadd.f32 v0, v4;
	v2 =	vadd.f32 v2, v5;
	v15 =	vld [tilespmem:s20+$0xFFFFFFA0]  }
0x1c9: {  	v4 =	vld [tilespmem:s20+$0xFFFFFFB0];
	v5 =	vadd.f32 v14, v12;
	v14 =	vadd.f32 v17, v13  }
0x1ca: {  	v20 =	vld [tilespmem:s20+$0xFFFFFF70];
	v8 =	vadd.f32 v32, v8;
	v9 =	vadd.f32 v33, v9  }
0x1cb: {  	v10 =	vadd.f32 v18, v10;
	v11 =	vadd.f32 v19, v11;
	v18 =	vld [tilespmem:s20+$0xFFFFFF50]  }
0x1cc: {  	v19 =	vld [tilespmem:s20+$0xFFFFFF60];
	v0 =	vadd.f32 v16, v0;
	v8 =	vadd.f32 v30, v8  }
0x1cd: {  	v17 =	vld [tilespmem:s20+$0xFFFFFFC0];
	v9 =	vadd.f32 v31, v9;
	v10 =	vadd.f32 v15, v10  }
0x1ce: {  	v21 =	vld [tilespmem:s20+$0xFFFFFFD0];
	v4 =	vadd.f32 v4, v11;
	v8 =	vadd.f32 v26, v8  }
0x1cf: {  	v12 =	vld [tilespmem:s20+$0xFFFFFFE0];
	v9 =	vadd.f32 v27, v9;
	v10 =	vadd.f32 v28, v10  }
0x1d0: {  	v15 =	vld [tilespmem:s20+$0xFFFFFFF0];
	v4 =	vadd.f32 v29, v4;
	v2 =	vadd.f32 v18, v2  }
0x1d1: {  	v13 =	vld [tilespmem:s20+$0x60];
	v18 =	vadd.f32 v19, v5;
	v19 =	vadd.f32 v20, v14  }
0x1d2: {  	v16 =	vld [tilespmem:s20+$0x70];
	v20 =	vadd.f32 v17, v0;
	v8 =	vadd.f32 v22, v8  }
0x1d3: {  	v14 =	vld [tilespmem:s20+$0xE0];
	v9 =	vadd.f32 v23, v9;
	v10 =	vadd.f32 v24, v10  }
0x1d4: {  	s19 =	simm.s32 $0x0;
	v17 =	vld [tilespmem:s20+$0xF0];
	s20 =	simm.s32 $0x300;
	v11 =	vadd.f32 v25, v4;
	v21 =	vadd.f32 v21, v2  }
.LBB2_14:
0x1d5: {  	v0 =	vld [tilespmem:s20+$0x80];
	v2 =	vadd.f32 v12, v18;
	v4 =	vadd.f32 v15, v19  }
0x1d6: {  	v5 =	vld [tilespmem:s20+$0x90];
	v6 =	vadd.f32 v6, v20;
	v7 =	vadd.f32 v7, v21  }
0x1d7: {  	v18 =	vld [tilespmem:s20+$0xA0];
	v2 =	vadd.f32 v13, v2;
	v4 =	vadd.f32 v16, v4  }
0x1d8: {  	v16 =	vld [tilespmem:s20+$0xB0];
	v19 =	vadd.f32 v1, v6;
	v20 =	vadd.f32 v3, v7  }
0x1d9: {  	v1 =	vld [tilespmem:s20+$0xC0];
	v2 =	vadd.f32 v14, v2;
	v4 =	vadd.f32 v17, v4  }
0x1da: {  	v3 =	vld [tilespmem:s20+$0xD0]  }
0x1db: {  	v12 =	vld [tilespmem:s20+$0x0]  }
0x1dc: {  	v13 =	vld [tilespmem:s20+$0x10]  }
0x1dd: {  	v14 =	vld [tilespmem:s20+$0x20]  }
0x1de: {  	v15 =	vld [tilespmem:s20+$0x30]  }
0x1df: {  	v6 =	vld [tilespmem:s20+$0x40]  }
0x1e0: {  	v7 =	vld [tilespmem:s20+$0x50]  }
0x1e1: {  	v17 =	vld [tilespmem:s20+$0xFFFFFF80]  }
0x1e2: {  	v21 =	vld [tilespmem:s20+$0xFFFFFF90]  }
0x1e3: {  	v22 =	vld [tilespmem:s20+$0xFFFFFF00]  }
0x1e4: {  	v23 =	vld [tilespmem:s20+$0xFFFFFF10]  }
0x1e5: {  	v24 =	vld [tilespmem:s20+$0xFFFFFF20]  }
0x1e6: {  	v25 =	vld [tilespmem:s20+$0xFFFFFF30]  }
0x1e7: {  	v26 =	vld [tilespmem:s20+$0xFFFFFFA0]  }
0x1e8: {  	v27 =	vld [tilespmem:s20+$0xFFFFFFB0]  }
0x1e9: {  	v28 =	vld [tilespmem:s20+$0xFFFFFFC0]  }
0x1ea: {  	v8 =	vadd.f32 v22, v8;
	v9 =	vadd.f32 v23, v9;
	v22 =	vld [tilespmem:s20+$0xFFFFFFD0]  }
0x1eb: {  	v10 =	vadd.f32 v24, v10;
	v11 =	vadd.f32 v25, v11;
	v23 =	vld [tilespmem:s20+$0xFFFFFF40]  }
0x1ec: {  	v8 =	vadd.f32 v17, v8;
	v9 =	vadd.f32 v21, v9;
	v24 =	vld [tilespmem:s20+$0xFFFFFF50]  }
0x1ed: {  	v10 =	vadd.f32 v26, v10;
	v17 =	vld [tilespmem:s20+$0xFFFFFF60];
	v11 =	vadd.f32 v27, v11  }
0x1ee: {  	s19 =	sadd.s32 $0x4, s19;
	v8 =	vadd.f32 v12, v8;
	v9 =	vadd.f32 v13, v9;
	v21 =	vld [tilespmem:s20+$0xFFFFFF70]  }
0x1ef: {  	p0 =	slt.u32 s19, $0x17C;
	v10 =	vadd.f32 v14, v10;
	v12 =	vld [tilespmem:s20+$0xFFFFFFE0];
	v11 =	vadd.f32 v15, v11  }
.Ltmp6:
0x1f0: {  	v8 =	vadd.f32 v0, v8;
	v9 =	vadd.f32 v5, v9;
	v15 =	vld [tilespmem:s20+$0xFFFFFFF0];
	(pc) =	sbr.rel @p0 .LBB2_14-.Ltmp6, $4  }
0x1f1: {  	v10 =	vadd.f32 v18, v10;
	v13 =	vld [tilespmem:s20+$0x60];
	v11 =	vadd.f32 v16, v11  }
0x1f2: {  	v0 =	vadd.f32 v23, v19;
	v5 =	vadd.f32 v24, v20;
	v16 =	vld [tilespmem:s20+$0x70]  }
0x1f3: {  	v18 =	vadd.f32 v17, v2;
	v19 =	vadd.f32 v21, v4;
	v14 =	vld [tilespmem:s20+$0xE0]  }
0x1f4: {  	v20 =	vadd.f32 v28, v0;
	v21 =	vadd.f32 v22, v5;
	v17 =	vld [tilespmem:s20+$0xF0];
	s20 =	sadd.s32 $0x200, s20  }
0x1f5: {  	_ =	swait.ge [sflag:s15], $0xC000  }
0x1f6: {  	[sflag:s15] =	ssyncset.done $0x0  }
0x1f7: {  	s20 =	simm.s32 $0xC100;
	[sflag:s15] =	ssyncadd.s32 $0xFFFF4000  }
0x1f8: {  	v22 =	vld [tilespmem:s20+$0x80]  }
0x1f9: {  	v23 =	vld [tilespmem:s20+$0x90]  }
0x1fa: {  	v24 =	vld [tilespmem:s20+$0xA0]  }
0x1fb: {  	v25 =	vld [tilespmem:s20+$0xB0]  }
0x1fc: {  	v0 =	vld [tilespmem:s20+$0xC0]  }
0x1fd: {  	v2 =	vld [tilespmem:s20+$0xD0]  }
0x1fe: {  	v26 =	vld [tilespmem:s20+$0x0]  }
0x1ff: {  	v27 =	vld [tilespmem:s20+$0x10]  }
0x200: {  	v28 =	vld [tilespmem:s20+$0x20]  }
0x201: {  	v29 =	vld [tilespmem:s20+$0x30]  }
0x202: {  	v5 =	vld [tilespmem:s20+$0x40]  }
0x203: {  	v4 =	vld [tilespmem:s20+$0x50]  }
0x204: {  	v30 =	vld [tilespmem:s20+$0xFFFFFF80]  }
0x205: {  	v31 =	vld [tilespmem:s20+$0xFFFFFF90]  }
0x206: {  	v12 =	vadd.f32 v12, v18;
	v32 =	vld [tilespmem:s20+$0xFFFFFF00]  }
0x207: {  	v33 =	vld [tilespmem:s20+$0xFFFFFF10]  }
0x208: {  	v15 =	vadd.f32 v15, v19;
	v12 =	vadd.f32 v13, v12;
	v18 =	vld [tilespmem:s20+$0xFFFFFF20]  }
0x209: {  	v6 =	vadd.f32 v6, v20;
	v7 =	vadd.f32 v7, v21;
	v19 =	vld [tilespmem:s20+$0xFFFFFF30]  }
0x20a: {  	v13 =	vadd.f32 v16, v15;
	v14 =	vadd.f32 v14, v12;
	v12 =	vld [tilespmem:s20+$0xFFFFFF50]  }
0x20b: {  	v15 =	vld [tilespmem:s20+$0xFFFFFFA0];
	v16 =	vadd.f32 v1, v6  }
0x20c: {  	v62 =	vadd.f32 v3, v7;
	v1 =	vld [tilespmem:s20+$0xFFFFFFB0];
	v13 =	vadd.f32 v17, v13  }
0x20d: {  	v63 =	vld [tilespmem:s20+$0xFFFFFFD0];
	v3 =	vadd.f32 v32, v8;
	v6 =	vadd.f32 v33, v9  }
0x20e: {  	v7 =	vadd.f32 v18, v10;
	v8 =	vadd.f32 v19, v11;
	v11 =	vld [tilespmem:s20+$0xFFFFFF40]  }
0x20f: {  	v17 =	vld [tilespmem:s20+$0xFFFFFFC0];
	v20 =	vadd.f32 v12, v62;
	v3 =	vadd.f32 v30, v3  }
0x210: {  	v18 =	vld [tilespmem:s20+$0xFFFFFF60];
	v6 =	vadd.f32 v31, v6;
	v7 =	vadd.f32 v15, v7  }
0x211: {  	v19 =	vld [tilespmem:s20+$0xFFFFFF70];
	v1 =	vadd.f32 v1, v8;
	v3 =	vadd.f32 v26, v3  }
0x212: {  	v10 =	vld [tilespmem:s20+$0xFFFFFFF0];
	v6 =	vadd.f32 v27, v6;
	v15 =	vadd.f32 v28, v7  }
0x213: {  	v8 =	vld [tilespmem:s20+$0xFFFFFFE0];
	v1 =	vadd.f32 v29, v1;
	v16 =	vadd.f32 v11, v16  }
0x214: {  	v9 =	vld [tilespmem:s20+$0x60];
	v7 =	vadd.f32 v22, v3;
	v6 =	vadd.f32 v23, v6  }
0x215: {  	v12 =	vld [tilespmem:s20+$0x70];
	v3 =	vadd.f32 v24, v15;
	v1 =	vadd.f32 v25, v1  }
0x216: {  	v11 =	vld [tilespmem:s20+$0xE0];
	v15 =	vadd.f32 v18, v14;
	v14 =	vadd.f32 v19, v13  }
0x217: {  	s19 =	simm.s32 $0x0;
	v13 =	vld [tilespmem:s20+$0xF0];
	s20 =	simm.s32 $0xC300;
	v17 =	vadd.f32 v17, v16;
	v16 =	vadd.f32 v63, v20  }
.LBB2_16:
0x218: {  	v18 =	vld [tilespmem:s20+$0x80];
	v8 =	vadd.f32 v8, v15;
	v10 =	vadd.f32 v10, v14  }
0x219: {  	v14 =	vld [tilespmem:s20+$0x90];
	v5 =	vadd.f32 v5, v17;
	v4 =	vadd.f32 v4, v16  }
0x21a: {  	v15 =	vld [tilespmem:s20+$0xA0];
	v8 =	vadd.f32 v9, v8;
	v9 =	vadd.f32 v12, v10  }
0x21b: {  	v12 =	vld [tilespmem:s20+$0xB0];
	v16 =	vadd.f32 v0, v5;
	v17 =	vadd.f32 v2, v4  }
0x21c: {  	v0 =	vld [tilespmem:s20+$0xC0];
	v11 =	vadd.f32 v11, v8;
	v13 =	vadd.f32 v13, v9  }
0x21d: {  	v2 =	vld [tilespmem:s20+$0xD0]  }
0x21e: {  	v8 =	vld [tilespmem:s20+$0x0]  }
0x21f: {  	v9 =	vld [tilespmem:s20+$0x10]  }
0x220: {  	v10 =	vld [tilespmem:s20+$0x20]  }
0x221: {  	v19 =	vld [tilespmem:s20+$0x30]  }
0x222: {  	v5 =	vld [tilespmem:s20+$0x40]  }
0x223: {  	v4 =	vld [tilespmem:s20+$0x50]  }
0x224: {  	v20 =	vld [tilespmem:s20+$0xFFFFFF80]  }
0x225: {  	v21 =	vld [tilespmem:s20+$0xFFFFFF90]  }
0x226: {  	v22 =	vld [tilespmem:s20+$0xFFFFFF00]  }
0x227: {  	v23 =	vld [tilespmem:s20+$0xFFFFFF10]  }
0x228: {  	v24 =	vld [tilespmem:s20+$0xFFFFFF20]  }
0x229: {  	v25 =	vld [tilespmem:s20+$0xFFFFFF30]  }
0x22a: {  	v26 =	vld [tilespmem:s20+$0xFFFFFFA0]  }
0x22b: {  	v27 =	vld [tilespmem:s20+$0xFFFFFFB0]  }
0x22c: {  	v28 =	vld [tilespmem:s20+$0xFFFFFFC0]  }
0x22d: {  	v7 =	vadd.f32 v22, v7;
	v6 =	vadd.f32 v23, v6;
	v22 =	vld [tilespmem:s20+$0xFFFFFFD0]  }
0x22e: {  	v3 =	vadd.f32 v24, v3;
	v1 =	vadd.f32 v25, v1;
	v23 =	vld [tilespmem:s20+$0xFFFFFF40]  }
0x22f: {  	v7 =	vadd.f32 v20, v7;
	v6 =	vadd.f32 v21, v6;
	v24 =	vld [tilespmem:s20+$0xFFFFFF50]  }
0x230: {  	v3 =	vadd.f32 v26, v3;
	v20 =	vld [tilespmem:s20+$0xFFFFFF60];
	v1 =	vadd.f32 v27, v1  }
0x231: {  	s19 =	sadd.s32 $0x4, s19;
	v7 =	vadd.f32 v8, v7;
	v6 =	vadd.f32 v9, v6;
	v21 =	vld [tilespmem:s20+$0xFFFFFF70]  }
0x232: {  	p0 =	slt.u32 s19, $0x17C;
	v3 =	vadd.f32 v10, v3;
	v8 =	vld [tilespmem:s20+$0xFFFFFFE0];
	v1 =	vadd.f32 v19, v1  }
.Ltmp7:
0x233: {  	v7 =	vadd.f32 v18, v7;
	v6 =	vadd.f32 v14, v6;
	v10 =	vld [tilespmem:s20+$0xFFFFFFF0];
	(pc) =	sbr.rel @p0 .LBB2_16-.Ltmp7, $4  }
0x234: {  	v3 =	vadd.f32 v15, v3;
	v9 =	vld [tilespmem:s20+$0x60];
	v1 =	vadd.f32 v12, v1  }
0x235: {  	v16 =	vadd.f32 v23, v16;
	v18 =	vadd.f32 v24, v17;
	v12 =	vld [tilespmem:s20+$0x70]  }
0x236: {  	v15 =	vadd.f32 v20, v11;
	v14 =	vadd.f32 v21, v13;
	v11 =	vld [tilespmem:s20+$0xE0]  }
0x237: {  	v17 =	vadd.f32 v28, v16;
	v16 =	vadd.f32 v22, v18;
	v13 =	vld [tilespmem:s20+$0xF0];
	s20 =	sadd.s32 $0x200, s20  }
0x238: {  	_ = 	snop  }
0x239: {  	v8 =	vadd.f32 v8, v15;
	[tilespmem:$0x18080] =	vst v7;
	v5 =	vadd.f32 v5, v17  }
0x23a: {  	v59 =	vadd.f32 v10, v14;
	[tilespmem:$0x18090] =	vst v6;
	v4 =	vadd.f32 v4, v16  }
0x23b: {  	[tilespmem:$0x180A0] =	vst v3;
	v60 =	vadd.f32 v9, v8;
	v0 =	vadd.f32 v0, v5  }
0x23c: {  	[tilespmem:$0x180B0] =	vst v1;
	v61 =	vadd.f32 v12, v59;
	v2 =	vadd.f32 v2, v4  }
0x23d: {  	v62 =	vadd.f32 v11, v60;
	[tilespmem:$0x180C0] =	vst v0  }
0x23e: {  	s18 =	sadd.s32 $0x1, s18;
	v63 =	vadd.f32 v13, v61;
	[tilespmem:$0x180D0] =	vst v2  }
0x23f: {  	p0 =	sne.s32 s18, s12;
	[tilespmem:$0x180E0] =	vst v62  }
.Ltmp8:
0x240: {  	[tilespmem:$0x180F0] =	vst v63;
	(pc) =	sbr.rel @p0 .LBB2_1-.Ltmp8, $4  }
0x241: {  	[hbm4b:s11+s2] =	stream.linear.scatter [tilespmem:s16], [sflag:$0x3], $0x100, $0x38;
	[tilespmem:$0x18100] =	vst v63  }
0x242: {  	_ =	swait.ge [sflag:s17], $0x100  }
0x243: {  	[sflag:s17] =	ssyncset.done $0x0  }
0x244: {  	[sflag:s17] =	ssyncadd.s32 $0xFFFFFF00  }
0x245: {  	_ =	sfence.sel $0x180000  }
0x246: {  	[bflag:$0x0] =	sbarrier.arrive $0xFFFF  }
0x247: {  	p0 =	sne.s32 s1, $0x0;
	_ =	strace $0x90000047  }
0x248: {  	s0 =	sadd.s32 @!p0 $0x100000, s0;
	[bflag:$0x2] =	sbarrier.arrive $0xFFFF  }
0x249: {  	[sflag:s0] =	ssyncadd.tile.s32 @!p0 $0x1;
	_ =	shalt  }
.Lfunc_end2:
_tile_overlayer_lowered:
.L_overlay_start_2:
0x24a: {  	(tag) =	ssettag $0x2  }
0x24b: {  	s0 =	rddreg [dreg:$0x0];
	s2 =	stileid.u32  }
0x24c: {  	s1 =	rddreg [dreg:$0x1];
	p0 =	sne.s32 s2, $0x0  }
0x24d: {  	s3 =	rddreg [dreg:$0x2];
	[bflag:$0x3] =	sbarrier.arrive $0xFFFF;
	s2 =	simm.s32 @!p0 $0x1C03  }
0x24e: {  	[timem:s3], [sflag:s2] =	dma.local @!p0 [hbm:s0], s1  }
0x24f: {  	s0 =	simm.s32 @!p0 $0x3  }
0x250: {  	_ =	swait.ge @!p0 [sflag:s0], s1  }
0x251: {  	s1 =	ssub.s32 @!p0 $0x0, s1;
	[sflag:s0] =	ssyncset.done @!p0 $0x0  }
0x252: {  	[sflag:s0] =	ssyncadd.s32 @!p0 s1  }
0x253: {  	[bflag:$0x3] =	sbarrier.arrive $0xFFFF  }
0x254: {  	_ =	shalt  }

</sc_bundles>
